<compile_context>
chip_gen: v7x
topology: tpu7x:2x2x1
jax: 0.10.2.dev20260603
libtpu: 0.0.44.dev20260713+nightly
codegen_flags: <defaults>
</compile_context>

<pallas_src>
import jax
import jax.numpy as jnp
from jax import lax
from jax.experimental import pallas as pl
from jax.experimental.pallas import tpu as pltpu
from jax.experimental.pallas import tpu_sc as plsc

T = 128
K = 8
E = 64
D = 1024
F = 1024
C = F // 2
E_A = 8
LANES = 16
NWORKERS = 32


def _coef_sc_body(ids_hbm, esc_hbm, out_hbm, ids_v, esc_v, acc_v):
    wid = lax.axis_index("s") * 2 + lax.axis_index("c")
    pltpu.sync_copy(ids_hbm, ids_v)
    pltpu.sync_copy(esc_hbm, esc_v)
    zeros = jnp.zeros((LANES,), jnp.float32)
    for i in range(2 * T // LANES):
        acc_v[pl.ds(i * LANES, LANES)] = zeros
    lane = jnp.arange(LANES, dtype=jnp.int32)
    e_base = wid * 2
    for c in range(T * K // LANES):
        iv = ids_v[pl.ds(c * LANES, LANES)]
        sv = esc_v[pl.ds(c * LANES, LANES)]
        t_vec = (c * LANES + lane) >> 3
        for j in range(2):
            mask = iv == (e_base + j)
            plsc.addupdate_scatter(acc_v, [t_vec + j * T], sv, mask=mask)
    pltpu.sync_copy(acc_v, out_hbm.at[pl.ds(e_base * T, 2 * T)])


_coef_sc = pl.kernel(
    _coef_sc_body,
    out_type=jax.ShapeDtypeStruct((E * T,), jnp.float32),
    mesh=plsc.VectorSubcoreMesh(core_axis_name="c", subcore_axis_name="s"),
    compiler_params=pltpu.CompilerParams(needs_layout_passes=False),
    scratch_types=[
        pltpu.VMEM((T * K,), jnp.int32),
        pltpu.VMEM((T * K,), jnp.float32),
        pltpu.VMEM((2 * T,), jnp.float32),
    ],
)


def _expert_ffn(x, e, w1g0_ref, w1g1_ref, w1u0_ref, w1u1_ref, s1_ref,
                w2a_ref, w2b_ref, s2_ref, smooth_ref):
    s1 = s1_ref[0]
    smooth = smooth_ref[0]
    g0 = jnp.dot(x, w1g0_ref[0], preferred_element_type=jnp.float32)
    g1 = jnp.dot(x, w1g1_ref[0], preferred_element_type=jnp.float32)
    u0 = jnp.dot(x, w1u0_ref[0], preferred_element_type=jnp.float32)
    u1 = jnp.dot(x, w1u1_ref[0], preferred_element_type=jnp.float32)
    gate0 = g0 * s1[:, 0:C]
    gate1 = g1 * s1[:, C:F]
    up0 = u0 * s1[:, F:F + C]
    up1 = u1 * s1[:, F + C:]
    act0 = (gate0 * jax.nn.sigmoid(gate0)) * up0 * smooth[:, 0:C]
    act1 = (gate1 * jax.nn.sigmoid(gate1)) * up1 * smooth[:, C:]
    y = jnp.dot(act0, w2a_ref[0], preferred_element_type=jnp.float32)
    y = y + jnp.dot(act1, w2b_ref[0], preferred_element_type=jnp.float32)
    return y * s2_ref[0]


def _moe_a_body(x_ref, ids_ref, escale_ref, w1g0_ref, w1g1_ref, w1u0_ref,
                w1u1_ref, s1_ref, w2a_ref, w2b_ref, s2_ref, smooth_ref,
                out_ref):
    e = pl.program_id(0)
    y = _expert_ffn(x_ref[...], e, w1g0_ref, w1g1_ref, w1u0_ref, w1u1_ref,
                    s1_ref, w2a_ref, w2b_ref, s2_ref, smooth_ref)
    coef = jnp.sum(
        jnp.where(ids_ref[...] == e, escale_ref[...], 0.0), axis=1)
    contrib = coef[:, None] * y

    @pl.when(e == 0)
    def _init():
        out_ref[...] = contrib

    @pl.when(e != 0)
    def _acc():
        out_ref[...] += contrib


def _moe_b_body(x_ref, coef_ref, part_ref, w1g0_ref, w1g1_ref, w1u0_ref,
                w1u1_ref, s1_ref, w2a_ref, w2b_ref, s2_ref, smooth_ref,
                out_ref):
    i = pl.program_id(0)
    y = _expert_ffn(x_ref[...], i, w1g0_ref, w1g1_ref, w1u0_ref, w1u1_ref,
                    s1_ref, w2a_ref, w2b_ref, s2_ref, smooth_ref)
    contrib = coef_ref[0] * y

    @pl.when(i == 0)
    def _init():
        out_ref[...] = part_ref[...] + contrib

    @pl.when(i != 0)
    def _acc():
        out_ref[...] += contrib


def _weight_specs(shift):
    return [
        pl.BlockSpec((1, D, C), lambda e: (e + shift, 0, 0)),
        pl.BlockSpec((1, D, C), lambda e: (e + shift, 0, 1)),
        pl.BlockSpec((1, D, C), lambda e: (e + shift, 0, 2)),
        pl.BlockSpec((1, D, C), lambda e: (e + shift, 0, 3)),
        pl.BlockSpec((1, 1, 2 * F), lambda e: (e + shift, 0, 0)),
        pl.BlockSpec((1, C, D), lambda e: (e + shift, 0, 0)),
        pl.BlockSpec((1, C, D), lambda e: (e + shift, 1, 0)),
        pl.BlockSpec((1, 1, D), lambda e: (e + shift, 0, 0)),
        pl.BlockSpec((1, 1, F), lambda e: (e + shift, 0, 0)),
    ]


def kernel(x, expert_ids, gmm1_weight, gmm1_weight_scale, gmm2_weight,
           gmm2_weight_scale, smooth_scales, expert_scales):
    coef = _coef_sc(expert_ids.reshape(T * K), expert_scales.reshape(T * K))
    coef = coef.reshape(E, T, 1)
    weights = (gmm1_weight, gmm1_weight, gmm1_weight, gmm1_weight,
               gmm1_weight_scale[:, None, :], gmm2_weight, gmm2_weight,
               gmm2_weight_scale[:, None, :], smooth_scales[:, None, :])

    partial = pl.pallas_call(
        _moe_a_body,
        grid=(E_A,),
        in_specs=[
            pl.BlockSpec((T, D), lambda e: (0, 0)),
            pl.BlockSpec((T, K), lambda e: (0, 0)),
            pl.BlockSpec((T, K), lambda e: (0, 0)),
        ] + _weight_specs(0),
        out_specs=pl.BlockSpec((T, D), lambda e: (0, 0)),
        out_shape=jax.ShapeDtypeStruct((T, D), jnp.float32),
    )(x, expert_ids, expert_scales, *weights)

    return pl.pallas_call(
        _moe_b_body,
        grid=(E - E_A,),
        in_specs=[
            pl.BlockSpec((T, D), lambda e: (0, 0)),
            pl.BlockSpec((1, T, 1), lambda e: (e + E_A, 0, 0)),
            pl.BlockSpec((T, D), lambda e: (0, 0)),
        ] + _weight_specs(E_A),
        out_specs=pl.BlockSpec((T, D), lambda e: (0, 0)),
        out_shape=jax.ShapeDtypeStruct((T, D), jnp.float32),
    )(x, coef, partial, *weights)

# --- scband reference (transcript-rebuilt; emitter-appended) ---
"""Pipeline reference for scband-fusion-op-47090021433860 (READ-ONLY COPY).

The authoritative reference and input builder live on the scoring server;
editing this copy changes nothing except your own understanding.
"""

import jax, jax.numpy as jnp
import numpy as np

T = 128      # decode tokens = RANK_BS * ep_world_size
K = 8        # top_k experts per token
E = 64       # MOE_EXPERT_NUM
D = 1024     # d_model
F = 1024     # d_ff (gmm1 produces 2*F for SwiGLU gate/up)


def setup_inputs(seed: int = 0) -> dict:
    key = jax.random.key(seed)
    ks = jax.random.split(key, 8)
    x = jax.random.normal(ks[0], (T, D), dtype=jnp.float32)
    expert_ids = jax.random.randint(ks[1], (T, K), 0, E)
    gmm1_weight = jax.random.normal(ks[2], (E, D, 2 * F), dtype=jnp.float32) * 0.02
    gmm1_weight_scale = jax.random.uniform(ks[3], (E, 2 * F), dtype=jnp.float32, minval=0.5, maxval=1.5)
    gmm2_weight = jax.random.normal(ks[4], (E, F, D), dtype=jnp.float32) * 0.02
    gmm2_weight_scale = jax.random.uniform(ks[5], (E, D), dtype=jnp.float32, minval=0.5, maxval=1.5)
    smooth_scales = jax.random.uniform(ks[6], (E, F), dtype=jnp.float32, minval=0.5, maxval=1.5)
    expert_scales = jax.nn.softmax(jax.random.normal(ks[7], (T, K), dtype=jnp.float32), axis=-1)
    return {
        "x": x,
        "expert_ids": expert_ids,
        "gmm1_weight": gmm1_weight,
        "gmm1_weight_scale": gmm1_weight_scale,
        "gmm2_weight": gmm2_weight,
        "gmm2_weight_scale": gmm2_weight_scale,
        "smooth_scales": smooth_scales,
        "expert_scales": expert_scales,
    }


def reference(x, expert_ids, gmm1_weight, gmm1_weight_scale, gmm2_weight,
              gmm2_weight_scale, smooth_scales, expert_scales):
    # dispatch_gmm_combine_decode: dispatch tokens to experts, grouped matmul 1
    # (quant-dequant via per-channel weight scale), SwiGLU activation, smooth
    # scaling before gmm2 quantization, grouped matmul 2 (dequant via scale),
    # then combine top-k expert outputs weighted by expert_scales.
    # Dense-equivalent reference: run every token through every expert, then
    # gather the selected (token, expert) outputs.
    h = jnp.einsum('td,edf->etf', x, gmm1_weight) * gmm1_weight_scale[:, None, :]
    gate, up = jnp.split(h, 2, axis=-1)
    act = jax.nn.silu(gate) * up
    act = act * smooth_scales[:, None, :]
    y = jnp.einsum('etf,efd->etd', act, gmm2_weight) * gmm2_weight_scale[:, None, :]
    t_idx = jnp.arange(x.shape[0])
    y_sel = y[expert_ids, t_idx[:, None], :]          # [T, K, D] gather
    out = jnp.sum(expert_scales[:, :, None] * y_sel, axis=1)  # combine
    return out

if __name__ == "__main__":
    import jax
    _d = setup_inputs()
    print(jax.jit(kernel)(*tuple(_d.values())))

</pallas_src>

<mosaic_0001>
#map = affine_map<(d0, d1) -> (0)>
module attributes {stable_mosaic.version = 14 : i64} {
  func.func @_coef_sc_body(%arg0: i32, %arg1: i32, %arg2: memref<1024xi32, #tpu.memory_space<hbm>>, %arg3: memref<1024xf32, #tpu.memory_space<hbm>>, %arg4: memref<8192xf32, #tpu.memory_space<hbm>>, %arg5: memref<1024xi32, #tpu.memory_space<vmem>>, %arg6: memref<1024xf32, #tpu.memory_space<vmem>>, %arg7: memref<256xf32, #tpu.memory_space<vmem>>) attributes {dimension_semantics = [#tpu.dimension_semantics<core_parallel>, #tpu.dimension_semantics<subcore_parallel>], iteration_bounds = array<i64: 2, 16>, scalar_prefetch = 0 : i64, scratch_operands = 3 : i64, tpu.core_type = #tpu.core_type<sc_vector_subcore>, window_params = [{transform_indices = #map}, {transform_indices = #map}, {transform_indices = #map}]} {
    %mul3A = arith.constant 2 : i32
    %mul3A_0 = arith.muli %arg1, %mul3A : i32
    %add3A = arith.addi %mul3A_0, %arg0 : i32
    "tpu.region"() ({
      %run_scoped3A = tpu.sem_alloc : memref<!tpu.dma_semaphore, #tpu.memory_space<semaphore_mem>>
      tpu.enqueue_dma source(%arg2 : memref<1024xi32, #tpu.memory_space<hbm>>) target(%arg5 : memref<1024xi32, #tpu.memory_space<vmem>>) target_semaphore(%run_scoped3A : memref<!tpu.dma_semaphore, #tpu.memory_space<semaphore_mem>>)
      tpu.wait_dma2 semaphore(%run_scoped3A : memref<!tpu.dma_semaphore, #tpu.memory_space<semaphore_mem>>) src(%arg2 : memref<1024xi32, #tpu.memory_space<hbm>>) dst(%arg5 : memref<1024xi32, #tpu.memory_space<vmem>>)
      tpu.yield
    }) : () -> ()
    "tpu.region"() ({
      %run_scoped3A = tpu.sem_alloc : memref<!tpu.dma_semaphore, #tpu.memory_space<semaphore_mem>>
      tpu.enqueue_dma source(%arg3 : memref<1024xf32, #tpu.memory_space<hbm>>) target(%arg6 : memref<1024xf32, #tpu.memory_space<vmem>>) target_semaphore(%run_scoped3A : memref<!tpu.dma_semaphore, #tpu.memory_space<semaphore_mem>>)
      tpu.wait_dma2 semaphore(%run_scoped3A : memref<!tpu.dma_semaphore, #tpu.memory_space<semaphore_mem>>) src(%arg3 : memref<1024xf32, #tpu.memory_space<hbm>>) dst(%arg6 : memref<1024xf32, #tpu.memory_space<vmem>>)
      tpu.yield
    }) : () -> ()
    %broadcast_in_dim3A = arith.constant 0.000000e+00 : f32
    %broadcast_in_dim3A_1 = vector.broadcast %broadcast_in_dim3A : f32 to vector<16xf32>
    %swap3A = arith.constant 0 : index
    %swap3A_2 = tpu.vector_load %arg7[%swap3A] {strides = array<i32>} : memref<256xf32, #tpu.memory_space<vmem>>, vector<16xf32>,
    tpu.vector_store %arg7[%swap3A], %broadcast_in_dim3A_1 {strides = array<i32>} : memref<256xf32, #tpu.memory_space<vmem>>, vector<16xf32>,
    %swap3A_3 = arith.constant 16 : index
    %swap3A_4 = tpu.vector_load %arg7[%swap3A_3] {strides = array<i32>} : memref<256xf32, #tpu.memory_space<vmem>>, vector<16xf32>,
    tpu.vector_store %arg7[%swap3A_3], %broadcast_in_dim3A_1 {strides = array<i32>} : memref<256xf32, #tpu.memory_space<vmem>>, vector<16xf32>,
    %swap3A_5 = arith.constant 32 : index
    %swap3A_6 = tpu.vector_load %arg7[%swap3A_5] {strides = array<i32>} : memref<256xf32, #tpu.memory_space<vmem>>, vector<16xf32>,
    tpu.vector_store %arg7[%swap3A_5], %broadcast_in_dim3A_1 {strides = array<i32>} : memref<256xf32, #tpu.memory_space<vmem>>, vector<16xf32>,
    %swap3A_7 = arith.constant 48 : index
    %swap3A_8 = tpu.vector_load %arg7[%swap3A_7] {strides = array<i32>} : memref<256xf32, #tpu.memory_space<vmem>>, vector<16xf32>,
    tpu.vector_store %arg7[%swap3A_7], %broadcast_in_dim3A_1 {strides = array<i32>} : memref<256xf32, #tpu.memory_space<vmem>>, vector<16xf32>,
    %swap3A_9 = arith.constant 64 : index
    %swap3A_10 = tpu.vector_load %arg7[%swap3A_9] {strides = array<i32>} : memref<256xf32, #tpu.memory_space<vmem>>, vector<16xf32>,
    tpu.vector_store %arg7[%swap3A_9], %broadcast_in_dim3A_1 {strides = array<i32>} : memref<256xf32, #tpu.memory_space<vmem>>, vector<16xf32>,
    %swap3A_11 = arith.constant 80 : index
    %swap3A_12 = tpu.vector_load %arg7[%swap3A_11] {strides = array<i32>} : memref<256xf32, #tpu.memory_space<vmem>>, vector<16xf32>,
    tpu.vector_store %arg7[%swap3A_11], %broadcast_in_dim3A_1 {strides = array<i32>} : memref<256xf32, #tpu.memory_space<vmem>>, vector<16xf32>,
    %swap3A_13 = arith.constant 96 : index
    %swap3A_14 = tpu.vector_load %arg7[%swap3A_13] {strides = array<i32>} : memref<256xf32, #tpu.memory_space<vmem>>, vector<16xf32>,
    tpu.vector_store %arg7[%swap3A_13], %broadcast_in_dim3A_1 {strides = array<i32>} : memref<256xf32, #tpu.memory_space<vmem>>, vector<16xf32>,
    %swap3A_15 = arith.constant 112 : index
    %swap3A_16 = tpu.vector_load %arg7[%swap3A_15] {strides = array<i32>} : memref<256xf32, #tpu.memory_space<vmem>>, vector<16xf32>,
    tpu.vector_store %arg7[%swap3A_15], %broadcast_in_dim3A_1 {strides = array<i32>} : memref<256xf32, #tpu.memory_space<vmem>>, vector<16xf32>,
    %swap3A_17 = arith.constant 128 : index
    %swap3A_18 = tpu.vector_load %arg7[%swap3A_17] {strides = array<i32>} : memref<256xf32, #tpu.memory_space<vmem>>, vector<16xf32>,
    tpu.vector_store %arg7[%swap3A_17], %broadcast_in_dim3A_1 {strides = array<i32>} : memref<256xf32, #tpu.memory_space<vmem>>, vector<16xf32>,
    %swap3A_19 = arith.constant 144 : index
    %swap3A_20 = tpu.vector_load %arg7[%swap3A_19] {strides = array<i32>} : memref<256xf32, #tpu.memory_space<vmem>>, vector<16xf32>,
    tpu.vector_store %arg7[%swap3A_19], %broadcast_in_dim3A_1 {strides = array<i32>} : memref<256xf32, #tpu.memory_space<vmem>>, vector<16xf32>,
    %swap3A_21 = arith.constant 160 : index
    %swap3A_22 = tpu.vector_load %arg7[%swap3A_21] {strides = array<i32>} : memref<256xf32, #tpu.memory_space<vmem>>, vector<16xf32>,
    tpu.vector_store %arg7[%swap3A_21], %broadcast_in_dim3A_1 {strides = array<i32>} : memref<256xf32, #tpu.memory_space<vmem>>, vector<16xf32>,
    %swap3A_23 = arith.constant 176 : index
    %swap3A_24 = tpu.vector_load %arg7[%swap3A_23] {strides = array<i32>} : memref<256xf32, #tpu.memory_space<vmem>>, vector<16xf32>,
    tpu.vector_store %arg7[%swap3A_23], %broadcast_in_dim3A_1 {strides = array<i32>} : memref<256xf32, #tpu.memory_space<vmem>>, vector<16xf32>,
    %swap3A_25 = arith.constant 192 : index
    %swap3A_26 = tpu.vector_load %arg7[%swap3A_25] {strides = array<i32>} : memref<256xf32, #tpu.memory_space<vmem>>, vector<16xf32>,
    tpu.vector_store %arg7[%swap3A_25], %broadcast_in_dim3A_1 {strides = array<i32>} : memref<256xf32, #tpu.memory_space<vmem>>, vector<16xf32>,
    %swap3A_27 = arith.constant 208 : index
    %swap3A_28 = tpu.vector_load %arg7[%swap3A_27] {strides = array<i32>} : memref<256xf32, #tpu.memory_space<vmem>>, vector<16xf32>,
    tpu.vector_store %arg7[%swap3A_27], %broadcast_in_dim3A_1 {strides = array<i32>} : memref<256xf32, #tpu.memory_space<vmem>>, vector<16xf32>,
    %swap3A_29 = arith.constant 224 : index
    %swap3A_30 = tpu.vector_load %arg7[%swap3A_29] {strides = array<i32>} : memref<256xf32, #tpu.memory_space<vmem>>, vector<16xf32>,
    tpu.vector_store %arg7[%swap3A_29], %broadcast_in_dim3A_1 {strides = array<i32>} : memref<256xf32, #tpu.memory_space<vmem>>, vector<16xf32>,
    %swap3A_31 = arith.constant 240 : index
    %swap3A_32 = tpu.vector_load %arg7[%swap3A_31] {strides = array<i32>} : memref<256xf32, #tpu.memory_space<vmem>>, vector<16xf32>,
    tpu.vector_store %arg7[%swap3A_31], %broadcast_in_dim3A_1 {strides = array<i32>} : memref<256xf32, #tpu.memory_space<vmem>>, vector<16xf32>,
    %iota3A = tpu.iota {dimensions = array<i32: 0>} : vector<16xi32>
    %mul3A_33 = arith.constant 2 : i32
    %mul3A_34 = arith.muli %add3A, %mul3A_33 : i32
    %get3A = arith.constant 0 : index
    %get3A_35 = tpu.vector_load %arg5[%get3A] {strides = array<i32>} : memref<1024xi32, #tpu.memory_space<vmem>>, vector<16xi32>,
    %get3A_36 = arith.constant 0 : index
    %get3A_37 = tpu.vector_load %arg6[%get3A_36] {strides = array<i32>} : memref<1024xf32, #tpu.memory_space<vmem>>, vector<16xf32>,
    %add3A_38 = arith.constant 0 : i32
    %add3A_39 = vector.broadcast %add3A_38 : i32 to vector<16xi32>
    %add3A_40 = arith.addi %add3A_39, %iota3A : vector<16xi32>
    %shift_right_arithmetic3A = arith.constant 3 : i32
    %shift_right_arithmetic3A_41 = vector.broadcast %shift_right_arithmetic3A : i32 to vector<16xi32>
    %shift_right_arithmetic3A_42 = arith.shrsi %add3A_40, %shift_right_arithmetic3A_41 : vector<16xi32>
    %add3A_43 = arith.constant 0 : i32
    %add3A_44 = arith.addi %mul3A_34, %add3A_43 : i32
    %eq3A = vector.broadcast %add3A_44 : i32 to vector<16xi32>
    %eq3A_45 = arith.cmpi eq, %get3A_35, %eq3A : vector<16xi32>
    %add3A_46 = arith.constant 0 : i32
    %add3A_47 = vector.broadcast %add3A_46 : i32 to vector<16xi32>
    %add3A_48 = arith.addi %shift_right_arithmetic3A_42, %add3A_47 : vector<16xi32>
    tpu.vector_store_idx %arg7[%add3A_48], %get3A_37 masked %eq3A_45 {add = true} : memref<256xf32, #tpu.memory_space<vmem>>[vector<16xi32>], vector<16xf32>, vector<16xi1>
    %add3A_49 = arith.constant 1 : i32
    %add3A_50 = arith.addi %mul3A_34, %add3A_49 : i32
    %eq3A_51 = vector.broadcast %add3A_50 : i32 to vector<16xi32>
    %eq3A_52 = arith.cmpi eq, %get3A_35, %eq3A_51 : vector<16xi32>
    %add3A_53 = arith.constant 128 : i32
    %add3A_54 = vector.broadcast %add3A_53 : i32 to vector<16xi32>
    %add3A_55 = arith.addi %shift_right_arithmetic3A_42, %add3A_54 : vector<16xi32>
    tpu.vector_store_idx %arg7[%add3A_55], %get3A_37 masked %eq3A_52 {add = true} : memref<256xf32, #tpu.memory_space<vmem>>[vector<16xi32>], vector<16xf32>, vector<16xi1>
    %get3A_56 = arith.constant 16 : index
    %get3A_57 = tpu.vector_load %arg5[%get3A_56] {strides = array<i32>} : memref<1024xi32, #tpu.memory_space<vmem>>, vector<16xi32>,
    %get3A_58 = arith.constant 16 : index
    %get3A_59 = tpu.vector_load %arg6[%get3A_58] {strides = array<i32>} : memref<1024xf32, #tpu.memory_space<vmem>>, vector<16xf32>,
    %add3A_60 = arith.constant 16 : i32
    %add3A_61 = vector.broadcast %add3A_60 : i32 to vector<16xi32>
    %add3A_62 = arith.addi %add3A_61, %iota3A : vector<16xi32>
    %shift_right_arithmetic3A_63 = arith.constant 3 : i32
    %shift_right_arithmetic3A_64 = vector.broadcast %shift_right_arithmetic3A_63 : i32 to vector<16xi32>
    %shift_right_arithmetic3A_65 = arith.shrsi %add3A_62, %shift_right_arithmetic3A_64 : vector<16xi32>
    %add3A_66 = arith.constant 0 : i32
    %add3A_67 = arith.addi %mul3A_34, %add3A_66 : i32
    %eq3A_68 = vector.broadcast %add3A_67 : i32 to vector<16xi32>
    %eq3A_69 = arith.cmpi eq, %get3A_57, %eq3A_68 : vector<16xi32>
    %add3A_70 = arith.constant 0 : i32
    %add3A_71 = vector.broadcast %add3A_70 : i32 to vector<16xi32>
    %add3A_72 = arith.addi %shift_right_arithmetic3A_65, %add3A_71 : vector<16xi32>
    tpu.vector_store_idx %arg7[%add3A_72], %get3A_59 masked %eq3A_69 {add = true} : memref<256xf32, #tpu.memory_space<vmem>>[vector<16xi32>], vector<16xf32>, vector<16xi1>
    %add3A_73 = arith.constant 1 : i32
    %add3A_74 = arith.addi %mul3A_34, %add3A_73 : i32
    %eq3A_75 = vector.broadcast %add3A_74 : i32 to vector<16xi32>
    %eq3A_76 = arith.cmpi eq, %get3A_57, %eq3A_75 : vector<16xi32>
    %add3A_77 = arith.constant 128 : i32
    %add3A_78 = vector.broadcast %add3A_77 : i32 to vector<16xi32>
    %add3A_79 = arith.addi %shift_right_arithmetic3A_65, %add3A_78 : vector<16xi32>
    tpu.vector_store_idx %arg7[%add3A_79], %get3A_59 masked %eq3A_76 {add = true} : memref<256xf32, #tpu.memory_space<vmem>>[vector<16xi32>], vector<16xf32>, vector<16xi1>
    %get3A_80 = arith.constant 32 : index
    %get3A_81 = tpu.vector_load %arg5[%get3A_80] {strides = array<i32>} : memref<1024xi32, #tpu.memory_space<vmem>>, vector<16xi32>,
    %get3A_82 = arith.constant 32 : index
    %get3A_83 = tpu.vector_load %arg6[%get3A_82] {strides = array<i32>} : memref<1024xf32, #tpu.memory_space<vmem>>, vector<16xf32>,
    %add3A_84 = arith.constant 32 : i32
    %add3A_85 = vector.broadcast %add3A_84 : i32 to vector<16xi32>
    %add3A_86 = arith.addi %add3A_85, %iota3A : vector<16xi32>
    %shift_right_arithmetic3A_87 = arith.constant 3 : i32
    %shift_right_arithmetic3A_88 = vector.broadcast %shift_right_arithmetic3A_87 : i32 to vector<16xi32>
    %shift_right_arithmetic3A_89 = arith.shrsi %add3A_86, %shift_right_arithmetic3A_88 : vector<16xi32>
    %add3A_90 = arith.constant 0 : i32
    %add3A_91 = arith.addi %mul3A_34, %add3A_90 : i32
    %eq3A_92 = vector.broadcast %add3A_91 : i32 to vector<16xi32>
    %eq3A_93 = arith.cmpi eq, %get3A_81, %eq3A_92 : vector<16xi32>
    %add3A_94 = arith.constant 0 : i32
    %add3A_95 = vector.broadcast %add3A_94 : i32 to vector<16xi32>
    %add3A_96 = arith.addi %shift_right_arithmetic3A_89, %add3A_95 : vector<16xi32>
    tpu.vector_store_idx %arg7[%add3A_96], %get3A_83 masked %eq3A_93 {add = true} : memref<256xf32, #tpu.memory_space<vmem>>[vector<16xi32>], vector<16xf32>, vector<16xi1>
    %add3A_97 = arith.constant 1 : i32
    %add3A_98 = arith.addi %mul3A_34, %add3A_97 : i32
    %eq3A_99 = vector.broadcast %add3A_98 : i32 to vector<16xi32>
    %eq3A_100 = arith.cmpi eq, %get3A_81, %eq3A_99 : vector<16xi32>
    %add3A_101 = arith.constant 128 : i32
    %add3A_102 = vector.broadcast %add3A_101 : i32 to vector<16xi32>
    %add3A_103 = arith.addi %shift_right_arithmetic3A_89, %add3A_102 : vector<16xi32>
    tpu.vector_store_idx %arg7[%add3A_103], %get3A_83 masked %eq3A_100 {add = true} : memref<256xf32, #tpu.memory_space<vmem>>[vector<16xi32>], vector<16xf32>, vector<16xi1>
    %get3A_104 = arith.constant 48 : index
    %get3A_105 = tpu.vector_load %arg5[%get3A_104] {strides = array<i32>} : memref<1024xi32, #tpu.memory_space<vmem>>, vector<16xi32>,
    %get3A_106 = arith.constant 48 : index
    %get3A_107 = tpu.vector_load %arg6[%get3A_106] {strides = array<i32>} : memref<1024xf32, #tpu.memory_space<vmem>>, vector<16xf32>,
    %add3A_108 = arith.constant 48 : i32
    %add3A_109 = vector.broadcast %add3A_108 : i32 to vector<16xi32>
    %add3A_110 = arith.addi %add3A_109, %iota3A : vector<16xi32>
    %shift_right_arithmetic3A_111 = arith.constant 3 : i32
    %shift_right_arithmetic3A_112 = vector.broadcast %shift_right_arithmetic3A_111 : i32 to vector<16xi32>
    %shift_right_arithmetic3A_113 = arith.shrsi %add3A_110, %shift_right_arithmetic3A_112 : vector<16xi32>
    %add3A_114 = arith.constant 0 : i32
    %add3A_115 = arith.addi %mul3A_34, %add3A_114 : i32
    %eq3A_116 = vector.broadcast %add3A_115 : i32 to vector<16xi32>
    %eq3A_117 = arith.cmpi eq, %get3A_105, %eq3A_116 : vector<16xi32>
    %add3A_118 = arith.constant 0 : i32
    %add3A_119 = vector.broadcast %add3A_118 : i32 to vector<16xi32>
    %add3A_120 = arith.addi %shift_right_arithmetic3A_113, %add3A_119 : vector<16xi32>
    tpu.vector_store_idx %arg7[%add3A_120], %get3A_107 masked %eq3A_117 {add = true} : memref<256xf32, #tpu.memory_space<vmem>>[vector<16xi32>], vector<16xf32>, vector<16xi1>
    %add3A_121 = arith.constant 1 : i32
    %add3A_122 = arith.addi %mul3A_34, %add3A_121 : i32
    %eq3A_123 = vector.broadcast %add3A_122 : i32 to vector<16xi32>
    %eq3A_124 = arith.cmpi eq, %get3A_105, %eq3A_123 : vector<16xi32>
    %add3A_125 = arith.constant 128 : i32
    %add3A_126 = vector.broadcast %add3A_125 : i32 to vector<16xi32>
    %add3A_127 = arith.addi %shift_right_arithmetic3A_113, %add3A_126 : vector<16xi32>
    tpu.vector_store_idx %arg7[%add3A_127], %get3A_107 masked %eq3A_124 {add = true} : memref<256xf32, #tpu.memory_space<vmem>>[vector<16xi32>], vector<16xf32>, vector<16xi1>
    %get3A_128 = arith.constant 64 : index
    %get3A_129 = tpu.vector_load %arg5[%get3A_128] {strides = array<i32>} : memref<1024xi32, #tpu.memory_space<vmem>>, vector<16xi32>,
    %get3A_130 = arith.constant 64 : index
    %get3A_131 = tpu.vector_load %arg6[%get3A_130] {strides = array<i32>} : memref<1024xf32, #tpu.memory_space<vmem>>, vector<16xf32>,
    %add3A_132 = arith.constant 64 : i32
    %add3A_133 = vector.broadcast %add3A_132 : i32 to vector<16xi32>
    %add3A_134 = arith.addi %add3A_133, %iota3A : vector<16xi32>
    %shift_right_arithmetic3A_135 = arith.constant 3 : i32
    %shift_right_arithmetic3A_136 = vector.broadcast %shift_right_arithmetic3A_135 : i32 to vector<16xi32>
    %shift_right_arithmetic3A_137 = arith.shrsi %add3A_134, %shift_right_arithmetic3A_136 : vector<16xi32>
    %add3A_138 = arith.constant 0 : i32
    %add3A_139 = arith.addi %mul3A_34, %add3A_138 : i32
    %eq3A_140 = vector.broadcast %add3A_139 : i32 to vector<16xi32>
    %eq3A_141 = arith.cmpi eq, %get3A_129, %eq3A_140 : vector<16xi32>
    %add3A_142 = arith.constant 0 : i32
    %add3A_143 = vector.broadcast %add3A_142 : i32 to vector<16xi32>
    %add3A_144 = arith.addi %shift_right_arithmetic3A_137, %add3A_143 : vector<16xi32>
    tpu.vector_store_idx %arg7[%add3A_144], %get3A_131 masked %eq3A_141 {add = true} : memref<256xf32, #tpu.memory_space<vmem>>[vector<16xi32>], vector<16xf32>, vector<16xi1>
    %add3A_145 = arith.constant 1 : i32
    %add3A_146 = arith.addi %mul3A_34, %add3A_145 : i32
    %eq3A_147 = vector.broadcast %add3A_146 : i32 to vector<16xi32>
    %eq3A_148 = arith.cmpi eq, %get3A_129, %eq3A_147 : vector<16xi32>
    %add3A_149 = arith.constant 128 : i32
    %add3A_150 = vector.broadcast %add3A_149 : i32 to vector<16xi32>
    %add3A_151 = arith.addi %shift_right_arithmetic3A_137, %add3A_150 : vector<16xi32>
    tpu.vector_store_idx %arg7[%add3A_151], %get3A_131 masked %eq3A_148 {add = true} : memref<256xf32, #tpu.memory_space<vmem>>[vector<16xi32>], vector<16xf32>, vector<16xi1>
    %get3A_152 = arith.constant 80 : index
    %get3A_153 = tpu.vector_load %arg5[%get3A_152] {strides = array<i32>} : memref<1024xi32, #tpu.memory_space<vmem>>, vector<16xi32>,
    %get3A_154 = arith.constant 80 : index
    %get3A_155 = tpu.vector_load %arg6[%get3A_154] {strides = array<i32>} : memref<1024xf32, #tpu.memory_space<vmem>>, vector<16xf32>,
    %add3A_156 = arith.constant 80 : i32
    %add3A_157 = vector.broadcast %add3A_156 : i32 to vector<16xi32>
    %add3A_158 = arith.addi %add3A_157, %iota3A : vector<16xi32>
    %shift_right_arithmetic3A_159 = arith.constant 3 : i32
    %shift_right_arithmetic3A_160 = vector.broadcast %shift_right_arithmetic3A_159 : i32 to vector<16xi32>
    %shift_right_arithmetic3A_161 = arith.shrsi %add3A_158, %shift_right_arithmetic3A_160 : vector<16xi32>
    %add3A_162 = arith.constant 0 : i32
    %add3A_163 = arith.addi %mul3A_34, %add3A_162 : i32
    %eq3A_164 = vector.broadcast %add3A_163 : i32 to vector<16xi32>
    %eq3A_165 = arith.cmpi eq, %get3A_153, %eq3A_164 : vector<16xi32>
    %add3A_166 = arith.constant 0 : i32
    %add3A_167 = vector.broadcast %add3A_166 : i32 to vector<16xi32>
    %add3A_168 = arith.addi %shift_right_arithmetic3A_161, %add3A_167 : vector<16xi32>
    tpu.vector_store_idx %arg7[%add3A_168], %get3A_155 masked %eq3A_165 {add = true} : memref<256xf32, #tpu.memory_space<vmem>>[vector<16xi32>], vector<16xf32>, vector<16xi1>
    %add3A_169 = arith.constant 1 : i32
    %add3A_170 = arith.addi %mul3A_34, %add3A_169 : i32
    %eq3A_171 = vector.broadcast %add3A_170 : i32 to vector<16xi32>
    %eq3A_172 = arith.cmpi eq, %get3A_153, %eq3A_171 : vector<16xi32>
    %add3A_173 = arith.constant 128 : i32
    %add3A_174 = vector.broadcast %add3A_173 : i32 to vector<16xi32>
    %add3A_175 = arith.addi %shift_right_arithmetic3A_161, %add3A_174 : vector<16xi32>
    tpu.vector_store_idx %arg7[%add3A_175], %get3A_155 masked %eq3A_172 {add = true} : memref<256xf32, #tpu.memory_space<vmem>>[vector<16xi32>], vector<16xf32>, vector<16xi1>
    %get3A_176 = arith.constant 96 : index
    %get3A_177 = tpu.vector_load %arg5[%get3A_176] {strides = array<i32>} : memref<1024xi32, #tpu.memory_space<vmem>>, vector<16xi32>,
    %get3A_178 = arith.constant 96 : index
    %get3A_179 = tpu.vector_load %arg6[%get3A_178] {strides = array<i32>} : memref<1024xf32, #tpu.memory_space<vmem>>, vector<16xf32>,
    %add3A_180 = arith.constant 96 : i32
    %add3A_181 = vector.broadcast %add3A_180 : i32 to vector<16xi32>
    %add3A_182 = arith.addi %add3A_181, %iota3A : vector<16xi32>
    %shift_right_arithmetic3A_183 = arith.constant 3 : i32
    %shift_right_arithmetic3A_184 = vector.broadcast %shift_right_arithmetic3A_183 : i32 to vector<16xi32>
    %shift_right_arithmetic3A_185 = arith.shrsi %add3A_182, %shift_right_arithmetic3A_184 : vector<16xi32>
    %add3A_186 = arith.constant 0 : i32
    %add3A_187 = arith.addi %mul3A_34, %add3A_186 : i32
    %eq3A_188 = vector.broadcast %add3A_187 : i32 to vector<16xi32>
    %eq3A_189 = arith.cmpi eq, %get3A_177, %eq3A_188 : vector<16xi32>
    %add3A_190 = arith.constant 0 : i32
    %add3A_191 = vector.broadcast %add3A_190 : i32 to vector<16xi32>
    %add3A_192 = arith.addi %shift_right_arithmetic3A_185, %add3A_191 : vector<16xi32>
    tpu.vector_store_idx %arg7[%add3A_192], %get3A_179 masked %eq3A_189 {add = true} : memref<256xf32, #tpu.memory_space<vmem>>[vector<16xi32>], vector<16xf32>, vector<16xi1>
    %add3A_193 = arith.constant 1 : i32
    %add3A_194 = arith.addi %mul3A_34, %add3A_193 : i32
    %eq3A_195 = vector.broadcast %add3A_194 : i32 to vector<16xi32>
    %eq3A_196 = arith.cmpi eq, %get3A_177, %eq3A_195 : vector<16xi32>
    %add3A_197 = arith.constant 128 : i32
    %add3A_198 = vector.broadcast %add3A_197 : i32 to vector<16xi32>
    %add3A_199 = arith.addi %shift_right_arithmetic3A_185, %add3A_198 : vector<16xi32>
    tpu.vector_store_idx %arg7[%add3A_199], %get3A_179 masked %eq3A_196 {add = true} : memref<256xf32, #tpu.memory_space<vmem>>[vector<16xi32>], vector<16xf32>, vector<16xi1>
    %get3A_200 = arith.constant 112 : index
    %get3A_201 = tpu.vector_load %arg5[%get3A_200] {strides = array<i32>} : memref<1024xi32, #tpu.memory_space<vmem>>, vector<16xi32>,
    %get3A_202 = arith.constant 112 : index
    %get3A_203 = tpu.vector_load %arg6[%get3A_202] {strides = array<i32>} : memref<1024xf32, #tpu.memory_space<vmem>>, vector<16xf32>,
    %add3A_204 = arith.constant 112 : i32
    %add3A_205 = vector.broadcast %add3A_204 : i32 to vector<16xi32>
    %add3A_206 = arith.addi %add3A_205, %iota3A : vector<16xi32>
    %shift_right_arithmetic3A_207 = arith.constant 3 : i32
    %shift_right_arithmetic3A_208 = vector.broadcast %shift_right_arithmetic3A_207 : i32 to vector<16xi32>
    %shift_right_arithmetic3A_209 = arith.shrsi %add3A_206, %shift_right_arithmetic3A_208 : vector<16xi32>
    %add3A_210 = arith.constant 0 : i32
    %add3A_211 = arith.addi %mul3A_34, %add3A_210 : i32
    %eq3A_212 = vector.broadcast %add3A_211 : i32 to vector<16xi32>
    %eq3A_213 = arith.cmpi eq, %get3A_201, %eq3A_212 : vector<16xi32>
    %add3A_214 = arith.constant 0 : i32
    %add3A_215 = vector.broadcast %add3A_214 : i32 to vector<16xi32>
    %add3A_216 = arith.addi %shift_right_arithmetic3A_209, %add3A_215 : vector<16xi32>
    tpu.vector_store_idx %arg7[%add3A_216], %get3A_203 masked %eq3A_213 {add = true} : memref<256xf32, #tpu.memory_space<vmem>>[vector<16xi32>], vector<16xf32>, vector<16xi1>
    %add3A_217 = arith.constant 1 : i32
    %add3A_218 = arith.addi %mul3A_34, %add3A_217 : i32
    %eq3A_219 = vector.broadcast %add3A_218 : i32 to vector<16xi32>
    %eq3A_220 = arith.cmpi eq, %get3A_201, %eq3A_219 : vector<16xi32>
    %add3A_221 = arith.constant 128 : i32
    %add3A_222 = vector.broadcast %add3A_221 : i32 to vector<16xi32>
    %add3A_223 = arith.addi %shift_right_arithmetic3A_209, %add3A_222 : vector<16xi32>
    tpu.vector_store_idx %arg7[%add3A_223], %get3A_203 masked %eq3A_220 {add = true} : memref<256xf32, #tpu.memory_space<vmem>>[vector<16xi32>], vector<16xf32>, vector<16xi1>
    %get3A_224 = arith.constant 128 : index
    %get3A_225 = tpu.vector_load %arg5[%get3A_224] {strides = array<i32>} : memref<1024xi32, #tpu.memory_space<vmem>>, vector<16xi32>,
    %get3A_226 = arith.constant 128 : index
    %get3A_227 = tpu.vector_load %arg6[%get3A_226] {strides = array<i32>} : memref<1024xf32, #tpu.memory_space<vmem>>, vector<16xf32>,
    %add3A_228 = arith.constant 128 : i32
    %add3A_229 = vector.broadcast %add3A_228 : i32 to vector<16xi32>
    %add3A_230 = arith.addi %add3A_229, %iota3A : vector<16xi32>
    %shift_right_arithmetic3A_231 = arith.constant 3 : i32
    %shift_right_arithmetic3A_232 = vector.broadcast %shift_right_arithmetic3A_231 : i32 to vector<16xi32>
    %shift_right_arithmetic3A_233 = arith.shrsi %add3A_230, %shift_right_arithmetic3A_232 : vector<16xi32>
    %add3A_234 = arith.constant 0 : i32
    %add3A_235 = arith.addi %mul3A_34, %add3A_234 : i32
    %eq3A_236 = vector.broadcast %add3A_235 : i32 to vector<16xi32>
    %eq3A_237 = arith.cmpi eq, %get3A_225, %eq3A_236 : vector<16xi32>
    %add3A_238 = arith.constant 0 : i32
    %add3A_239 = vector.broadcast %add3A_238 : i32 to vector<16xi32>
    %add3A_240 = arith.addi %shift_right_arithmetic3A_233, %add3A_239 : vector<16xi32>
    tpu.vector_store_idx %arg7[%add3A_240], %get3A_227 masked %eq3A_237 {add = true} : memref<256xf32, #tpu.memory_space<vmem>>[vector<16xi32>], vector<16xf32>, vector<16xi1>
    %add3A_241 = arith.constant 1 : i32
    %add3A_242 = arith.addi %mul3A_34, %add3A_241 : i32
    %eq3A_243 = vector.broadcast %add3A_242 : i32 to vector<16xi32>
    %eq3A_244 = arith.cmpi eq, %get3A_225, %eq3A_243 : vector<16xi32>
    %add3A_245 = arith.constant 128 : i32
    %add3A_246 = vector.broadcast %add3A_245 : i32 to vector<16xi32>
    %add3A_247 = arith.addi %shift_right_arithmetic3A_233, %add3A_246 : vector<16xi32>
    tpu.vector_store_idx %arg7[%add3A_247], %get3A_227 masked %eq3A_244 {add = true} : memref<256xf32, #tpu.memory_space<vmem>>[vector<16xi32>], vector<16xf32>, vector<16xi1>
    %get3A_248 = arith.constant 144 : index
    %get3A_249 = tpu.vector_load %arg5[%get3A_248] {strides = array<i32>} : memref<1024xi32, #tpu.memory_space<vmem>>, vector<16xi32>,
    %get3A_250 = arith.constant 144 : index
    %get3A_251 = tpu.vector_load %arg6[%get3A_250] {strides = array<i32>} : memref<1024xf32, #tpu.memory_space<vmem>>, vector<16xf32>,
    %add3A_252 = arith.constant 144 : i32
    %add3A_253 = vector.broadcast %add3A_252 : i32 to vector<16xi32>
    %add3A_254 = arith.addi %add3A_253, %iota3A : vector<16xi32>
    %shift_right_arithmetic3A_255 = arith.constant 3 : i32
    %shift_right_arithmetic3A_256 = vector.broadcast %shift_right_arithmetic3A_255 : i32 to vector<16xi32>
    %shift_right_arithmetic3A_257 = arith.shrsi %add3A_254, %shift_right_arithmetic3A_256 : vector<16xi32>
    %add3A_258 = arith.constant 0 : i32
    %add3A_259 = arith.addi %mul3A_34, %add3A_258 : i32
    %eq3A_260 = vector.broadcast %add3A_259 : i32 to vector<16xi32>
    %eq3A_261 = arith.cmpi eq, %get3A_249, %eq3A_260 : vector<16xi32>
    %add3A_262 = arith.constant 0 : i32
    %add3A_263 = vector.broadcast %add3A_262 : i32 to vector<16xi32>
    %add3A_264 = arith.addi %shift_right_arithmetic3A_257, %add3A_263 : vector<16xi32>
    tpu.vector_store_idx %arg7[%add3A_264], %get3A_251 masked %eq3A_261 {add = true} : memref<256xf32, #tpu.memory_space<vmem>>[vector<16xi32>], vector<16xf32>, vector<16xi1>
    %add3A_265 = arith.constant 1 : i32
    %add3A_266 = arith.addi %mul3A_34, %add3A_265 : i32
    %eq3A_267 = vector.broadcast %add3A_266 : i32 to vector<16xi32>
    %eq3A_268 = arith.cmpi eq, %get3A_249, %eq3A_267 : vector<16xi32>
    %add3A_269 = arith.constant 128 : i32
    %add3A_270 = vector.broadcast %add3A_269 : i32 to vector<16xi32>
    %add3A_271 = arith.addi %shift_right_arithmetic3A_257, %add3A_270 : vector<16xi32>
    tpu.vector_store_idx %arg7[%add3A_271], %get3A_251 masked %eq3A_268 {add = true} : memref<256xf32, #tpu.memory_space<vmem>>[vector<16xi32>], vector<16xf32>, vector<16xi1>
    %get3A_272 = arith.constant 160 : index
    %get3A_273 = tpu.vector_load %arg5[%get3A_272] {strides = array<i32>} : memref<1024xi32, #tpu.memory_space<vmem>>, vector<16xi32>,
    %get3A_274 = arith.constant 160 : index
    %get3A_275 = tpu.vector_load %arg6[%get3A_274] {strides = array<i32>} : memref<1024xf32, #tpu.memory_space<vmem>>, vector<16xf32>,
    %add3A_276 = arith.constant 160 : i32
    %add3A_277 = vector.broadcast %add3A_276 : i32 to vector<16xi32>
    %add3A_278 = arith.addi %add3A_277, %iota3A : vector<16xi32>
    %shift_right_arithmetic3A_279 = arith.constant 3 : i32
    %shift_right_arithmetic3A_280 = vector.broadcast %shift_right_arithmetic3A_279 : i32 to vector<16xi32>
    %shift_right_arithmetic3A_281 = arith.shrsi %add3A_278, %shift_right_arithmetic3A_280 : vector<16xi32>
    %add3A_282 = arith.constant 0 : i32
    %add3A_283 = arith.addi %mul3A_34, %add3A_282 : i32
    %eq3A_284 = vector.broadcast %add3A_283 : i32 to vector<16xi32>
    %eq3A_285 = arith.cmpi eq, %get3A_273, %eq3A_284 : vector<16xi32>
    %add3A_286 = arith.constant 0 : i32
    %add3A_287 = vector.broadcast %add3A_286 : i32 to vector<16xi32>
    %add3A_288 = arith.addi %shift_right_arithmetic3A_281, %add3A_287 : vector<16xi32>
    tpu.vector_store_idx %arg7[%add3A_288], %get3A_275 masked %eq3A_285 {add = true} : memref<256xf32, #tpu.memory_space<vmem>>[vector<16xi32>], vector<16xf32>, vector<16xi1>
    %add3A_289 = arith.constant 1 : i32
    %add3A_290 = arith.addi %mul3A_34, %add3A_289 : i32
    %eq3A_291 = vector.broadcast %add3A_290 : i32 to vector<16xi32>
    %eq3A_292 = arith.cmpi eq, %get3A_273, %eq3A_291 : vector<16xi32>
    %add3A_293 = arith.constant 128 : i32
    %add3A_294 = vector.broadcast %add3A_293 : i32 to vector<16xi32>
    %add3A_295 = arith.addi %shift_right_arithmetic3A_281, %add3A_294 : vector<16xi32>
    tpu.vector_store_idx %arg7[%add3A_295], %get3A_275 masked %eq3A_292 {add = true} : memref<256xf32, #tpu.memory_space<vmem>>[vector<16xi32>], vector<16xf32>, vector<16xi1>
    %get3A_296 = arith.constant 176 : index
    %get3A_297 = tpu.vector_load %arg5[%get3A_296] {strides = array<i32>} : memref<1024xi32, #tpu.memory_space<vmem>>, vector<16xi32>,
    %get3A_298 = arith.constant 176 : index
    %get3A_299 = tpu.vector_load %arg6[%get3A_298] {strides = array<i32>} : memref<1024xf32, #tpu.memory_space<vmem>>, vector<16xf32>,
    %add3A_300 = arith.constant 176 : i32
    %add3A_301 = vector.broadcast %add3A_300 : i32 to vector<16xi32>
    %add3A_302 = arith.addi %add3A_301, %iota3A : vector<16xi32>
    %shift_right_arithmetic3A_303 = arith.constant 3 : i32
    %shift_right_arithmetic3A_304 = vector.broadcast %shift_right_arithmetic3A_303 : i32 to vector<16xi32>
    %shift_right_arithmetic3A_305 = arith.shrsi %add3A_302, %shift_right_arithmetic3A_304 : vector<16xi32>
    %add3A_306 = arith.constant 0 : i32
    %add3A_307 = arith.addi %mul3A_34, %add3A_306 : i32
    %eq3A_308 = vector.broadcast %add3A_307 : i32 to vector<16xi32>
    %eq3A_309 = arith.cmpi eq, %get3A_297, %eq3A_308 : vector<16xi32>
    %add3A_310 = arith.constant 0 : i32
    %add3A_311 = vector.broadcast %add3A_310 : i32 to vector<16xi32>
    %add3A_312 = arith.addi %shift_right_arithmetic3A_305, %add3A_311 : vector<16xi32>
    tpu.vector_store_idx %arg7[%add3A_312], %get3A_299 masked %eq3A_309 {add = true} : memref<256xf32, #tpu.memory_space<vmem>>[vector<16xi32>], vector<16xf32>, vector<16xi1>
    %add3A_313 = arith.constant 1 : i32
    %add3A_314 = arith.addi %mul3A_34, %add3A_313 : i32
    %eq3A_315 = vector.broadcast %add3A_314 : i32 to vector<16xi32>
    %eq3A_316 = arith.cmpi eq, %get3A_297, %eq3A_315 : vector<16xi32>
    %add3A_317 = arith.constant 128 : i32
    %add3A_318 = vector.broadcast %add3A_317 : i32 to vector<16xi32>
    %add3A_319 = arith.addi %shift_right_arithmetic3A_305, %add3A_318 : vector<16xi32>
    tpu.vector_store_idx %arg7[%add3A_319], %get3A_299 masked %eq3A_316 {add = true} : memref<256xf32, #tpu.memory_space<vmem>>[vector<16xi32>], vector<16xf32>, vector<16xi1>
    %get3A_320 = arith.constant 192 : index
    %get3A_321 = tpu.vector_load %arg5[%get3A_320] {strides = array<i32>} : memref<1024xi32, #tpu.memory_space<vmem>>, vector<16xi32>,
    %get3A_322 = arith.constant 192 : index
    %get3A_323 = tpu.vector_load %arg6[%get3A_322] {strides = array<i32>} : memref<1024xf32, #tpu.memory_space<vmem>>, vector<16xf32>,
    %add3A_324 = arith.constant 192 : i32
    %add3A_325 = vector.broadcast %add3A_324 : i32 to vector<16xi32>
    %add3A_326 = arith.addi %add3A_325, %iota3A : vector<16xi32>
    %shift_right_arithmetic3A_327 = arith.constant 3 : i32
    %shift_right_arithmetic3A_328 = vector.broadcast %shift_right_arithmetic3A_327 : i32 to vector<16xi32>
    %shift_right_arithmetic3A_329 = arith.shrsi %add3A_326, %shift_right_arithmetic3A_328 : vector<16xi32>
    %add3A_330 = arith.constant 0 : i32
    %add3A_331 = arith.addi %mul3A_34, %add3A_330 : i32
    %eq3A_332 = vector.broadcast %add3A_331 : i32 to vector<16xi32>
    %eq3A_333 = arith.cmpi eq, %get3A_321, %eq3A_332 : vector<16xi32>
    %add3A_334 = arith.constant 0 : i32
    %add3A_335 = vector.broadcast %add3A_334 : i32 to vector<16xi32>
    %add3A_336 = arith.addi %shift_right_arithmetic3A_329, %add3A_335 : vector<16xi32>
    tpu.vector_store_idx %arg7[%add3A_336], %get3A_323 masked %eq3A_333 {add = true} : memref<256xf32, #tpu.memory_space<vmem>>[vector<16xi32>], vector<16xf32>, vector<16xi1>
    %add3A_337 = arith.constant 1 : i32
    %add3A_338 = arith.addi %mul3A_34, %add3A_337 : i32
    %eq3A_339 = vector.broadcast %add3A_338 : i32 to vector<16xi32>
    %eq3A_340 = arith.cmpi eq, %get3A_321, %eq3A_339 : vector<16xi32>
    %add3A_341 = arith.constant 128 : i32
    %add3A_342 = vector.broadcast %add3A_341 : i32 to vector<16xi32>
    %add3A_343 = arith.addi %shift_right_arithmetic3A_329, %add3A_342 : vector<16xi32>
    tpu.vector_store_idx %arg7[%add3A_343], %get3A_323 masked %eq3A_340 {add = true} : memref<256xf32, #tpu.memory_space<vmem>>[vector<16xi32>], vector<16xf32>, vector<16xi1>
    %get3A_344 = arith.constant 208 : index
    %get3A_345 = tpu.vector_load %arg5[%get3A_344] {strides = array<i32>} : memref<1024xi32, #tpu.memory_space<vmem>>, vector<16xi32>,
    %get3A_346 = arith.constant 208 : index
    %get3A_347 = tpu.vector_load %arg6[%get3A_346] {strides = array<i32>} : memref<1024xf32, #tpu.memory_space<vmem>>, vector<16xf32>,
    %add3A_348 = arith.constant 208 : i32
    %add3A_349 = vector.broadcast %add3A_348 : i32 to vector<16xi32>
    %add3A_350 = arith.addi %add3A_349, %iota3A : vector<16xi32>
    %shift_right_arithmetic3A_351 = arith.constant 3 : i32
    %shift_right_arithmetic3A_352 = vector.broadcast %shift_right_arithmetic3A_351 : i32 to vector<16xi32>
    %shift_right_arithmetic3A_353 = arith.shrsi %add3A_350, %shift_right_arithmetic3A_352 : vector<16xi32>
    %add3A_354 = arith.constant 0 : i32
    %add3A_355 = arith.addi %mul3A_34, %add3A_354 : i32
    %eq3A_356 = vector.broadcast %add3A_355 : i32 to vector<16xi32>
    %eq3A_357 = arith.cmpi eq, %get3A_345, %eq3A_356 : vector<16xi32>
    %add3A_358 = arith.constant 0 : i32
    %add3A_359 = vector.broadcast %add3A_358 : i32 to vector<16xi32>
    %add3A_360 = arith.addi %shift_right_arithmetic3A_353, %add3A_359 : vector<16xi32>
    tpu.vector_store_idx %arg7[%add3A_360], %get3A_347 masked %eq3A_357 {add = true} : memref<256xf32, #tpu.memory_space<vmem>>[vector<16xi32>], vector<16xf32>, vector<16xi1>
    %add3A_361 = arith.constant 1 : i32
    %add3A_362 = arith.addi %mul3A_34, %add3A_361 : i32
    %eq3A_363 = vector.broadcast %add3A_362 : i32 to vector<16xi32>
    %eq3A_364 = arith.cmpi eq, %get3A_345, %eq3A_363 : vector<16xi32>
    %add3A_365 = arith.constant 128 : i32
    %add3A_366 = vector.broadcast %add3A_365 : i32 to vector<16xi32>
    %add3A_367 = arith.addi %shift_right_arithmetic3A_353, %add3A_366 : vector<16xi32>
    tpu.vector_store_idx %arg7[%add3A_367], %get3A_347 masked %eq3A_364 {add = true} : memref<256xf32, #tpu.memory_space<vmem>>[vector<16xi32>], vector<16xf32>, vector<16xi1>
    %get3A_368 = arith.constant 224 : index
    %get3A_369 = tpu.vector_load %arg5[%get3A_368] {strides = array<i32>} : memref<1024xi32, #tpu.memory_space<vmem>>, vector<16xi32>,
    %get3A_370 = arith.constant 224 : index
    %get3A_371 = tpu.vector_load %arg6[%get3A_370] {strides = array<i32>} : memref<1024xf32, #tpu.memory_space<vmem>>, vector<16xf32>,
    %add3A_372 = arith.constant 224 : i32
    %add3A_373 = vector.broadcast %add3A_372 : i32 to vector<16xi32>
    %add3A_374 = arith.addi %add3A_373, %iota3A : vector<16xi32>
    %shift_right_arithmetic3A_375 = arith.constant 3 : i32
    %shift_right_arithmetic3A_376 = vector.broadcast %shift_right_arithmetic3A_375 : i32 to vector<16xi32>
    %shift_right_arithmetic3A_377 = arith.shrsi %add3A_374, %shift_right_arithmetic3A_376 : vector<16xi32>
    %add3A_378 = arith.constant 0 : i32
    %add3A_379 = arith.addi %mul3A_34, %add3A_378 : i32
    %eq3A_380 = vector.broadcast %add3A_379 : i32 to vector<16xi32>
    %eq3A_381 = arith.cmpi eq, %get3A_369, %eq3A_380 : vector<16xi32>
    %add3A_382 = arith.constant 0 : i32
    %add3A_383 = vector.broadcast %add3A_382 : i32 to vector<16xi32>
    %add3A_384 = arith.addi %shift_right_arithmetic3A_377, %add3A_383 : vector<16xi32>
    tpu.vector_store_idx %arg7[%add3A_384], %get3A_371 masked %eq3A_381 {add = true} : memref<256xf32, #tpu.memory_space<vmem>>[vector<16xi32>], vector<16xf32>, vector<16xi1>
    %add3A_385 = arith.constant 1 : i32
    %add3A_386 = arith.addi %mul3A_34, %add3A_385 : i32
    %eq3A_387 = vector.broadcast %add3A_386 : i32 to vector<16xi32>
    %eq3A_388 = arith.cmpi eq, %get3A_369, %eq3A_387 : vector<16xi32>
    %add3A_389 = arith.constant 128 : i32
    %add3A_390 = vector.broadcast %add3A_389 : i32 to vector<16xi32>
    %add3A_391 = arith.addi %shift_right_arithmetic3A_377, %add3A_390 : vector<16xi32>
    tpu.vector_store_idx %arg7[%add3A_391], %get3A_371 masked %eq3A_388 {add = true} : memref<256xf32, #tpu.memory_space<vmem>>[vector<16xi32>], vector<16xf32>, vector<16xi1>
    %get3A_392 = arith.constant 240 : index
    %get3A_393 = tpu.vector_load %arg5[%get3A_392] {strides = array<i32>} : memref<1024xi32, #tpu.memory_space<vmem>>, vector<16xi32>,
    %get3A_394 = arith.constant 240 : index
    %get3A_395 = tpu.vector_load %arg6[%get3A_394] {strides = array<i32>} : memref<1024xf32, #tpu.memory_space<vmem>>, vector<16xf32>,
    %add3A_396 = arith.constant 240 : i32
    %add3A_397 = vector.broadcast %add3A_396 : i32 to vector<16xi32>
    %add3A_398 = arith.addi %add3A_397, %iota3A : vector<16xi32>
    %shift_right_arithmetic3A_399 = arith.constant 3 : i32
    %shift_right_arithmetic3A_400 = vector.broadcast %shift_right_arithmetic3A_399 : i32 to vector<16xi32>
    %shift_right_arithmetic3A_401 = arith.shrsi %add3A_398, %shift_right_arithmetic3A_400 : vector<16xi32>
    %add3A_402 = arith.constant 0 : i32
    %add3A_403 = arith.addi %mul3A_34, %add3A_402 : i32
    %eq3A_404 = vector.broadcast %add3A_403 : i32 to vector<16xi32>
    %eq3A_405 = arith.cmpi eq, %get3A_393, %eq3A_404 : vector<16xi32>
    %add3A_406 = arith.constant 0 : i32
    %add3A_407 = vector.broadcast %add3A_406 : i32 to vector<16xi32>
    %add3A_408 = arith.addi %shift_right_arithmetic3A_401, %add3A_407 : vector<16xi32>
    tpu.vector_store_idx %arg7[%add3A_408], %get3A_395 masked %eq3A_405 {add = true} : memref<256xf32, #tpu.memory_space<vmem>>[vector<16xi32>], vector<16xf32>, vector<16xi1>
    %add3A_409 = arith.constant 1 : i32
    %add3A_410 = arith.addi %mul3A_34, %add3A_409 : i32
    %eq3A_411 = vector.broadcast %add3A_410 : i32 to vector<16xi32>
    %eq3A_412 = arith.cmpi eq, %get3A_393, %eq3A_411 : vector<16xi32>
    %add3A_413 = arith.constant 128 : i32
    %add3A_414 = vector.broadcast %add3A_413 : i32 to vector<16xi32>
    %add3A_415 = arith.addi %shift_right_arithmetic3A_401, %add3A_414 : vector<16xi32>
    tpu.vector_store_idx %arg7[%add3A_415], %get3A_395 masked %eq3A_412 {add = true} : memref<256xf32, #tpu.memory_space<vmem>>[vector<16xi32>], vector<16xf32>, vector<16xi1>
    %get3A_416 = arith.constant 256 : index
    %get3A_417 = tpu.vector_load %arg5[%get3A_416] {strides = array<i32>} : memref<1024xi32, #tpu.memory_space<vmem>>, vector<16xi32>,
    %get3A_418 = arith.constant 256 : index
    %get3A_419 = tpu.vector_load %arg6[%get3A_418] {strides = array<i32>} : memref<1024xf32, #tpu.memory_space<vmem>>, vector<16xf32>,
    %add3A_420 = arith.constant 256 : i32
    %add3A_421 = vector.broadcast %add3A_420 : i32 to vector<16xi32>
    %add3A_422 = arith.addi %add3A_421, %iota3A : vector<16xi32>
    %shift_right_arithmetic3A_423 = arith.constant 3 : i32
    %shift_right_arithmetic3A_424 = vector.broadcast %shift_right_arithmetic3A_423 : i32 to vector<16xi32>
    %shift_right_arithmetic3A_425 = arith.shrsi %add3A_422, %shift_right_arithmetic3A_424 : vector<16xi32>
    %add3A_426 = arith.constant 0 : i32
    %add3A_427 = arith.addi %mul3A_34, %add3A_426 : i32
    %eq3A_428 = vector.broadcast %add3A_427 : i32 to vector<16xi32>
    %eq3A_429 = arith.cmpi eq, %get3A_417, %eq3A_428 : vector<16xi32>
    %add3A_430 = arith.constant 0 : i32
    %add3A_431 = vector.broadcast %add3A_430 : i32 to vector<16xi32>
    %add3A_432 = arith.addi %shift_right_arithmetic3A_425, %add3A_431 : vector<16xi32>
    tpu.vector_store_idx %arg7[%add3A_432], %get3A_419 masked %eq3A_429 {add = true} : memref<256xf32, #tpu.memory_space<vmem>>[vector<16xi32>], vector<16xf32>, vector<16xi1>
    %add3A_433 = arith.constant 1 : i32
    %add3A_434 = arith.addi %mul3A_34, %add3A_433 : i32
    %eq3A_435 = vector.broadcast %add3A_434 : i32 to vector<16xi32>
    %eq3A_436 = arith.cmpi eq, %get3A_417, %eq3A_435 : vector<16xi32>
    %add3A_437 = arith.constant 128 : i32
    %add3A_438 = vector.broadcast %add3A_437 : i32 to vector<16xi32>
    %add3A_439 = arith.addi %shift_right_arithmetic3A_425, %add3A_438 : vector<16xi32>
    tpu.vector_store_idx %arg7[%add3A_439], %get3A_419 masked %eq3A_436 {add = true} : memref<256xf32, #tpu.memory_space<vmem>>[vector<16xi32>], vector<16xf32>, vector<16xi1>
    %get3A_440 = arith.constant 272 : index
    %get3A_441 = tpu.vector_load %arg5[%get3A_440] {strides = array<i32>} : memref<1024xi32, #tpu.memory_space<vmem>>, vector<16xi32>,
    %get3A_442 = arith.constant 272 : index
    %get3A_443 = tpu.vector_load %arg6[%get3A_442] {strides = array<i32>} : memref<1024xf32, #tpu.memory_space<vmem>>, vector<16xf32>,
    %add3A_444 = arith.constant 272 : i32
    %add3A_445 = vector.broadcast %add3A_444 : i32 to vector<16xi32>
    %add3A_446 = arith.addi %add3A_445, %iota3A : vector<16xi32>
    %shift_right_arithmetic3A_447 = arith.constant 3 : i32
    %shift_right_arithmetic3A_448 = vector.broadcast %shift_right_arithmetic3A_447 : i32 to vector<16xi32>
    %shift_right_arithmetic3A_449 = arith.shrsi %add3A_446, %shift_right_arithmetic3A_448 : vector<16xi32>
    %add3A_450 = arith.constant 0 : i32
    %add3A_451 = arith.addi %mul3A_34, %add3A_450 : i32
    %eq3A_452 = vector.broadcast %add3A_451 : i32 to vector<16xi32>
    %eq3A_453 = arith.cmpi eq, %get3A_441, %eq3A_452 : vector<16xi32>
    %add3A_454 = arith.constant 0 : i32
    %add3A_455 = vector.broadcast %add3A_454 : i32 to vector<16xi32>
    %add3A_456 = arith.addi %shift_right_arithmetic3A_449, %add3A_455 : vector<16xi32>
    tpu.vector_store_idx %arg7[%add3A_456], %get3A_443 masked %eq3A_453 {add = true} : memref<256xf32, #tpu.memory_space<vmem>>[vector<16xi32>], vector<16xf32>, vector<16xi1>
    %add3A_457 = arith.constant 1 : i32
    %add3A_458 = arith.addi %mul3A_34, %add3A_457 : i32
    %eq3A_459 = vector.broadcast %add3A_458 : i32 to vector<16xi32>
    %eq3A_460 = arith.cmpi eq, %get3A_441, %eq3A_459 : vector<16xi32>
    %add3A_461 = arith.constant 128 : i32
    %add3A_462 = vector.broadcast %add3A_461 : i32 to vector<16xi32>
    %add3A_463 = arith.addi %shift_right_arithmetic3A_449, %add3A_462 : vector<16xi32>
    tpu.vector_store_idx %arg7[%add3A_463], %get3A_443 masked %eq3A_460 {add = true} : memref<256xf32, #tpu.memory_space<vmem>>[vector<16xi32>], vector<16xf32>, vector<16xi1>
    %get3A_464 = arith.constant 288 : index
    %get3A_465 = tpu.vector_load %arg5[%get3A_464] {strides = array<i32>} : memref<1024xi32, #tpu.memory_space<vmem>>, vector<16xi32>,
    %get3A_466 = arith.constant 288 : index
    %get3A_467 = tpu.vector_load %arg6[%get3A_466] {strides = array<i32>} : memref<1024xf32, #tpu.memory_space<vmem>>, vector<16xf32>,
    %add3A_468 = arith.constant 288 : i32
    %add3A_469 = vector.broadcast %add3A_468 : i32 to vector<16xi32>
    %add3A_470 = arith.addi %add3A_469, %iota3A : vector<16xi32>
    %shift_right_arithmetic3A_471 = arith.constant 3 : i32
    %shift_right_arithmetic3A_472 = vector.broadcast %shift_right_arithmetic3A_471 : i32 to vector<16xi32>
    %shift_right_arithmetic3A_473 = arith.shrsi %add3A_470, %shift_right_arithmetic3A_472 : vector<16xi32>
    %add3A_474 = arith.constant 0 : i32
    %add3A_475 = arith.addi %mul3A_34, %add3A_474 : i32
    %eq3A_476 = vector.broadcast %add3A_475 : i32 to vector<16xi32>
    %eq3A_477 = arith.cmpi eq, %get3A_465, %eq3A_476 : vector<16xi32>
    %add3A_478 = arith.constant 0 : i32
    %add3A_479 = vector.broadcast %add3A_478 : i32 to vector<16xi32>
    %add3A_480 = arith.addi %shift_right_arithmetic3A_473, %add3A_479 : vector<16xi32>
    tpu.vector_store_idx %arg7[%add3A_480], %get3A_467 masked %eq3A_477 {add = true} : memref<256xf32, #tpu.memory_space<vmem>>[vector<16xi32>], vector<16xf32>, vector<16xi1>
    %add3A_481 = arith.constant 1 : i32
    %add3A_482 = arith.addi %mul3A_34, %add3A_481 : i32
    %eq3A_483 = vector.broadcast %add3A_482 : i32 to vector<16xi32>
    %eq3A_484 = arith.cmpi eq, %get3A_465, %eq3A_483 : vector<16xi32>
    %add3A_485 = arith.constant 128 : i32
    %add3A_486 = vector.broadcast %add3A_485 : i32 to vector<16xi32>
    %add3A_487 = arith.addi %shift_right_arithmetic3A_473, %add3A_486 : vector<16xi32>
    tpu.vector_store_idx %arg7[%add3A_487], %get3A_467 masked %eq3A_484 {add = true} : memref<256xf32, #tpu.memory_space<vmem>>[vector<16xi32>], vector<16xf32>, vector<16xi1>
    %get3A_488 = arith.constant 304 : index
    %get3A_489 = tpu.vector_load %arg5[%get3A_488] {strides = array<i32>} : memref<1024xi32, #tpu.memory_space<vmem>>, vector<16xi32>,
    %get3A_490 = arith.constant 304 : index
    %get3A_491 = tpu.vector_load %arg6[%get3A_490] {strides = array<i32>} : memref<1024xf32, #tpu.memory_space<vmem>>, vector<16xf32>,
    %add3A_492 = arith.constant 304 : i32
    %add3A_493 = vector.broadcast %add3A_492 : i32 to vector<16xi32>
    %add3A_494 = arith.addi %add3A_493, %iota3A : vector<16xi32>
    %shift_right_arithmetic3A_495 = arith.constant 3 : i32
    %shift_right_arithmetic3A_496 = vector.broadcast %shift_right_arithmetic3A_495 : i32 to vector<16xi32>
    %shift_right_arithmetic3A_497 = arith.shrsi %add3A_494, %shift_right_arithmetic3A_496 : vector<16xi32>
    %add3A_498 = arith.constant 0 : i32
    %add3A_499 = arith.addi %mul3A_34, %add3A_498 : i32
    %eq3A_500 = vector.broadcast %add3A_499 : i32 to vector<16xi32>
    %eq3A_501 = arith.cmpi eq, %get3A_489, %eq3A_500 : vector<16xi32>
    %add3A_502 = arith.constant 0 : i32
    %add3A_503 = vector.broadcast %add3A_502 : i32 to vector<16xi32>
    %add3A_504 = arith.addi %shift_right_arithmetic3A_497, %add3A_503 : vector<16xi32>
    tpu.vector_store_idx %arg7[%add3A_504], %get3A_491 masked %eq3A_501 {add = true} : memref<256xf32, #tpu.memory_space<vmem>>[vector<16xi32>], vector<16xf32>, vector<16xi1>
    %add3A_505 = arith.constant 1 : i32
    %add3A_506 = arith.addi %mul3A_34, %add3A_505 : i32
    %eq3A_507 = vector.broadcast %add3A_506 : i32 to vector<16xi32>
    %eq3A_508 = arith.cmpi eq, %get3A_489, %eq3A_507 : vector<16xi32>
    %add3A_509 = arith.constant 128 : i32
    %add3A_510 = vector.broadcast %add3A_509 : i32 to vector<16xi32>
    %add3A_511 = arith.addi %shift_right_arithmetic3A_497, %add3A_510 : vector<16xi32>
    tpu.vector_store_idx %arg7[%add3A_511], %get3A_491 masked %eq3A_508 {add = true} : memref<256xf32, #tpu.memory_space<vmem>>[vector<16xi32>], vector<16xf32>, vector<16xi1>
    %get3A_512 = arith.constant 320 : index
    %get3A_513 = tpu.vector_load %arg5[%get3A_512] {strides = array<i32>} : memref<1024xi32, #tpu.memory_space<vmem>>, vector<16xi32>,
    %get3A_514 = arith.constant 320 : index
    %get3A_515 = tpu.vector_load %arg6[%get3A_514] {strides = array<i32>} : memref<1024xf32, #tpu.memory_space<vmem>>, vector<16xf32>,
    %add3A_516 = arith.constant 320 : i32
    %add3A_517 = vector.broadcast %add3A_516 : i32 to vector<16xi32>
    %add3A_518 = arith.addi %add3A_517, %iota3A : vector<16xi32>
    %shift_right_arithmetic3A_519 = arith.constant 3 : i32
    %shift_right_arithmetic3A_520 = vector.broadcast %shift_right_arithmetic3A_519 : i32 to vector<16xi32>
    %shift_right_arithmetic3A_521 = arith.shrsi %add3A_518, %shift_right_arithmetic3A_520 : vector<16xi32>
    %add3A_522 = arith.constant 0 : i32
    %add3A_523 = arith.addi %mul3A_34, %add3A_522 : i32
    %eq3A_524 = vector.broadcast %add3A_523 : i32 to vector<16xi32>
    %eq3A_525 = arith.cmpi eq, %get3A_513, %eq3A_524 : vector<16xi32>
    %add3A_526 = arith.constant 0 : i32
    %add3A_527 = vector.broadcast %add3A_526 : i32 to vector<16xi32>
    %add3A_528 = arith.addi %shift_right_arithmetic3A_521, %add3A_527 : vector<16xi32>
    tpu.vector_store_idx %arg7[%add3A_528], %get3A_515 masked %eq3A_525 {add = true} : memref<256xf32, #tpu.memory_space<vmem>>[vector<16xi32>], vector<16xf32>, vector<16xi1>
    %add3A_529 = arith.constant 1 : i32
    %add3A_530 = arith.addi %mul3A_34, %add3A_529 : i32
    %eq3A_531 = vector.broadcast %add3A_530 : i32 to vector<16xi32>
    %eq3A_532 = arith.cmpi eq, %get3A_513, %eq3A_531 : vector<16xi32>
    %add3A_533 = arith.constant 128 : i32
    %add3A_534 = vector.broadcast %add3A_533 : i32 to vector<16xi32>
    %add3A_535 = arith.addi %shift_right_arithmetic3A_521, %add3A_534 : vector<16xi32>
    tpu.vector_store_idx %arg7[%add3A_535], %get3A_515 masked %eq3A_532 {add = true} : memref<256xf32, #tpu.memory_space<vmem>>[vector<16xi32>], vector<16xf32>, vector<16xi1>
    %get3A_536 = arith.constant 336 : index
    %get3A_537 = tpu.vector_load %arg5[%get3A_536] {strides = array<i32>} : memref<1024xi32, #tpu.memory_space<vmem>>, vector<16xi32>,
    %get3A_538 = arith.constant 336 : index
    %get3A_539 = tpu.vector_load %arg6[%get3A_538] {strides = array<i32>} : memref<1024xf32, #tpu.memory_space<vmem>>, vector<16xf32>,
    %add3A_540 = arith.constant 336 : i32
    %add3A_541 = vector.broadcast %add3A_540 : i32 to vector<16xi32>
    %add3A_542 = arith.addi %add3A_541, %iota3A : vector<16xi32>
    %shift_right_arithmetic3A_543 = arith.constant 3 : i32
    %shift_right_arithmetic3A_544 = vector.broadcast %shift_right_arithmetic3A_543 : i32 to vector<16xi32>
    %shift_right_arithmetic3A_545 = arith.shrsi %add3A_542, %shift_right_arithmetic3A_544 : vector<16xi32>
    %add3A_546 = arith.constant 0 : i32
    %add3A_547 = arith.addi %mul3A_34, %add3A_546 : i32
    %eq3A_548 = vector.broadcast %add3A_547 : i32 to vector<16xi32>
    %eq3A_549 = arith.cmpi eq, %get3A_537, %eq3A_548 : vector<16xi32>
    %add3A_550 = arith.constant 0 : i32
    %add3A_551 = vector.broadcast %add3A_550 : i32 to vector<16xi32>
    %add3A_552 = arith.addi %shift_right_arithmetic3A_545, %add3A_551 : vector<16xi32>
    tpu.vector_store_idx %arg7[%add3A_552], %get3A_539 masked %eq3A_549 {add = true} : memref<256xf32, #tpu.memory_space<vmem>>[vector<16xi32>], vector<16xf32>, vector<16xi1>
    %add3A_553 = arith.constant 1 : i32
    %add3A_554 = arith.addi %mul3A_34, %add3A_553 : i32
    %eq3A_555 = vector.broadcast %add3A_554 : i32 to vector<16xi32>
    %eq3A_556 = arith.cmpi eq, %get3A_537, %eq3A_555 : vector<16xi32>
    %add3A_557 = arith.constant 128 : i32
    %add3A_558 = vector.broadcast %add3A_557 : i32 to vector<16xi32>
    %add3A_559 = arith.addi %shift_right_arithmetic3A_545, %add3A_558 : vector<16xi32>
    tpu.vector_store_idx %arg7[%add3A_559], %get3A_539 masked %eq3A_556 {add = true} : memref<256xf32, #tpu.memory_space<vmem>>[vector<16xi32>], vector<16xf32>, vector<16xi1>
    %get3A_560 = arith.constant 352 : index
    %get3A_561 = tpu.vector_load %arg5[%get3A_560] {strides = array<i32>} : memref<1024xi32, #tpu.memory_space<vmem>>, vector<16xi32>,
    %get3A_562 = arith.constant 352 : index
    %get3A_563 = tpu.vector_load %arg6[%get3A_562] {strides = array<i32>} : memref<1024xf32, #tpu.memory_space<vmem>>, vector<16xf32>,
    %add3A_564 = arith.constant 352 : i32
    %add3A_565 = vector.broadcast %add3A_564 : i32 to vector<16xi32>
    %add3A_566 = arith.addi %add3A_565, %iota3A : vector<16xi32>
    %shift_right_arithmetic3A_567 = arith.constant 3 : i32
    %shift_right_arithmetic3A_568 = vector.broadcast %shift_right_arithmetic3A_567 : i32 to vector<16xi32>
    %shift_right_arithmetic3A_569 = arith.shrsi %add3A_566, %shift_right_arithmetic3A_568 : vector<16xi32>
    %add3A_570 = arith.constant 0 : i32
    %add3A_571 = arith.addi %mul3A_34, %add3A_570 : i32
    %eq3A_572 = vector.broadcast %add3A_571 : i32 to vector<16xi32>
    %eq3A_573 = arith.cmpi eq, %get3A_561, %eq3A_572 : vector<16xi32>
    %add3A_574 = arith.constant 0 : i32
    %add3A_575 = vector.broadcast %add3A_574 : i32 to vector<16xi32>
    %add3A_576 = arith.addi %shift_right_arithmetic3A_569, %add3A_575 : vector<16xi32>
    tpu.vector_store_idx %arg7[%add3A_576], %get3A_563 masked %eq3A_573 {add = true} : memref<256xf32, #tpu.memory_space<vmem>>[vector<16xi32>], vector<16xf32>, vector<16xi1>
    %add3A_577 = arith.constant 1 : i32
    %add3A_578 = arith.addi %mul3A_34, %add3A_577 : i32
    %eq3A_579 = vector.broadcast %add3A_578 : i32 to vector<16xi32>
    %eq3A_580 = arith.cmpi eq, %get3A_561, %eq3A_579 : vector<16xi32>
    %add3A_581 = arith.constant 128 : i32
    %add3A_582 = vector.broadcast %add3A_581 : i32 to vector<16xi32>
    %add3A_583 = arith.addi %shift_right_arithmetic3A_569, %add3A_582 : vector<16xi32>
    tpu.vector_store_idx %arg7[%add3A_583], %get3A_563 masked %eq3A_580 {add = true} : memref<256xf32, #tpu.memory_space<vmem>>[vector<16xi32>], vector<16xf32>, vector<16xi1>
    %get3A_584 = arith.constant 368 : index
    %get3A_585 = tpu.vector_load %arg5[%get3A_584] {strides = array<i32>} : memref<1024xi32, #tpu.memory_space<vmem>>, vector<16xi32>,
    %get3A_586 = arith.constant 368 : index
    %get3A_587 = tpu.vector_load %arg6[%get3A_586] {strides = array<i32>} : memref<1024xf32, #tpu.memory_space<vmem>>, vector<16xf32>,
    %add3A_588 = arith.constant 368 : i32
    %add3A_589 = vector.broadcast %add3A_588 : i32 to vector<16xi32>
    %add3A_590 = arith.addi %add3A_589, %iota3A : vector<16xi32>
    %shift_right_arithmetic3A_591 = arith.constant 3 : i32
    %shift_right_arithmetic3A_592 = vector.broadcast %shift_right_arithmetic3A_591 : i32 to vector<16xi32>
    %shift_right_arithmetic3A_593 = arith.shrsi %add3A_590, %shift_right_arithmetic3A_592 : vector<16xi32>
    %add3A_594 = arith.constant 0 : i32
    %add3A_595 = arith.addi %mul3A_34, %add3A_594 : i32
    %eq3A_596 = vector.broadcast %add3A_595 : i32 to vector<16xi32>
    %eq3A_597 = arith.cmpi eq, %get3A_585, %eq3A_596 : vector<16xi32>
    %add3A_598 = arith.constant 0 : i32
    %add3A_599 = vector.broadcast %add3A_598 : i32 to vector<16xi32>
    %add3A_600 = arith.addi %shift_right_arithmetic3A_593, %add3A_599 : vector<16xi32>
    tpu.vector_store_idx %arg7[%add3A_600], %get3A_587 masked %eq3A_597 {add = true} : memref<256xf32, #tpu.memory_space<vmem>>[vector<16xi32>], vector<16xf32>, vector<16xi1>
    %add3A_601 = arith.constant 1 : i32
    %add3A_602 = arith.addi %mul3A_34, %add3A_601 : i32
    %eq3A_603 = vector.broadcast %add3A_602 : i32 to vector<16xi32>
    %eq3A_604 = arith.cmpi eq, %get3A_585, %eq3A_603 : vector<16xi32>
    %add3A_605 = arith.constant 128 : i32
    %add3A_606 = vector.broadcast %add3A_605 : i32 to vector<16xi32>
    %add3A_607 = arith.addi %shift_right_arithmetic3A_593, %add3A_606 : vector<16xi32>
    tpu.vector_store_idx %arg7[%add3A_607], %get3A_587 masked %eq3A_604 {add = true} : memref<256xf32, #tpu.memory_space<vmem>>[vector<16xi32>], vector<16xf32>, vector<16xi1>
    %get3A_608 = arith.constant 384 : index
    %get3A_609 = tpu.vector_load %arg5[%get3A_608] {strides = array<i32>} : memref<1024xi32, #tpu.memory_space<vmem>>, vector<16xi32>,
    %get3A_610 = arith.constant 384 : index
    %get3A_611 = tpu.vector_load %arg6[%get3A_610] {strides = array<i32>} : memref<1024xf32, #tpu.memory_space<vmem>>, vector<16xf32>,
    %add3A_612 = arith.constant 384 : i32
    %add3A_613 = vector.broadcast %add3A_612 : i32 to vector<16xi32>
    %add3A_614 = arith.addi %add3A_613, %iota3A : vector<16xi32>
    %shift_right_arithmetic3A_615 = arith.constant 3 : i32
    %shift_right_arithmetic3A_616 = vector.broadcast %shift_right_arithmetic3A_615 : i32 to vector<16xi32>
    %shift_right_arithmetic3A_617 = arith.shrsi %add3A_614, %shift_right_arithmetic3A_616 : vector<16xi32>
    %add3A_618 = arith.constant 0 : i32
    %add3A_619 = arith.addi %mul3A_34, %add3A_618 : i32
    %eq3A_620 = vector.broadcast %add3A_619 : i32 to vector<16xi32>
    %eq3A_621 = arith.cmpi eq, %get3A_609, %eq3A_620 : vector<16xi32>
    %add3A_622 = arith.constant 0 : i32
    %add3A_623 = vector.broadcast %add3A_622 : i32 to vector<16xi32>
    %add3A_624 = arith.addi %shift_right_arithmetic3A_617, %add3A_623 : vector<16xi32>
    tpu.vector_store_idx %arg7[%add3A_624], %get3A_611 masked %eq3A_621 {add = true} : memref<256xf32, #tpu.memory_space<vmem>>[vector<16xi32>], vector<16xf32>, vector<16xi1>
    %add3A_625 = arith.constant 1 : i32
    %add3A_626 = arith.addi %mul3A_34, %add3A_625 : i32
    %eq3A_627 = vector.broadcast %add3A_626 : i32 to vector<16xi32>
    %eq3A_628 = arith.cmpi eq, %get3A_609, %eq3A_627 : vector<16xi32>
    %add3A_629 = arith.constant 128 : i32
    %add3A_630 = vector.broadcast %add3A_629 : i32 to vector<16xi32>
    %add3A_631 = arith.addi %shift_right_arithmetic3A_617, %add3A_630 : vector<16xi32>
    tpu.vector_store_idx %arg7[%add3A_631], %get3A_611 masked %eq3A_628 {add = true} : memref<256xf32, #tpu.memory_space<vmem>>[vector<16xi32>], vector<16xf32>, vector<16xi1>
    %get3A_632 = arith.constant 400 : index
    %get3A_633 = tpu.vector_load %arg5[%get3A_632] {strides = array<i32>} : memref<1024xi32, #tpu.memory_space<vmem>>, vector<16xi32>,
    %get3A_634 = arith.constant 400 : index
    %get3A_635 = tpu.vector_load %arg6[%get3A_634] {strides = array<i32>} : memref<1024xf32, #tpu.memory_space<vmem>>, vector<16xf32>,
    %add3A_636 = arith.constant 400 : i32
    %add3A_637 = vector.broadcast %add3A_636 : i32 to vector<16xi32>
    %add3A_638 = arith.addi %add3A_637, %iota3A : vector<16xi32>
    %shift_right_arithmetic3A_639 = arith.constant 3 : i32
    %shift_right_arithmetic3A_640 = vector.broadcast %shift_right_arithmetic3A_639 : i32 to vector<16xi32>
    %shift_right_arithmetic3A_641 = arith.shrsi %add3A_638, %shift_right_arithmetic3A_640 : vector<16xi32>
    %add3A_642 = arith.constant 0 : i32
    %add3A_643 = arith.addi %mul3A_34, %add3A_642 : i32
    %eq3A_644 = vector.broadcast %add3A_643 : i32 to vector<16xi32>
    %eq3A_645 = arith.cmpi eq, %get3A_633, %eq3A_644 : vector<16xi32>
    %add3A_646 = arith.constant 0 : i32
    %add3A_647 = vector.broadcast %add3A_646 : i32 to vector<16xi32>
    %add3A_648 = arith.addi %shift_right_arithmetic3A_641, %add3A_647 : vector<16xi32>
    tpu.vector_store_idx %arg7[%add3A_648], %get3A_635 masked %eq3A_645 {add = true} : memref<256xf32, #tpu.memory_space<vmem>>[vector<16xi32>], vector<16xf32>, vector<16xi1>
    %add3A_649 = arith.constant 1 : i32
    %add3A_650 = arith.addi %mul3A_34, %add3A_649 : i32
    %eq3A_651 = vector.broadcast %add3A_650 : i32 to vector<16xi32>
    %eq3A_652 = arith.cmpi eq, %get3A_633, %eq3A_651 : vector<16xi32>
    %add3A_653 = arith.constant 128 : i32
    %add3A_654 = vector.broadcast %add3A_653 : i32 to vector<16xi32>
    %add3A_655 = arith.addi %shift_right_arithmetic3A_641, %add3A_654 : vector<16xi32>
    tpu.vector_store_idx %arg7[%add3A_655], %get3A_635 masked %eq3A_652 {add = true} : memref<256xf32, #tpu.memory_space<vmem>>[vector<16xi32>], vector<16xf32>, vector<16xi1>
    %get3A_656 = arith.constant 416 : index
    %get3A_657 = tpu.vector_load %arg5[%get3A_656] {strides = array<i32>} : memref<1024xi32, #tpu.memory_space<vmem>>, vector<16xi32>,
    %get3A_658 = arith.constant 416 : index
    %get3A_659 = tpu.vector_load %arg6[%get3A_658] {strides = array<i32>} : memref<1024xf32, #tpu.memory_space<vmem>>, vector<16xf32>,
    %add3A_660 = arith.constant 416 : i32
    %add3A_661 = vector.broadcast %add3A_660 : i32 to vector<16xi32>
    %add3A_662 = arith.addi %add3A_661, %iota3A : vector<16xi32>
    %shift_right_arithmetic3A_663 = arith.constant 3 : i32
    %shift_right_arithmetic3A_664 = vector.broadcast %shift_right_arithmetic3A_663 : i32 to vector<16xi32>
    %shift_right_arithmetic3A_665 = arith.shrsi %add3A_662, %shift_right_arithmetic3A_664 : vector<16xi32>
    %add3A_666 = arith.constant 0 : i32
    %add3A_667 = arith.addi %mul3A_34, %add3A_666 : i32
    %eq3A_668 = vector.broadcast %add3A_667 : i32 to vector<16xi32>
    %eq3A_669 = arith.cmpi eq, %get3A_657, %eq3A_668 : vector<16xi32>
    %add3A_670 = arith.constant 0 : i32
    %add3A_671 = vector.broadcast %add3A_670 : i32 to vector<16xi32>
    %add3A_672 = arith.addi %shift_right_arithmetic3A_665, %add3A_671 : vector<16xi32>
    tpu.vector_store_idx %arg7[%add3A_672], %get3A_659 masked %eq3A_669 {add = true} : memref<256xf32, #tpu.memory_space<vmem>>[vector<16xi32>], vector<16xf32>, vector<16xi1>
    %add3A_673 = arith.constant 1 : i32
    %add3A_674 = arith.addi %mul3A_34, %add3A_673 : i32
    %eq3A_675 = vector.broadcast %add3A_674 : i32 to vector<16xi32>
    %eq3A_676 = arith.cmpi eq, %get3A_657, %eq3A_675 : vector<16xi32>
    %add3A_677 = arith.constant 128 : i32
    %add3A_678 = vector.broadcast %add3A_677 : i32 to vector<16xi32>
    %add3A_679 = arith.addi %shift_right_arithmetic3A_665, %add3A_678 : vector<16xi32>
    tpu.vector_store_idx %arg7[%add3A_679], %get3A_659 masked %eq3A_676 {add = true} : memref<256xf32, #tpu.memory_space<vmem>>[vector<16xi32>], vector<16xf32>, vector<16xi1>
    %get3A_680 = arith.constant 432 : index
    %get3A_681 = tpu.vector_load %arg5[%get3A_680] {strides = array<i32>} : memref<1024xi32, #tpu.memory_space<vmem>>, vector<16xi32>,
    %get3A_682 = arith.constant 432 : index
    %get3A_683 = tpu.vector_load %arg6[%get3A_682] {strides = array<i32>} : memref<1024xf32, #tpu.memory_space<vmem>>, vector<16xf32>,
    %add3A_684 = arith.constant 432 : i32
    %add3A_685 = vector.broadcast %add3A_684 : i32 to vector<16xi32>
    %add3A_686 = arith.addi %add3A_685, %iota3A : vector<16xi32>
    %shift_right_arithmetic3A_687 = arith.constant 3 : i32
    %shift_right_arithmetic3A_688 = vector.broadcast %shift_right_arithmetic3A_687 : i32 to vector<16xi32>
    %shift_right_arithmetic3A_689 = arith.shrsi %add3A_686, %shift_right_arithmetic3A_688 : vector<16xi32>
    %add3A_690 = arith.constant 0 : i32
    %add3A_691 = arith.addi %mul3A_34, %add3A_690 : i32
    %eq3A_692 = vector.broadcast %add3A_691 : i32 to vector<16xi32>
    %eq3A_693 = arith.cmpi eq, %get3A_681, %eq3A_692 : vector<16xi32>
    %add3A_694 = arith.constant 0 : i32
    %add3A_695 = vector.broadcast %add3A_694 : i32 to vector<16xi32>
    %add3A_696 = arith.addi %shift_right_arithmetic3A_689, %add3A_695 : vector<16xi32>
    tpu.vector_store_idx %arg7[%add3A_696], %get3A_683 masked %eq3A_693 {add = true} : memref<256xf32, #tpu.memory_space<vmem>>[vector<16xi32>], vector<16xf32>, vector<16xi1>
    %add3A_697 = arith.constant 1 : i32
    %add3A_698 = arith.addi %mul3A_34, %add3A_697 : i32
    %eq3A_699 = vector.broadcast %add3A_698 : i32 to vector<16xi32>
    %eq3A_700 = arith.cmpi eq, %get3A_681, %eq3A_699 : vector<16xi32>
    %add3A_701 = arith.constant 128 : i32
    %add3A_702 = vector.broadcast %add3A_701 : i32 to vector<16xi32>
    %add3A_703 = arith.addi %shift_right_arithmetic3A_689, %add3A_702 : vector<16xi32>
    tpu.vector_store_idx %arg7[%add3A_703], %get3A_683 masked %eq3A_700 {add = true} : memref<256xf32, #tpu.memory_space<vmem>>[vector<16xi32>], vector<16xf32>, vector<16xi1>
    %get3A_704 = arith.constant 448 : index
    %get3A_705 = tpu.vector_load %arg5[%get3A_704] {strides = array<i32>} : memref<1024xi32, #tpu.memory_space<vmem>>, vector<16xi32>,
    %get3A_706 = arith.constant 448 : index
    %get3A_707 = tpu.vector_load %arg6[%get3A_706] {strides = array<i32>} : memref<1024xf32, #tpu.memory_space<vmem>>, vector<16xf32>,
    %add3A_708 = arith.constant 448 : i32
    %add3A_709 = vector.broadcast %add3A_708 : i32 to vector<16xi32>
    %add3A_710 = arith.addi %add3A_709, %iota3A : vector<16xi32>
    %shift_right_arithmetic3A_711 = arith.constant 3 : i32
    %shift_right_arithmetic3A_712 = vector.broadcast %shift_right_arithmetic3A_711 : i32 to vector<16xi32>
    %shift_right_arithmetic3A_713 = arith.shrsi %add3A_710, %shift_right_arithmetic3A_712 : vector<16xi32>
    %add3A_714 = arith.constant 0 : i32
    %add3A_715 = arith.addi %mul3A_34, %add3A_714 : i32
    %eq3A_716 = vector.broadcast %add3A_715 : i32 to vector<16xi32>
    %eq3A_717 = arith.cmpi eq, %get3A_705, %eq3A_716 : vector<16xi32>
    %add3A_718 = arith.constant 0 : i32
    %add3A_719 = vector.broadcast %add3A_718 : i32 to vector<16xi32>
    %add3A_720 = arith.addi %shift_right_arithmetic3A_713, %add3A_719 : vector<16xi32>
    tpu.vector_store_idx %arg7[%add3A_720], %get3A_707 masked %eq3A_717 {add = true} : memref<256xf32, #tpu.memory_space<vmem>>[vector<16xi32>], vector<16xf32>, vector<16xi1>
    %add3A_721 = arith.constant 1 : i32
    %add3A_722 = arith.addi %mul3A_34, %add3A_721 : i32
    %eq3A_723 = vector.broadcast %add3A_722 : i32 to vector<16xi32>
    %eq3A_724 = arith.cmpi eq, %get3A_705, %eq3A_723 : vector<16xi32>
    %add3A_725 = arith.constant 128 : i32
    %add3A_726 = vector.broadcast %add3A_725 : i32 to vector<16xi32>
    %add3A_727 = arith.addi %shift_right_arithmetic3A_713, %add3A_726 : vector<16xi32>
    tpu.vector_store_idx %arg7[%add3A_727], %get3A_707 masked %eq3A_724 {add = true} : memref<256xf32, #tpu.memory_space<vmem>>[vector<16xi32>], vector<16xf32>, vector<16xi1>
    %get3A_728 = arith.constant 464 : index
    %get3A_729 = tpu.vector_load %arg5[%get3A_728] {strides = array<i32>} : memref<1024xi32, #tpu.memory_space<vmem>>, vector<16xi32>,
    %get3A_730 = arith.constant 464 : index
    %get3A_731 = tpu.vector_load %arg6[%get3A_730] {strides = array<i32>} : memref<1024xf32, #tpu.memory_space<vmem>>, vector<16xf32>,
    %add3A_732 = arith.constant 464 : i32
    %add3A_733 = vector.broadcast %add3A_732 : i32 to vector<16xi32>
    %add3A_734 = arith.addi %add3A_733, %iota3A : vector<16xi32>
    %shift_right_arithmetic3A_735 = arith.constant 3 : i32
    %shift_right_arithmetic3A_736 = vector.broadcast %shift_right_arithmetic3A_735 : i32 to vector<16xi32>
    %shift_right_arithmetic3A_737 = arith.shrsi %add3A_734, %shift_right_arithmetic3A_736 : vector<16xi32>
    %add3A_738 = arith.constant 0 : i32
    %add3A_739 = arith.addi %mul3A_34, %add3A_738 : i32
    %eq3A_740 = vector.broadcast %add3A_739 : i32 to vector<16xi32>
    %eq3A_741 = arith.cmpi eq, %get3A_729, %eq3A_740 : vector<16xi32>
    %add3A_742 = arith.constant 0 : i32
    %add3A_743 = vector.broadcast %add3A_742 : i32 to vector<16xi32>
    %add3A_744 = arith.addi %shift_right_arithmetic3A_737, %add3A_743 : vector<16xi32>
    tpu.vector_store_idx %arg7[%add3A_744], %get3A_731 masked %eq3A_741 {add = true} : memref<256xf32, #tpu.memory_space<vmem>>[vector<16xi32>], vector<16xf32>, vector<16xi1>
    %add3A_745 = arith.constant 1 : i32
    %add3A_746 = arith.addi %mul3A_34, %add3A_745 : i32
    %eq3A_747 = vector.broadcast %add3A_746 : i32 to vector<16xi32>
    %eq3A_748 = arith.cmpi eq, %get3A_729, %eq3A_747 : vector<16xi32>
    %add3A_749 = arith.constant 128 : i32
    %add3A_750 = vector.broadcast %add3A_749 : i32 to vector<16xi32>
    %add3A_751 = arith.addi %shift_right_arithmetic3A_737, %add3A_750 : vector<16xi32>
    tpu.vector_store_idx %arg7[%add3A_751], %get3A_731 masked %eq3A_748 {add = true} : memref<256xf32, #tpu.memory_space<vmem>>[vector<16xi32>], vector<16xf32>, vector<16xi1>
    %get3A_752 = arith.constant 480 : index
    %get3A_753 = tpu.vector_load %arg5[%get3A_752] {strides = array<i32>} : memref<1024xi32, #tpu.memory_space<vmem>>, vector<16xi32>,
    %get3A_754 = arith.constant 480 : index
    %get3A_755 = tpu.vector_load %arg6[%get3A_754] {strides = array<i32>} : memref<1024xf32, #tpu.memory_space<vmem>>, vector<16xf32>,
    %add3A_756 = arith.constant 480 : i32
    %add3A_757 = vector.broadcast %add3A_756 : i32 to vector<16xi32>
    %add3A_758 = arith.addi %add3A_757, %iota3A : vector<16xi32>
    %shift_right_arithmetic3A_759 = arith.constant 3 : i32
    %shift_right_arithmetic3A_760 = vector.broadcast %shift_right_arithmetic3A_759 : i32 to vector<16xi32>
    %shift_right_arithmetic3A_761 = arith.shrsi %add3A_758, %shift_right_arithmetic3A_760 : vector<16xi32>
    %add3A_762 = arith.constant 0 : i32
    %add3A_763 = arith.addi %mul3A_34, %add3A_762 : i32
    %eq3A_764 = vector.broadcast %add3A_763 : i32 to vector<16xi32>
    %eq3A_765 = arith.cmpi eq, %get3A_753, %eq3A_764 : vector<16xi32>
    %add3A_766 = arith.constant 0 : i32
    %add3A_767 = vector.broadcast %add3A_766 : i32 to vector<16xi32>
    %add3A_768 = arith.addi %shift_right_arithmetic3A_761, %add3A_767 : vector<16xi32>
    tpu.vector_store_idx %arg7[%add3A_768], %get3A_755 masked %eq3A_765 {add = true} : memref<256xf32, #tpu.memory_space<vmem>>[vector<16xi32>], vector<16xf32>, vector<16xi1>
    %add3A_769 = arith.constant 1 : i32
    %add3A_770 = arith.addi %mul3A_34, %add3A_769 : i32
    %eq3A_771 = vector.broadcast %add3A_770 : i32 to vector<16xi32>
    %eq3A_772 = arith.cmpi eq, %get3A_753, %eq3A_771 : vector<16xi32>
    %add3A_773 = arith.constant 128 : i32
    %add3A_774 = vector.broadcast %add3A_773 : i32 to vector<16xi32>
    %add3A_775 = arith.addi %shift_right_arithmetic3A_761, %add3A_774 : vector<16xi32>
    tpu.vector_store_idx %arg7[%add3A_775], %get3A_755 masked %eq3A_772 {add = true} : memref<256xf32, #tpu.memory_space<vmem>>[vector<16xi32>], vector<16xf32>, vector<16xi1>
    %get3A_776 = arith.constant 496 : index
    %get3A_777 = tpu.vector_load %arg5[%get3A_776] {strides = array<i32>} : memref<1024xi32, #tpu.memory_space<vmem>>, vector<16xi32>,
    %get3A_778 = arith.constant 496 : index
    %get3A_779 = tpu.vector_load %arg6[%get3A_778] {strides = array<i32>} : memref<1024xf32, #tpu.memory_space<vmem>>, vector<16xf32>,
    %add3A_780 = arith.constant 496 : i32
    %add3A_781 = vector.broadcast %add3A_780 : i32 to vector<16xi32>
    %add3A_782 = arith.addi %add3A_781, %iota3A : vector<16xi32>
    %shift_right_arithmetic3A_783 = arith.constant 3 : i32
    %shift_right_arithmetic3A_784 = vector.broadcast %shift_right_arithmetic3A_783 : i32 to vector<16xi32>
    %shift_right_arithmetic3A_785 = arith.shrsi %add3A_782, %shift_right_arithmetic3A_784 : vector<16xi32>
    %add3A_786 = arith.constant 0 : i32
    %add3A_787 = arith.addi %mul3A_34, %add3A_786 : i32
    %eq3A_788 = vector.broadcast %add3A_787 : i32 to vector<16xi32>
    %eq3A_789 = arith.cmpi eq, %get3A_777, %eq3A_788 : vector<16xi32>
    %add3A_790 = arith.constant 0 : i32
    %add3A_791 = vector.broadcast %add3A_790 : i32 to vector<16xi32>
    %add3A_792 = arith.addi %shift_right_arithmetic3A_785, %add3A_791 : vector<16xi32>
    tpu.vector_store_idx %arg7[%add3A_792], %get3A_779 masked %eq3A_789 {add = true} : memref<256xf32, #tpu.memory_space<vmem>>[vector<16xi32>], vector<16xf32>, vector<16xi1>
    %add3A_793 = arith.constant 1 : i32
    %add3A_794 = arith.addi %mul3A_34, %add3A_793 : i32
    %eq3A_795 = vector.broadcast %add3A_794 : i32 to vector<16xi32>
    %eq3A_796 = arith.cmpi eq, %get3A_777, %eq3A_795 : vector<16xi32>
    %add3A_797 = arith.constant 128 : i32
    %add3A_798 = vector.broadcast %add3A_797 : i32 to vector<16xi32>
    %add3A_799 = arith.addi %shift_right_arithmetic3A_785, %add3A_798 : vector<16xi32>
    tpu.vector_store_idx %arg7[%add3A_799], %get3A_779 masked %eq3A_796 {add = true} : memref<256xf32, #tpu.memory_space<vmem>>[vector<16xi32>], vector<16xf32>, vector<16xi1>
    %get3A_800 = arith.constant 512 : index
    %get3A_801 = tpu.vector_load %arg5[%get3A_800] {strides = array<i32>} : memref<1024xi32, #tpu.memory_space<vmem>>, vector<16xi32>,
    %get3A_802 = arith.constant 512 : index
    %get3A_803 = tpu.vector_load %arg6[%get3A_802] {strides = array<i32>} : memref<1024xf32, #tpu.memory_space<vmem>>, vector<16xf32>,
    %add3A_804 = arith.constant 512 : i32
    %add3A_805 = vector.broadcast %add3A_804 : i32 to vector<16xi32>
    %add3A_806 = arith.addi %add3A_805, %iota3A : vector<16xi32>
    %shift_right_arithmetic3A_807 = arith.constant 3 : i32
    %shift_right_arithmetic3A_808 = vector.broadcast %shift_right_arithmetic3A_807 : i32 to vector<16xi32>
    %shift_right_arithmetic3A_809 = arith.shrsi %add3A_806, %shift_right_arithmetic3A_808 : vector<16xi32>
    %add3A_810 = arith.constant 0 : i32
    %add3A_811 = arith.addi %mul3A_34, %add3A_810 : i32
    %eq3A_812 = vector.broadcast %add3A_811 : i32 to vector<16xi32>
    %eq3A_813 = arith.cmpi eq, %get3A_801, %eq3A_812 : vector<16xi32>
    %add3A_814 = arith.constant 0 : i32
    %add3A_815 = vector.broadcast %add3A_814 : i32 to vector<16xi32>
    %add3A_816 = arith.addi %shift_right_arithmetic3A_809, %add3A_815 : vector<16xi32>
    tpu.vector_store_idx %arg7[%add3A_816], %get3A_803 masked %eq3A_813 {add = true} : memref<256xf32, #tpu.memory_space<vmem>>[vector<16xi32>], vector<16xf32>, vector<16xi1>
    %add3A_817 = arith.constant 1 : i32
    %add3A_818 = arith.addi %mul3A_34, %add3A_817 : i32
    %eq3A_819 = vector.broadcast %add3A_818 : i32 to vector<16xi32>
    %eq3A_820 = arith.cmpi eq, %get3A_801, %eq3A_819 : vector<16xi32>
    %add3A_821 = arith.constant 128 : i32
    %add3A_822 = vector.broadcast %add3A_821 : i32 to vector<16xi32>
    %add3A_823 = arith.addi %shift_right_arithmetic3A_809, %add3A_822 : vector<16xi32>
    tpu.vector_store_idx %arg7[%add3A_823], %get3A_803 masked %eq3A_820 {add = true} : memref<256xf32, #tpu.memory_space<vmem>>[vector<16xi32>], vector<16xf32>, vector<16xi1>
    %get3A_824 = arith.constant 528 : index
    %get3A_825 = tpu.vector_load %arg5[%get3A_824] {strides = array<i32>} : memref<1024xi32, #tpu.memory_space<vmem>>, vector<16xi32>,
    %get3A_826 = arith.constant 528 : index
    %get3A_827 = tpu.vector_load %arg6[%get3A_826] {strides = array<i32>} : memref<1024xf32, #tpu.memory_space<vmem>>, vector<16xf32>,
    %add3A_828 = arith.constant 528 : i32
    %add3A_829 = vector.broadcast %add3A_828 : i32 to vector<16xi32>
    %add3A_830 = arith.addi %add3A_829, %iota3A : vector<16xi32>
    %shift_right_arithmetic3A_831 = arith.constant 3 : i32
    %shift_right_arithmetic3A_832 = vector.broadcast %shift_right_arithmetic3A_831 : i32 to vector<16xi32>
    %shift_right_arithmetic3A_833 = arith.shrsi %add3A_830, %shift_right_arithmetic3A_832 : vector<16xi32>
    %add3A_834 = arith.constant 0 : i32
    %add3A_835 = arith.addi %mul3A_34, %add3A_834 : i32
    %eq3A_836 = vector.broadcast %add3A_835 : i32 to vector<16xi32>
    %eq3A_837 = arith.cmpi eq, %get3A_825, %eq3A_836 : vector<16xi32>
    %add3A_838 = arith.constant 0 : i32
    %add3A_839 = vector.broadcast %add3A_838 : i32 to vector<16xi32>
    %add3A_840 = arith.addi %shift_right_arithmetic3A_833, %add3A_839 : vector<16xi32>
    tpu.vector_store_idx %arg7[%add3A_840], %get3A_827 masked %eq3A_837 {add = true} : memref<256xf32, #tpu.memory_space<vmem>>[vector<16xi32>], vector<16xf32>, vector<16xi1>
    %add3A_841 = arith.constant 1 : i32
    %add3A_842 = arith.addi %mul3A_34, %add3A_841 : i32
    %eq3A_843 = vector.broadcast %add3A_842 : i32 to vector<16xi32>
    %eq3A_844 = arith.cmpi eq, %get3A_825, %eq3A_843 : vector<16xi32>
    %add3A_845 = arith.constant 128 : i32
    %add3A_846 = vector.broadcast %add3A_845 : i32 to vector<16xi32>
    %add3A_847 = arith.addi %shift_right_arithmetic3A_833, %add3A_846 : vector<16xi32>
    tpu.vector_store_idx %arg7[%add3A_847], %get3A_827 masked %eq3A_844 {add = true} : memref<256xf32, #tpu.memory_space<vmem>>[vector<16xi32>], vector<16xf32>, vector<16xi1>
    %get3A_848 = arith.constant 544 : index
    %get3A_849 = tpu.vector_load %arg5[%get3A_848] {strides = array<i32>} : memref<1024xi32, #tpu.memory_space<vmem>>, vector<16xi32>,
    %get3A_850 = arith.constant 544 : index
    %get3A_851 = tpu.vector_load %arg6[%get3A_850] {strides = array<i32>} : memref<1024xf32, #tpu.memory_space<vmem>>, vector<16xf32>,
    %add3A_852 = arith.constant 544 : i32
    %add3A_853 = vector.broadcast %add3A_852 : i32 to vector<16xi32>
    %add3A_854 = arith.addi %add3A_853, %iota3A : vector<16xi32>
    %shift_right_arithmetic3A_855 = arith.constant 3 : i32
    %shift_right_arithmetic3A_856 = vector.broadcast %shift_right_arithmetic3A_855 : i32 to vector<16xi32>
    %shift_right_arithmetic3A_857 = arith.shrsi %add3A_854, %shift_right_arithmetic3A_856 : vector<16xi32>
    %add3A_858 = arith.constant 0 : i32
    %add3A_859 = arith.addi %mul3A_34, %add3A_858 : i32
    %eq3A_860 = vector.broadcast %add3A_859 : i32 to vector<16xi32>
    %eq3A_861 = arith.cmpi eq, %get3A_849, %eq3A_860 : vector<16xi32>
    %add3A_862 = arith.constant 0 : i32
    %add3A_863 = vector.broadcast %add3A_862 : i32 to vector<16xi32>
    %add3A_864 = arith.addi %shift_right_arithmetic3A_857, %add3A_863 : vector<16xi32>
    tpu.vector_store_idx %arg7[%add3A_864], %get3A_851 masked %eq3A_861 {add = true} : memref<256xf32, #tpu.memory_space<vmem>>[vector<16xi32>], vector<16xf32>, vector<16xi1>
    %add3A_865 = arith.constant 1 : i32
    %add3A_866 = arith.addi %mul3A_34, %add3A_865 : i32
    %eq3A_867 = vector.broadcast %add3A_866 : i32 to vector<16xi32>
    %eq3A_868 = arith.cmpi eq, %get3A_849, %eq3A_867 : vector<16xi32>
    %add3A_869 = arith.constant 128 : i32
    %add3A_870 = vector.broadcast %add3A_869 : i32 to vector<16xi32>
    %add3A_871 = arith.addi %shift_right_arithmetic3A_857, %add3A_870 : vector<16xi32>
    tpu.vector_store_idx %arg7[%add3A_871], %get3A_851 masked %eq3A_868 {add = true} : memref<256xf32, #tpu.memory_space<vmem>>[vector<16xi32>], vector<16xf32>, vector<16xi1>
    %get3A_872 = arith.constant 560 : index
    %get3A_873 = tpu.vector_load %arg5[%get3A_872] {strides = array<i32>} : memref<1024xi32, #tpu.memory_space<vmem>>, vector<16xi32>,
    %get3A_874 = arith.constant 560 : index
    %get3A_875 = tpu.vector_load %arg6[%get3A_874] {strides = array<i32>} : memref<1024xf32, #tpu.memory_space<vmem>>, vector<16xf32>,
    %add3A_876 = arith.constant 560 : i32
    %add3A_877 = vector.broadcast %add3A_876 : i32 to vector<16xi32>
    %add3A_878 = arith.addi %add3A_877, %iota3A : vector<16xi32>
    %shift_right_arithmetic3A_879 = arith.constant 3 : i32
    %shift_right_arithmetic3A_880 = vector.broadcast %shift_right_arithmetic3A_879 : i32 to vector<16xi32>
    %shift_right_arithmetic3A_881 = arith.shrsi %add3A_878, %shift_right_arithmetic3A_880 : vector<16xi32>
    %add3A_882 = arith.constant 0 : i32
    %add3A_883 = arith.addi %mul3A_34, %add3A_882 : i32
    %eq3A_884 = vector.broadcast %add3A_883 : i32 to vector<16xi32>
    %eq3A_885 = arith.cmpi eq, %get3A_873, %eq3A_884 : vector<16xi32>
    %add3A_886 = arith.constant 0 : i32
    %add3A_887 = vector.broadcast %add3A_886 : i32 to vector<16xi32>
    %add3A_888 = arith.addi %shift_right_arithmetic3A_881, %add3A_887 : vector<16xi32>
    tpu.vector_store_idx %arg7[%add3A_888], %get3A_875 masked %eq3A_885 {add = true} : memref<256xf32, #tpu.memory_space<vmem>>[vector<16xi32>], vector<16xf32>, vector<16xi1>
    %add3A_889 = arith.constant 1 : i32
    %add3A_890 = arith.addi %mul3A_34, %add3A_889 : i32
    %eq3A_891 = vector.broadcast %add3A_890 : i32 to vector<16xi32>
    %eq3A_892 = arith.cmpi eq, %get3A_873, %eq3A_891 : vector<16xi32>
    %add3A_893 = arith.constant 128 : i32
    %add3A_894 = vector.broadcast %add3A_893 : i32 to vector<16xi32>
    %add3A_895 = arith.addi %shift_right_arithmetic3A_881, %add3A_894 : vector<16xi32>
    tpu.vector_store_idx %arg7[%add3A_895], %get3A_875 masked %eq3A_892 {add = true} : memref<256xf32, #tpu.memory_space<vmem>>[vector<16xi32>], vector<16xf32>, vector<16xi1>
    %get3A_896 = arith.constant 576 : index
    %get3A_897 = tpu.vector_load %arg5[%get3A_896] {strides = array<i32>} : memref<1024xi32, #tpu.memory_space<vmem>>, vector<16xi32>,
    %get3A_898 = arith.constant 576 : index
    %get3A_899 = tpu.vector_load %arg6[%get3A_898] {strides = array<i32>} : memref<1024xf32, #tpu.memory_space<vmem>>, vector<16xf32>,
    %add3A_900 = arith.constant 576 : i32
    %add3A_901 = vector.broadcast %add3A_900 : i32 to vector<16xi32>
    %add3A_902 = arith.addi %add3A_901, %iota3A : vector<16xi32>
    %shift_right_arithmetic3A_903 = arith.constant 3 : i32
    %shift_right_arithmetic3A_904 = vector.broadcast %shift_right_arithmetic3A_903 : i32 to vector<16xi32>
    %shift_right_arithmetic3A_905 = arith.shrsi %add3A_902, %shift_right_arithmetic3A_904 : vector<16xi32>
    %add3A_906 = arith.constant 0 : i32
    %add3A_907 = arith.addi %mul3A_34, %add3A_906 : i32
    %eq3A_908 = vector.broadcast %add3A_907 : i32 to vector<16xi32>
    %eq3A_909 = arith.cmpi eq, %get3A_897, %eq3A_908 : vector<16xi32>
    %add3A_910 = arith.constant 0 : i32
    %add3A_911 = vector.broadcast %add3A_910 : i32 to vector<16xi32>
    %add3A_912 = arith.addi %shift_right_arithmetic3A_905, %add3A_911 : vector<16xi32>
    tpu.vector_store_idx %arg7[%add3A_912], %get3A_899 masked %eq3A_909 {add = true} : memref<256xf32, #tpu.memory_space<vmem>>[vector<16xi32>], vector<16xf32>, vector<16xi1>
    %add3A_913 = arith.constant 1 : i32
    %add3A_914 = arith.addi %mul3A_34, %add3A_913 : i32
    %eq3A_915 = vector.broadcast %add3A_914 : i32 to vector<16xi32>
    %eq3A_916 = arith.cmpi eq, %get3A_897, %eq3A_915 : vector<16xi32>
    %add3A_917 = arith.constant 128 : i32
    %add3A_918 = vector.broadcast %add3A_917 : i32 to vector<16xi32>
    %add3A_919 = arith.addi %shift_right_arithmetic3A_905, %add3A_918 : vector<16xi32>
    tpu.vector_store_idx %arg7[%add3A_919], %get3A_899 masked %eq3A_916 {add = true} : memref<256xf32, #tpu.memory_space<vmem>>[vector<16xi32>], vector<16xf32>, vector<16xi1>
    %get3A_920 = arith.constant 592 : index
    %get3A_921 = tpu.vector_load %arg5[%get3A_920] {strides = array<i32>} : memref<1024xi32, #tpu.memory_space<vmem>>, vector<16xi32>,
    %get3A_922 = arith.constant 592 : index
    %get3A_923 = tpu.vector_load %arg6[%get3A_922] {strides = array<i32>} : memref<1024xf32, #tpu.memory_space<vmem>>, vector<16xf32>,
    %add3A_924 = arith.constant 592 : i32
    %add3A_925 = vector.broadcast %add3A_924 : i32 to vector<16xi32>
    %add3A_926 = arith.addi %add3A_925, %iota3A : vector<16xi32>
    %shift_right_arithmetic3A_927 = arith.constant 3 : i32
    %shift_right_arithmetic3A_928 = vector.broadcast %shift_right_arithmetic3A_927 : i32 to vector<16xi32>
    %shift_right_arithmetic3A_929 = arith.shrsi %add3A_926, %shift_right_arithmetic3A_928 : vector<16xi32>
    %add3A_930 = arith.constant 0 : i32
    %add3A_931 = arith.addi %mul3A_34, %add3A_930 : i32
    %eq3A_932 = vector.broadcast %add3A_931 : i32 to vector<16xi32>
    %eq3A_933 = arith.cmpi eq, %get3A_921, %eq3A_932 : vector<16xi32>
    %add3A_934 = arith.constant 0 : i32
    %add3A_935 = vector.broadcast %add3A_934 : i32 to vector<16xi32>
    %add3A_936 = arith.addi %shift_right_arithmetic3A_929, %add3A_935 : vector<16xi32>
    tpu.vector_store_idx %arg7[%add3A_936], %get3A_923 masked %eq3A_933 {add = true} : memref<256xf32, #tpu.memory_space<vmem>>[vector<16xi32>], vector<16xf32>, vector<16xi1>
    %add3A_937 = arith.constant 1 : i32
    %add3A_938 = arith.addi %mul3A_34, %add3A_937 : i32
    %eq3A_939 = vector.broadcast %add3A_938 : i32 to vector<16xi32>
    %eq3A_940 = arith.cmpi eq, %get3A_921, %eq3A_939 : vector<16xi32>
    %add3A_941 = arith.constant 128 : i32
    %add3A_942 = vector.broadcast %add3A_941 : i32 to vector<16xi32>
    %add3A_943 = arith.addi %shift_right_arithmetic3A_929, %add3A_942 : vector<16xi32>
    tpu.vector_store_idx %arg7[%add3A_943], %get3A_923 masked %eq3A_940 {add = true} : memref<256xf32, #tpu.memory_space<vmem>>[vector<16xi32>], vector<16xf32>, vector<16xi1>
    %get3A_944 = arith.constant 608 : index
    %get3A_945 = tpu.vector_load %arg5[%get3A_944] {strides = array<i32>} : memref<1024xi32, #tpu.memory_space<vmem>>, vector<16xi32>,
    %get3A_946 = arith.constant 608 : index
    %get3A_947 = tpu.vector_load %arg6[%get3A_946] {strides = array<i32>} : memref<1024xf32, #tpu.memory_space<vmem>>, vector<16xf32>,
    %add3A_948 = arith.constant 608 : i32
    %add3A_949 = vector.broadcast %add3A_948 : i32 to vector<16xi32>
    %add3A_950 = arith.addi %add3A_949, %iota3A : vector<16xi32>
    %shift_right_arithmetic3A_951 = arith.constant 3 : i32
    %shift_right_arithmetic3A_952 = vector.broadcast %shift_right_arithmetic3A_951 : i32 to vector<16xi32>
    %shift_right_arithmetic3A_953 = arith.shrsi %add3A_950, %shift_right_arithmetic3A_952 : vector<16xi32>
    %add3A_954 = arith.constant 0 : i32
    %add3A_955 = arith.addi %mul3A_34, %add3A_954 : i32
    %eq3A_956 = vector.broadcast %add3A_955 : i32 to vector<16xi32>
    %eq3A_957 = arith.cmpi eq, %get3A_945, %eq3A_956 : vector<16xi32>
    %add3A_958 = arith.constant 0 : i32
    %add3A_959 = vector.broadcast %add3A_958 : i32 to vector<16xi32>
    %add3A_960 = arith.addi %shift_right_arithmetic3A_953, %add3A_959 : vector<16xi32>
    tpu.vector_store_idx %arg7[%add3A_960], %get3A_947 masked %eq3A_957 {add = true} : memref<256xf32, #tpu.memory_space<vmem>>[vector<16xi32>], vector<16xf32>, vector<16xi1>
    %add3A_961 = arith.constant 1 : i32
    %add3A_962 = arith.addi %mul3A_34, %add3A_961 : i32
    %eq3A_963 = vector.broadcast %add3A_962 : i32 to vector<16xi32>
    %eq3A_964 = arith.cmpi eq, %get3A_945, %eq3A_963 : vector<16xi32>
    %add3A_965 = arith.constant 128 : i32
    %add3A_966 = vector.broadcast %add3A_965 : i32 to vector<16xi32>
    %add3A_967 = arith.addi %shift_right_arithmetic3A_953, %add3A_966 : vector<16xi32>
    tpu.vector_store_idx %arg7[%add3A_967], %get3A_947 masked %eq3A_964 {add = true} : memref<256xf32, #tpu.memory_space<vmem>>[vector<16xi32>], vector<16xf32>, vector<16xi1>
    %get3A_968 = arith.constant 624 : index
    %get3A_969 = tpu.vector_load %arg5[%get3A_968] {strides = array<i32>} : memref<1024xi32, #tpu.memory_space<vmem>>, vector<16xi32>,
    %get3A_970 = arith.constant 624 : index
    %get3A_971 = tpu.vector_load %arg6[%get3A_970] {strides = array<i32>} : memref<1024xf32, #tpu.memory_space<vmem>>, vector<16xf32>,
    %add3A_972 = arith.constant 624 : i32
    %add3A_973 = vector.broadcast %add3A_972 : i32 to vector<16xi32>
    %add3A_974 = arith.addi %add3A_973, %iota3A : vector<16xi32>
    %shift_right_arithmetic3A_975 = arith.constant 3 : i32
    %shift_right_arithmetic3A_976 = vector.broadcast %shift_right_arithmetic3A_975 : i32 to vector<16xi32>
    %shift_right_arithmetic3A_977 = arith.shrsi %add3A_974, %shift_right_arithmetic3A_976 : vector<16xi32>
    %add3A_978 = arith.constant 0 : i32
    %add3A_979 = arith.addi %mul3A_34, %add3A_978 : i32
    %eq3A_980 = vector.broadcast %add3A_979 : i32 to vector<16xi32>
    %eq3A_981 = arith.cmpi eq, %get3A_969, %eq3A_980 : vector<16xi32>
    %add3A_982 = arith.constant 0 : i32
    %add3A_983 = vector.broadcast %add3A_982 : i32 to vector<16xi32>
    %add3A_984 = arith.addi %shift_right_arithmetic3A_977, %add3A_983 : vector<16xi32>
    tpu.vector_store_idx %arg7[%add3A_984], %get3A_971 masked %eq3A_981 {add = true} : memref<256xf32, #tpu.memory_space<vmem>>[vector<16xi32>], vector<16xf32>, vector<16xi1>
    %add3A_985 = arith.constant 1 : i32
    %add3A_986 = arith.addi %mul3A_34, %add3A_985 : i32
    %eq3A_987 = vector.broadcast %add3A_986 : i32 to vector<16xi32>
    %eq3A_988 = arith.cmpi eq, %get3A_969, %eq3A_987 : vector<16xi32>
    %add3A_989 = arith.constant 128 : i32
    %add3A_990 = vector.broadcast %add3A_989 : i32 to vector<16xi32>
    %add3A_991 = arith.addi %shift_right_arithmetic3A_977, %add3A_990 : vector<16xi32>
    tpu.vector_store_idx %arg7[%add3A_991], %get3A_971 masked %eq3A_988 {add = true} : memref<256xf32, #tpu.memory_space<vmem>>[vector<16xi32>], vector<16xf32>, vector<16xi1>
    %get3A_992 = arith.constant 640 : index
    %get3A_993 = tpu.vector_load %arg5[%get3A_992] {strides = array<i32>} : memref<1024xi32, #tpu.memory_space<vmem>>, vector<16xi32>,
    %get3A_994 = arith.constant 640 : index
    %get3A_995 = tpu.vector_load %arg6[%get3A_994] {strides = array<i32>} : memref<1024xf32, #tpu.memory_space<vmem>>, vector<16xf32>,
    %add3A_996 = arith.constant 640 : i32
    %add3A_997 = vector.broadcast %add3A_996 : i32 to vector<16xi32>
    %add3A_998 = arith.addi %add3A_997, %iota3A : vector<16xi32>
    %shift_right_arithmetic3A_999 = arith.constant 3 : i32
    %shift_right_arithmetic3A_1000 = vector.broadcast %shift_right_arithmetic3A_999 : i32 to vector<16xi32>
    %shift_right_arithmetic3A_1001 = arith.shrsi %add3A_998, %shift_right_arithmetic3A_1000 : vector<16xi32>
    %add3A_1002 = arith.constant 0 : i32
    %add3A_1003 = arith.addi %mul3A_34, %add3A_1002 : i32
    %eq3A_1004 = vector.broadcast %add3A_1003 : i32 to vector<16xi32>
    %eq3A_1005 = arith.cmpi eq, %get3A_993, %eq3A_1004 : vector<16xi32>
    %add3A_1006 = arith.constant 0 : i32
    %add3A_1007 = vector.broadcast %add3A_1006 : i32 to vector<16xi32>
    %add3A_1008 = arith.addi %shift_right_arithmetic3A_1001, %add3A_1007 : vector<16xi32>
    tpu.vector_store_idx %arg7[%add3A_1008], %get3A_995 masked %eq3A_1005 {add = true} : memref<256xf32, #tpu.memory_space<vmem>>[vector<16xi32>], vector<16xf32>, vector<16xi1>
    %add3A_1009 = arith.constant 1 : i32
    %add3A_1010 = arith.addi %mul3A_34, %add3A_1009 : i32
    %eq3A_1011 = vector.broadcast %add3A_1010 : i32 to vector<16xi32>
    %eq3A_1012 = arith.cmpi eq, %get3A_993, %eq3A_1011 : vector<16xi32>
    %add3A_1013 = arith.constant 128 : i32
    %add3A_1014 = vector.broadcast %add3A_1013 : i32 to vector<16xi32>
    %add3A_1015 = arith.addi %shift_right_arithmetic3A_1001, %add3A_1014 : vector<16xi32>
    tpu.vector_store_idx %arg7[%add3A_1015], %get3A_995 masked %eq3A_1012 {add = true} : memref<256xf32, #tpu.memory_space<vmem>>[vector<16xi32>], vector<16xf32>, vector<16xi1>
    %get3A_1016 = arith.constant 656 : index
    %get3A_1017 = tpu.vector_load %arg5[%get3A_1016] {strides = array<i32>} : memref<1024xi32, #tpu.memory_space<vmem>>, vector<16xi32>,
    %get3A_1018 = arith.constant 656 : index
    %get3A_1019 = tpu.vector_load %arg6[%get3A_1018] {strides = array<i32>} : memref<1024xf32, #tpu.memory_space<vmem>>, vector<16xf32>,
    %add3A_1020 = arith.constant 656 : i32
    %add3A_1021 = vector.broadcast %add3A_1020 : i32 to vector<16xi32>
    %add3A_1022 = arith.addi %add3A_1021, %iota3A : vector<16xi32>
    %shift_right_arithmetic3A_1023 = arith.constant 3 : i32
    %shift_right_arithmetic3A_1024 = vector.broadcast %shift_right_arithmetic3A_1023 : i32 to vector<16xi32>
    %shift_right_arithmetic3A_1025 = arith.shrsi %add3A_1022, %shift_right_arithmetic3A_1024 : vector<16xi32>
    %add3A_1026 = arith.constant 0 : i32
    %add3A_1027 = arith.addi %mul3A_34, %add3A_1026 : i32
    %eq3A_1028 = vector.broadcast %add3A_1027 : i32 to vector<16xi32>
    %eq3A_1029 = arith.cmpi eq, %get3A_1017, %eq3A_1028 : vector<16xi32>
    %add3A_1030 = arith.constant 0 : i32
    %add3A_1031 = vector.broadcast %add3A_1030 : i32 to vector<16xi32>
    %add3A_1032 = arith.addi %shift_right_arithmetic3A_1025, %add3A_1031 : vector<16xi32>
    tpu.vector_store_idx %arg7[%add3A_1032], %get3A_1019 masked %eq3A_1029 {add = true} : memref<256xf32, #tpu.memory_space<vmem>>[vector<16xi32>], vector<16xf32>, vector<16xi1>
    %add3A_1033 = arith.constant 1 : i32
    %add3A_1034 = arith.addi %mul3A_34, %add3A_1033 : i32
    %eq3A_1035 = vector.broadcast %add3A_1034 : i32 to vector<16xi32>
    %eq3A_1036 = arith.cmpi eq, %get3A_1017, %eq3A_1035 : vector<16xi32>
    %add3A_1037 = arith.constant 128 : i32
    %add3A_1038 = vector.broadcast %add3A_1037 : i32 to vector<16xi32>
    %add3A_1039 = arith.addi %shift_right_arithmetic3A_1025, %add3A_1038 : vector<16xi32>
    tpu.vector_store_idx %arg7[%add3A_1039], %get3A_1019 masked %eq3A_1036 {add = true} : memref<256xf32, #tpu.memory_space<vmem>>[vector<16xi32>], vector<16xf32>, vector<16xi1>
    %get3A_1040 = arith.constant 672 : index
    %get3A_1041 = tpu.vector_load %arg5[%get3A_1040] {strides = array<i32>} : memref<1024xi32, #tpu.memory_space<vmem>>, vector<16xi32>,
    %get3A_1042 = arith.constant 672 : index
    %get3A_1043 = tpu.vector_load %arg6[%get3A_1042] {strides = array<i32>} : memref<1024xf32, #tpu.memory_space<vmem>>, vector<16xf32>,
    %add3A_1044 = arith.constant 672 : i32
    %add3A_1045 = vector.broadcast %add3A_1044 : i32 to vector<16xi32>
    %add3A_1046 = arith.addi %add3A_1045, %iota3A : vector<16xi32>
    %shift_right_arithmetic3A_1047 = arith.constant 3 : i32
    %shift_right_arithmetic3A_1048 = vector.broadcast %shift_right_arithmetic3A_1047 : i32 to vector<16xi32>
    %shift_right_arithmetic3A_1049 = arith.shrsi %add3A_1046, %shift_right_arithmetic3A_1048 : vector<16xi32>
    %add3A_1050 = arith.constant 0 : i32
    %add3A_1051 = arith.addi %mul3A_34, %add3A_1050 : i32
    %eq3A_1052 = vector.broadcast %add3A_1051 : i32 to vector<16xi32>
    %eq3A_1053 = arith.cmpi eq, %get3A_1041, %eq3A_1052 : vector<16xi32>
    %add3A_1054 = arith.constant 0 : i32
    %add3A_1055 = vector.broadcast %add3A_1054 : i32 to vector<16xi32>
    %add3A_1056 = arith.addi %shift_right_arithmetic3A_1049, %add3A_1055 : vector<16xi32>
    tpu.vector_store_idx %arg7[%add3A_1056], %get3A_1043 masked %eq3A_1053 {add = true} : memref<256xf32, #tpu.memory_space<vmem>>[vector<16xi32>], vector<16xf32>, vector<16xi1>
    %add3A_1057 = arith.constant 1 : i32
    %add3A_1058 = arith.addi %mul3A_34, %add3A_1057 : i32
    %eq3A_1059 = vector.broadcast %add3A_1058 : i32 to vector<16xi32>
    %eq3A_1060 = arith.cmpi eq, %get3A_1041, %eq3A_1059 : vector<16xi32>
    %add3A_1061 = arith.constant 128 : i32
    %add3A_1062 = vector.broadcast %add3A_1061 : i32 to vector<16xi32>
    %add3A_1063 = arith.addi %shift_right_arithmetic3A_1049, %add3A_1062 : vector<16xi32>
    tpu.vector_store_idx %arg7[%add3A_1063], %get3A_1043 masked %eq3A_1060 {add = true} : memref<256xf32, #tpu.memory_space<vmem>>[vector<16xi32>], vector<16xf32>, vector<16xi1>
    %get3A_1064 = arith.constant 688 : index
    %get3A_1065 = tpu.vector_load %arg5[%get3A_1064] {strides = array<i32>} : memref<1024xi32, #tpu.memory_space<vmem>>, vector<16xi32>,
    %get3A_1066 = arith.constant 688 : index
    %get3A_1067 = tpu.vector_load %arg6[%get3A_1066] {strides = array<i32>} : memref<1024xf32, #tpu.memory_space<vmem>>, vector<16xf32>,
    %add3A_1068 = arith.constant 688 : i32
    %add3A_1069 = vector.broadcast %add3A_1068 : i32 to vector<16xi32>
    %add3A_1070 = arith.addi %add3A_1069, %iota3A : vector<16xi32>
    %shift_right_arithmetic3A_1071 = arith.constant 3 : i32
    %shift_right_arithmetic3A_1072 = vector.broadcast %shift_right_arithmetic3A_1071 : i32 to vector<16xi32>
    %shift_right_arithmetic3A_1073 = arith.shrsi %add3A_1070, %shift_right_arithmetic3A_1072 : vector<16xi32>
    %add3A_1074 = arith.constant 0 : i32
    %add3A_1075 = arith.addi %mul3A_34, %add3A_1074 : i32
    %eq3A_1076 = vector.broadcast %add3A_1075 : i32 to vector<16xi32>
    %eq3A_1077 = arith.cmpi eq, %get3A_1065, %eq3A_1076 : vector<16xi32>
    %add3A_1078 = arith.constant 0 : i32
    %add3A_1079 = vector.broadcast %add3A_1078 : i32 to vector<16xi32>
    %add3A_1080 = arith.addi %shift_right_arithmetic3A_1073, %add3A_1079 : vector<16xi32>
    tpu.vector_store_idx %arg7[%add3A_1080], %get3A_1067 masked %eq3A_1077 {add = true} : memref<256xf32, #tpu.memory_space<vmem>>[vector<16xi32>], vector<16xf32>, vector<16xi1>
    %add3A_1081 = arith.constant 1 : i32
    %add3A_1082 = arith.addi %mul3A_34, %add3A_1081 : i32
    %eq3A_1083 = vector.broadcast %add3A_1082 : i32 to vector<16xi32>
    %eq3A_1084 = arith.cmpi eq, %get3A_1065, %eq3A_1083 : vector<16xi32>
    %add3A_1085 = arith.constant 128 : i32
    %add3A_1086 = vector.broadcast %add3A_1085 : i32 to vector<16xi32>
    %add3A_1087 = arith.addi %shift_right_arithmetic3A_1073, %add3A_1086 : vector<16xi32>
    tpu.vector_store_idx %arg7[%add3A_1087], %get3A_1067 masked %eq3A_1084 {add = true} : memref<256xf32, #tpu.memory_space<vmem>>[vector<16xi32>], vector<16xf32>, vector<16xi1>
    %get3A_1088 = arith.constant 704 : index
    %get3A_1089 = tpu.vector_load %arg5[%get3A_1088] {strides = array<i32>} : memref<1024xi32, #tpu.memory_space<vmem>>, vector<16xi32>,
    %get3A_1090 = arith.constant 704 : index
    %get3A_1091 = tpu.vector_load %arg6[%get3A_1090] {strides = array<i32>} : memref<1024xf32, #tpu.memory_space<vmem>>, vector<16xf32>,
    %add3A_1092 = arith.constant 704 : i32
    %add3A_1093 = vector.broadcast %add3A_1092 : i32 to vector<16xi32>
    %add3A_1094 = arith.addi %add3A_1093, %iota3A : vector<16xi32>
    %shift_right_arithmetic3A_1095 = arith.constant 3 : i32
    %shift_right_arithmetic3A_1096 = vector.broadcast %shift_right_arithmetic3A_1095 : i32 to vector<16xi32>
    %shift_right_arithmetic3A_1097 = arith.shrsi %add3A_1094, %shift_right_arithmetic3A_1096 : vector<16xi32>
    %add3A_1098 = arith.constant 0 : i32
    %add3A_1099 = arith.addi %mul3A_34, %add3A_1098 : i32
    %eq3A_1100 = vector.broadcast %add3A_1099 : i32 to vector<16xi32>
    %eq3A_1101 = arith.cmpi eq, %get3A_1089, %eq3A_1100 : vector<16xi32>
    %add3A_1102 = arith.constant 0 : i32
    %add3A_1103 = vector.broadcast %add3A_1102 : i32 to vector<16xi32>
    %add3A_1104 = arith.addi %shift_right_arithmetic3A_1097, %add3A_1103 : vector<16xi32>
    tpu.vector_store_idx %arg7[%add3A_1104], %get3A_1091 masked %eq3A_1101 {add = true} : memref<256xf32, #tpu.memory_space<vmem>>[vector<16xi32>], vector<16xf32>, vector<16xi1>
    %add3A_1105 = arith.constant 1 : i32
    %add3A_1106 = arith.addi %mul3A_34, %add3A_1105 : i32
    %eq3A_1107 = vector.broadcast %add3A_1106 : i32 to vector<16xi32>
    %eq3A_1108 = arith.cmpi eq, %get3A_1089, %eq3A_1107 : vector<16xi32>
    %add3A_1109 = arith.constant 128 : i32
    %add3A_1110 = vector.broadcast %add3A_1109 : i32 to vector<16xi32>
    %add3A_1111 = arith.addi %shift_right_arithmetic3A_1097, %add3A_1110 : vector<16xi32>
    tpu.vector_store_idx %arg7[%add3A_1111], %get3A_1091 masked %eq3A_1108 {add = true} : memref<256xf32, #tpu.memory_space<vmem>>[vector<16xi32>], vector<16xf32>, vector<16xi1>
    %get3A_1112 = arith.constant 720 : index
    %get3A_1113 = tpu.vector_load %arg5[%get3A_1112] {strides = array<i32>} : memref<1024xi32, #tpu.memory_space<vmem>>, vector<16xi32>,
    %get3A_1114 = arith.constant 720 : index
    %get3A_1115 = tpu.vector_load %arg6[%get3A_1114] {strides = array<i32>} : memref<1024xf32, #tpu.memory_space<vmem>>, vector<16xf32>,
    %add3A_1116 = arith.constant 720 : i32
    %add3A_1117 = vector.broadcast %add3A_1116 : i32 to vector<16xi32>
    %add3A_1118 = arith.addi %add3A_1117, %iota3A : vector<16xi32>
    %shift_right_arithmetic3A_1119 = arith.constant 3 : i32
    %shift_right_arithmetic3A_1120 = vector.broadcast %shift_right_arithmetic3A_1119 : i32 to vector<16xi32>
    %shift_right_arithmetic3A_1121 = arith.shrsi %add3A_1118, %shift_right_arithmetic3A_1120 : vector<16xi32>
    %add3A_1122 = arith.constant 0 : i32
    %add3A_1123 = arith.addi %mul3A_34, %add3A_1122 : i32
    %eq3A_1124 = vector.broadcast %add3A_1123 : i32 to vector<16xi32>
    %eq3A_1125 = arith.cmpi eq, %get3A_1113, %eq3A_1124 : vector<16xi32>
    %add3A_1126 = arith.constant 0 : i32
    %add3A_1127 = vector.broadcast %add3A_1126 : i32 to vector<16xi32>
    %add3A_1128 = arith.addi %shift_right_arithmetic3A_1121, %add3A_1127 : vector<16xi32>
    tpu.vector_store_idx %arg7[%add3A_1128], %get3A_1115 masked %eq3A_1125 {add = true} : memref<256xf32, #tpu.memory_space<vmem>>[vector<16xi32>], vector<16xf32>, vector<16xi1>
    %add3A_1129 = arith.constant 1 : i32
    %add3A_1130 = arith.addi %mul3A_34, %add3A_1129 : i32
    %eq3A_1131 = vector.broadcast %add3A_1130 : i32 to vector<16xi32>
    %eq3A_1132 = arith.cmpi eq, %get3A_1113, %eq3A_1131 : vector<16xi32>
    %add3A_1133 = arith.constant 128 : i32
    %add3A_1134 = vector.broadcast %add3A_1133 : i32 to vector<16xi32>
    %add3A_1135 = arith.addi %shift_right_arithmetic3A_1121, %add3A_1134 : vector<16xi32>
    tpu.vector_store_idx %arg7[%add3A_1135], %get3A_1115 masked %eq3A_1132 {add = true} : memref<256xf32, #tpu.memory_space<vmem>>[vector<16xi32>], vector<16xf32>, vector<16xi1>
    %get3A_1136 = arith.constant 736 : index
    %get3A_1137 = tpu.vector_load %arg5[%get3A_1136] {strides = array<i32>} : memref<1024xi32, #tpu.memory_space<vmem>>, vector<16xi32>,
    %get3A_1138 = arith.constant 736 : index
    %get3A_1139 = tpu.vector_load %arg6[%get3A_1138] {strides = array<i32>} : memref<1024xf32, #tpu.memory_space<vmem>>, vector<16xf32>,
    %add3A_1140 = arith.constant 736 : i32
    %add3A_1141 = vector.broadcast %add3A_1140 : i32 to vector<16xi32>
    %add3A_1142 = arith.addi %add3A_1141, %iota3A : vector<16xi32>
    %shift_right_arithmetic3A_1143 = arith.constant 3 : i32
    %shift_right_arithmetic3A_1144 = vector.broadcast %shift_right_arithmetic3A_1143 : i32 to vector<16xi32>
    %shift_right_arithmetic3A_1145 = arith.shrsi %add3A_1142, %shift_right_arithmetic3A_1144 : vector<16xi32>
    %add3A_1146 = arith.constant 0 : i32
    %add3A_1147 = arith.addi %mul3A_34, %add3A_1146 : i32
    %eq3A_1148 = vector.broadcast %add3A_1147 : i32 to vector<16xi32>
    %eq3A_1149 = arith.cmpi eq, %get3A_1137, %eq3A_1148 : vector<16xi32>
    %add3A_1150 = arith.constant 0 : i32
    %add3A_1151 = vector.broadcast %add3A_1150 : i32 to vector<16xi32>
    %add3A_1152 = arith.addi %shift_right_arithmetic3A_1145, %add3A_1151 : vector<16xi32>
    tpu.vector_store_idx %arg7[%add3A_1152], %get3A_1139 masked %eq3A_1149 {add = true} : memref<256xf32, #tpu.memory_space<vmem>>[vector<16xi32>], vector<16xf32>, vector<16xi1>
    %add3A_1153 = arith.constant 1 : i32
    %add3A_1154 = arith.addi %mul3A_34, %add3A_1153 : i32
    %eq3A_1155 = vector.broadcast %add3A_1154 : i32 to vector<16xi32>
    %eq3A_1156 = arith.cmpi eq, %get3A_1137, %eq3A_1155 : vector<16xi32>
    %add3A_1157 = arith.constant 128 : i32
    %add3A_1158 = vector.broadcast %add3A_1157 : i32 to vector<16xi32>
    %add3A_1159 = arith.addi %shift_right_arithmetic3A_1145, %add3A_1158 : vector<16xi32>
    tpu.vector_store_idx %arg7[%add3A_1159], %get3A_1139 masked %eq3A_1156 {add = true} : memref<256xf32, #tpu.memory_space<vmem>>[vector<16xi32>], vector<16xf32>, vector<16xi1>
    %get3A_1160 = arith.constant 752 : index
    %get3A_1161 = tpu.vector_load %arg5[%get3A_1160] {strides = array<i32>} : memref<1024xi32, #tpu.memory_space<vmem>>, vector<16xi32>,
    %get3A_1162 = arith.constant 752 : index
    %get3A_1163 = tpu.vector_load %arg6[%get3A_1162] {strides = array<i32>} : memref<1024xf32, #tpu.memory_space<vmem>>, vector<16xf32>,
    %add3A_1164 = arith.constant 752 : i32
    %add3A_1165 = vector.broadcast %add3A_1164 : i32 to vector<16xi32>
    %add3A_1166 = arith.addi %add3A_1165, %iota3A : vector<16xi32>
    %shift_right_arithmetic3A_1167 = arith.constant 3 : i32
    %shift_right_arithmetic3A_1168 = vector.broadcast %shift_right_arithmetic3A_1167 : i32 to vector<16xi32>
    %shift_right_arithmetic3A_1169 = arith.shrsi %add3A_1166, %shift_right_arithmetic3A_1168 : vector<16xi32>
    %add3A_1170 = arith.constant 0 : i32
    %add3A_1171 = arith.addi %mul3A_34, %add3A_1170 : i32
    %eq3A_1172 = vector.broadcast %add3A_1171 : i32 to vector<16xi32>
    %eq3A_1173 = arith.cmpi eq, %get3A_1161, %eq3A_1172 : vector<16xi32>
    %add3A_1174 = arith.constant 0 : i32
    %add3A_1175 = vector.broadcast %add3A_1174 : i32 to vector<16xi32>
    %add3A_1176 = arith.addi %shift_right_arithmetic3A_1169, %add3A_1175 : vector<16xi32>
    tpu.vector_store_idx %arg7[%add3A_1176], %get3A_1163 masked %eq3A_1173 {add = true} : memref<256xf32, #tpu.memory_space<vmem>>[vector<16xi32>], vector<16xf32>, vector<16xi1>
    %add3A_1177 = arith.constant 1 : i32
    %add3A_1178 = arith.addi %mul3A_34, %add3A_1177 : i32
    %eq3A_1179 = vector.broadcast %add3A_1178 : i32 to vector<16xi32>
    %eq3A_1180 = arith.cmpi eq, %get3A_1161, %eq3A_1179 : vector<16xi32>
    %add3A_1181 = arith.constant 128 : i32
    %add3A_1182 = vector.broadcast %add3A_1181 : i32 to vector<16xi32>
    %add3A_1183 = arith.addi %shift_right_arithmetic3A_1169, %add3A_1182 : vector<16xi32>
    tpu.vector_store_idx %arg7[%add3A_1183], %get3A_1163 masked %eq3A_1180 {add = true} : memref<256xf32, #tpu.memory_space<vmem>>[vector<16xi32>], vector<16xf32>, vector<16xi1>
    %get3A_1184 = arith.constant 768 : index
    %get3A_1185 = tpu.vector_load %arg5[%get3A_1184] {strides = array<i32>} : memref<1024xi32, #tpu.memory_space<vmem>>, vector<16xi32>,
    %get3A_1186 = arith.constant 768 : index
    %get3A_1187 = tpu.vector_load %arg6[%get3A_1186] {strides = array<i32>} : memref<1024xf32, #tpu.memory_space<vmem>>, vector<16xf32>,
    %add3A_1188 = arith.constant 768 : i32
    %add3A_1189 = vector.broadcast %add3A_1188 : i32 to vector<16xi32>
    %add3A_1190 = arith.addi %add3A_1189, %iota3A : vector<16xi32>
    %shift_right_arithmetic3A_1191 = arith.constant 3 : i32
    %shift_right_arithmetic3A_1192 = vector.broadcast %shift_right_arithmetic3A_1191 : i32 to vector<16xi32>
    %shift_right_arithmetic3A_1193 = arith.shrsi %add3A_1190, %shift_right_arithmetic3A_1192 : vector<16xi32>
    %add3A_1194 = arith.constant 0 : i32
    %add3A_1195 = arith.addi %mul3A_34, %add3A_1194 : i32
    %eq3A_1196 = vector.broadcast %add3A_1195 : i32 to vector<16xi32>
    %eq3A_1197 = arith.cmpi eq, %get3A_1185, %eq3A_1196 : vector<16xi32>
    %add3A_1198 = arith.constant 0 : i32
    %add3A_1199 = vector.broadcast %add3A_1198 : i32 to vector<16xi32>
    %add3A_1200 = arith.addi %shift_right_arithmetic3A_1193, %add3A_1199 : vector<16xi32>
    tpu.vector_store_idx %arg7[%add3A_1200], %get3A_1187 masked %eq3A_1197 {add = true} : memref<256xf32, #tpu.memory_space<vmem>>[vector<16xi32>], vector<16xf32>, vector<16xi1>
    %add3A_1201 = arith.constant 1 : i32
    %add3A_1202 = arith.addi %mul3A_34, %add3A_1201 : i32
    %eq3A_1203 = vector.broadcast %add3A_1202 : i32 to vector<16xi32>
    %eq3A_1204 = arith.cmpi eq, %get3A_1185, %eq3A_1203 : vector<16xi32>
    %add3A_1205 = arith.constant 128 : i32
    %add3A_1206 = vector.broadcast %add3A_1205 : i32 to vector<16xi32>
    %add3A_1207 = arith.addi %shift_right_arithmetic3A_1193, %add3A_1206 : vector<16xi32>
    tpu.vector_store_idx %arg7[%add3A_1207], %get3A_1187 masked %eq3A_1204 {add = true} : memref<256xf32, #tpu.memory_space<vmem>>[vector<16xi32>], vector<16xf32>, vector<16xi1>
    %get3A_1208 = arith.constant 784 : index
    %get3A_1209 = tpu.vector_load %arg5[%get3A_1208] {strides = array<i32>} : memref<1024xi32, #tpu.memory_space<vmem>>, vector<16xi32>,
    %get3A_1210 = arith.constant 784 : index
    %get3A_1211 = tpu.vector_load %arg6[%get3A_1210] {strides = array<i32>} : memref<1024xf32, #tpu.memory_space<vmem>>, vector<16xf32>,
    %add3A_1212 = arith.constant 784 : i32
    %add3A_1213 = vector.broadcast %add3A_1212 : i32 to vector<16xi32>
    %add3A_1214 = arith.addi %add3A_1213, %iota3A : vector<16xi32>
    %shift_right_arithmetic3A_1215 = arith.constant 3 : i32
    %shift_right_arithmetic3A_1216 = vector.broadcast %shift_right_arithmetic3A_1215 : i32 to vector<16xi32>
    %shift_right_arithmetic3A_1217 = arith.shrsi %add3A_1214, %shift_right_arithmetic3A_1216 : vector<16xi32>
    %add3A_1218 = arith.constant 0 : i32
    %add3A_1219 = arith.addi %mul3A_34, %add3A_1218 : i32
    %eq3A_1220 = vector.broadcast %add3A_1219 : i32 to vector<16xi32>
    %eq3A_1221 = arith.cmpi eq, %get3A_1209, %eq3A_1220 : vector<16xi32>
    %add3A_1222 = arith.constant 0 : i32
    %add3A_1223 = vector.broadcast %add3A_1222 : i32 to vector<16xi32>
    %add3A_1224 = arith.addi %shift_right_arithmetic3A_1217, %add3A_1223 : vector<16xi32>
    tpu.vector_store_idx %arg7[%add3A_1224], %get3A_1211 masked %eq3A_1221 {add = true} : memref<256xf32, #tpu.memory_space<vmem>>[vector<16xi32>], vector<16xf32>, vector<16xi1>
    %add3A_1225 = arith.constant 1 : i32
    %add3A_1226 = arith.addi %mul3A_34, %add3A_1225 : i32
    %eq3A_1227 = vector.broadcast %add3A_1226 : i32 to vector<16xi32>
    %eq3A_1228 = arith.cmpi eq, %get3A_1209, %eq3A_1227 : vector<16xi32>
    %add3A_1229 = arith.constant 128 : i32
    %add3A_1230 = vector.broadcast %add3A_1229 : i32 to vector<16xi32>
    %add3A_1231 = arith.addi %shift_right_arithmetic3A_1217, %add3A_1230 : vector<16xi32>
    tpu.vector_store_idx %arg7[%add3A_1231], %get3A_1211 masked %eq3A_1228 {add = true} : memref<256xf32, #tpu.memory_space<vmem>>[vector<16xi32>], vector<16xf32>, vector<16xi1>
    %get3A_1232 = arith.constant 800 : index
    %get3A_1233 = tpu.vector_load %arg5[%get3A_1232] {strides = array<i32>} : memref<1024xi32, #tpu.memory_space<vmem>>, vector<16xi32>,
    %get3A_1234 = arith.constant 800 : index
    %get3A_1235 = tpu.vector_load %arg6[%get3A_1234] {strides = array<i32>} : memref<1024xf32, #tpu.memory_space<vmem>>, vector<16xf32>,
    %add3A_1236 = arith.constant 800 : i32
    %add3A_1237 = vector.broadcast %add3A_1236 : i32 to vector<16xi32>
    %add3A_1238 = arith.addi %add3A_1237, %iota3A : vector<16xi32>
    %shift_right_arithmetic3A_1239 = arith.constant 3 : i32
    %shift_right_arithmetic3A_1240 = vector.broadcast %shift_right_arithmetic3A_1239 : i32 to vector<16xi32>
    %shift_right_arithmetic3A_1241 = arith.shrsi %add3A_1238, %shift_right_arithmetic3A_1240 : vector<16xi32>
    %add3A_1242 = arith.constant 0 : i32
    %add3A_1243 = arith.addi %mul3A_34, %add3A_1242 : i32
    %eq3A_1244 = vector.broadcast %add3A_1243 : i32 to vector<16xi32>
    %eq3A_1245 = arith.cmpi eq, %get3A_1233, %eq3A_1244 : vector<16xi32>
    %add3A_1246 = arith.constant 0 : i32
    %add3A_1247 = vector.broadcast %add3A_1246 : i32 to vector<16xi32>
    %add3A_1248 = arith.addi %shift_right_arithmetic3A_1241, %add3A_1247 : vector<16xi32>
    tpu.vector_store_idx %arg7[%add3A_1248], %get3A_1235 masked %eq3A_1245 {add = true} : memref<256xf32, #tpu.memory_space<vmem>>[vector<16xi32>], vector<16xf32>, vector<16xi1>
    %add3A_1249 = arith.constant 1 : i32
    %add3A_1250 = arith.addi %mul3A_34, %add3A_1249 : i32
    %eq3A_1251 = vector.broadcast %add3A_1250 : i32 to vector<16xi32>
    %eq3A_1252 = arith.cmpi eq, %get3A_1233, %eq3A_1251 : vector<16xi32>
    %add3A_1253 = arith.constant 128 : i32
    %add3A_1254 = vector.broadcast %add3A_1253 : i32 to vector<16xi32>
    %add3A_1255 = arith.addi %shift_right_arithmetic3A_1241, %add3A_1254 : vector<16xi32>
    tpu.vector_store_idx %arg7[%add3A_1255], %get3A_1235 masked %eq3A_1252 {add = true} : memref<256xf32, #tpu.memory_space<vmem>>[vector<16xi32>], vector<16xf32>, vector<16xi1>
    %get3A_1256 = arith.constant 816 : index
    %get3A_1257 = tpu.vector_load %arg5[%get3A_1256] {strides = array<i32>} : memref<1024xi32, #tpu.memory_space<vmem>>, vector<16xi32>,
    %get3A_1258 = arith.constant 816 : index
    %get3A_1259 = tpu.vector_load %arg6[%get3A_1258] {strides = array<i32>} : memref<1024xf32, #tpu.memory_space<vmem>>, vector<16xf32>,
    %add3A_1260 = arith.constant 816 : i32
    %add3A_1261 = vector.broadcast %add3A_1260 : i32 to vector<16xi32>
    %add3A_1262 = arith.addi %add3A_1261, %iota3A : vector<16xi32>
    %shift_right_arithmetic3A_1263 = arith.constant 3 : i32
    %shift_right_arithmetic3A_1264 = vector.broadcast %shift_right_arithmetic3A_1263 : i32 to vector<16xi32>
    %shift_right_arithmetic3A_1265 = arith.shrsi %add3A_1262, %shift_right_arithmetic3A_1264 : vector<16xi32>
    %add3A_1266 = arith.constant 0 : i32
    %add3A_1267 = arith.addi %mul3A_34, %add3A_1266 : i32
    %eq3A_1268 = vector.broadcast %add3A_1267 : i32 to vector<16xi32>
    %eq3A_1269 = arith.cmpi eq, %get3A_1257, %eq3A_1268 : vector<16xi32>
    %add3A_1270 = arith.constant 0 : i32
    %add3A_1271 = vector.broadcast %add3A_1270 : i32 to vector<16xi32>
    %add3A_1272 = arith.addi %shift_right_arithmetic3A_1265, %add3A_1271 : vector<16xi32>
    tpu.vector_store_idx %arg7[%add3A_1272], %get3A_1259 masked %eq3A_1269 {add = true} : memref<256xf32, #tpu.memory_space<vmem>>[vector<16xi32>], vector<16xf32>, vector<16xi1>
    %add3A_1273 = arith.constant 1 : i32
    %add3A_1274 = arith.addi %mul3A_34, %add3A_1273 : i32
    %eq3A_1275 = vector.broadcast %add3A_1274 : i32 to vector<16xi32>
    %eq3A_1276 = arith.cmpi eq, %get3A_1257, %eq3A_1275 : vector<16xi32>
    %add3A_1277 = arith.constant 128 : i32
    %add3A_1278 = vector.broadcast %add3A_1277 : i32 to vector<16xi32>
    %add3A_1279 = arith.addi %shift_right_arithmetic3A_1265, %add3A_1278 : vector<16xi32>
    tpu.vector_store_idx %arg7[%add3A_1279], %get3A_1259 masked %eq3A_1276 {add = true} : memref<256xf32, #tpu.memory_space<vmem>>[vector<16xi32>], vector<16xf32>, vector<16xi1>
    %get3A_1280 = arith.constant 832 : index
    %get3A_1281 = tpu.vector_load %arg5[%get3A_1280] {strides = array<i32>} : memref<1024xi32, #tpu.memory_space<vmem>>, vector<16xi32>,
    %get3A_1282 = arith.constant 832 : index
    %get3A_1283 = tpu.vector_load %arg6[%get3A_1282] {strides = array<i32>} : memref<1024xf32, #tpu.memory_space<vmem>>, vector<16xf32>,
    %add3A_1284 = arith.constant 832 : i32
    %add3A_1285 = vector.broadcast %add3A_1284 : i32 to vector<16xi32>
    %add3A_1286 = arith.addi %add3A_1285, %iota3A : vector<16xi32>
    %shift_right_arithmetic3A_1287 = arith.constant 3 : i32
    %shift_right_arithmetic3A_1288 = vector.broadcast %shift_right_arithmetic3A_1287 : i32 to vector<16xi32>
    %shift_right_arithmetic3A_1289 = arith.shrsi %add3A_1286, %shift_right_arithmetic3A_1288 : vector<16xi32>
    %add3A_1290 = arith.constant 0 : i32
    %add3A_1291 = arith.addi %mul3A_34, %add3A_1290 : i32
    %eq3A_1292 = vector.broadcast %add3A_1291 : i32 to vector<16xi32>
    %eq3A_1293 = arith.cmpi eq, %get3A_1281, %eq3A_1292 : vector<16xi32>
    %add3A_1294 = arith.constant 0 : i32
    %add3A_1295 = vector.broadcast %add3A_1294 : i32 to vector<16xi32>
    %add3A_1296 = arith.addi %shift_right_arithmetic3A_1289, %add3A_1295 : vector<16xi32>
    tpu.vector_store_idx %arg7[%add3A_1296], %get3A_1283 masked %eq3A_1293 {add = true} : memref<256xf32, #tpu.memory_space<vmem>>[vector<16xi32>], vector<16xf32>, vector<16xi1>
    %add3A_1297 = arith.constant 1 : i32
    %add3A_1298 = arith.addi %mul3A_34, %add3A_1297 : i32
    %eq3A_1299 = vector.broadcast %add3A_1298 : i32 to vector<16xi32>
    %eq3A_1300 = arith.cmpi eq, %get3A_1281, %eq3A_1299 : vector<16xi32>
    %add3A_1301 = arith.constant 128 : i32
    %add3A_1302 = vector.broadcast %add3A_1301 : i32 to vector<16xi32>
    %add3A_1303 = arith.addi %shift_right_arithmetic3A_1289, %add3A_1302 : vector<16xi32>
    tpu.vector_store_idx %arg7[%add3A_1303], %get3A_1283 masked %eq3A_1300 {add = true} : memref<256xf32, #tpu.memory_space<vmem>>[vector<16xi32>], vector<16xf32>, vector<16xi1>
    %get3A_1304 = arith.constant 848 : index
    %get3A_1305 = tpu.vector_load %arg5[%get3A_1304] {strides = array<i32>} : memref<1024xi32, #tpu.memory_space<vmem>>, vector<16xi32>,
    %get3A_1306 = arith.constant 848 : index
    %get3A_1307 = tpu.vector_load %arg6[%get3A_1306] {strides = array<i32>} : memref<1024xf32, #tpu.memory_space<vmem>>, vector<16xf32>,
    %add3A_1308 = arith.constant 848 : i32
    %add3A_1309 = vector.broadcast %add3A_1308 : i32 to vector<16xi32>
    %add3A_1310 = arith.addi %add3A_1309, %iota3A : vector<16xi32>
    %shift_right_arithmetic3A_1311 = arith.constant 3 : i32
    %shift_right_arithmetic3A_1312 = vector.broadcast %shift_right_arithmetic3A_1311 : i32 to vector<16xi32>
    %shift_right_arithmetic3A_1313 = arith.shrsi %add3A_1310, %shift_right_arithmetic3A_1312 : vector<16xi32>
    %add3A_1314 = arith.constant 0 : i32
    %add3A_1315 = arith.addi %mul3A_34, %add3A_1314 : i32
    %eq3A_1316 = vector.broadcast %add3A_1315 : i32 to vector<16xi32>
    %eq3A_1317 = arith.cmpi eq, %get3A_1305, %eq3A_1316 : vector<16xi32>
    %add3A_1318 = arith.constant 0 : i32
    %add3A_1319 = vector.broadcast %add3A_1318 : i32 to vector<16xi32>
    %add3A_1320 = arith.addi %shift_right_arithmetic3A_1313, %add3A_1319 : vector<16xi32>
    tpu.vector_store_idx %arg7[%add3A_1320], %get3A_1307 masked %eq3A_1317 {add = true} : memref<256xf32, #tpu.memory_space<vmem>>[vector<16xi32>], vector<16xf32>, vector<16xi1>
    %add3A_1321 = arith.constant 1 : i32
    %add3A_1322 = arith.addi %mul3A_34, %add3A_1321 : i32
    %eq3A_1323 = vector.broadcast %add3A_1322 : i32 to vector<16xi32>
    %eq3A_1324 = arith.cmpi eq, %get3A_1305, %eq3A_1323 : vector<16xi32>
    %add3A_1325 = arith.constant 128 : i32
    %add3A_1326 = vector.broadcast %add3A_1325 : i32 to vector<16xi32>
    %add3A_1327 = arith.addi %shift_right_arithmetic3A_1313, %add3A_1326 : vector<16xi32>
    tpu.vector_store_idx %arg7[%add3A_1327], %get3A_1307 masked %eq3A_1324 {add = true} : memref<256xf32, #tpu.memory_space<vmem>>[vector<16xi32>], vector<16xf32>, vector<16xi1>
    %get3A_1328 = arith.constant 864 : index
    %get3A_1329 = tpu.vector_load %arg5[%get3A_1328] {strides = array<i32>} : memref<1024xi32, #tpu.memory_space<vmem>>, vector<16xi32>,
    %get3A_1330 = arith.constant 864 : index
    %get3A_1331 = tpu.vector_load %arg6[%get3A_1330] {strides = array<i32>} : memref<1024xf32, #tpu.memory_space<vmem>>, vector<16xf32>,
    %add3A_1332 = arith.constant 864 : i32
    %add3A_1333 = vector.broadcast %add3A_1332 : i32 to vector<16xi32>
    %add3A_1334 = arith.addi %add3A_1333, %iota3A : vector<16xi32>
    %shift_right_arithmetic3A_1335 = arith.constant 3 : i32
    %shift_right_arithmetic3A_1336 = vector.broadcast %shift_right_arithmetic3A_1335 : i32 to vector<16xi32>
    %shift_right_arithmetic3A_1337 = arith.shrsi %add3A_1334, %shift_right_arithmetic3A_1336 : vector<16xi32>
    %add3A_1338 = arith.constant 0 : i32
    %add3A_1339 = arith.addi %mul3A_34, %add3A_1338 : i32
    %eq3A_1340 = vector.broadcast %add3A_1339 : i32 to vector<16xi32>
    %eq3A_1341 = arith.cmpi eq, %get3A_1329, %eq3A_1340 : vector<16xi32>
    %add3A_1342 = arith.constant 0 : i32
    %add3A_1343 = vector.broadcast %add3A_1342 : i32 to vector<16xi32>
    %add3A_1344 = arith.addi %shift_right_arithmetic3A_1337, %add3A_1343 : vector<16xi32>
    tpu.vector_store_idx %arg7[%add3A_1344], %get3A_1331 masked %eq3A_1341 {add = true} : memref<256xf32, #tpu.memory_space<vmem>>[vector<16xi32>], vector<16xf32>, vector<16xi1>
    %add3A_1345 = arith.constant 1 : i32
    %add3A_1346 = arith.addi %mul3A_34, %add3A_1345 : i32
    %eq3A_1347 = vector.broadcast %add3A_1346 : i32 to vector<16xi32>
    %eq3A_1348 = arith.cmpi eq, %get3A_1329, %eq3A_1347 : vector<16xi32>
    %add3A_1349 = arith.constant 128 : i32
    %add3A_1350 = vector.broadcast %add3A_1349 : i32 to vector<16xi32>
    %add3A_1351 = arith.addi %shift_right_arithmetic3A_1337, %add3A_1350 : vector<16xi32>
    tpu.vector_store_idx %arg7[%add3A_1351], %get3A_1331 masked %eq3A_1348 {add = true} : memref<256xf32, #tpu.memory_space<vmem>>[vector<16xi32>], vector<16xf32>, vector<16xi1>
    %get3A_1352 = arith.constant 880 : index
    %get3A_1353 = tpu.vector_load %arg5[%get3A_1352] {strides = array<i32>} : memref<1024xi32, #tpu.memory_space<vmem>>, vector<16xi32>,
    %get3A_1354 = arith.constant 880 : index
    %get3A_1355 = tpu.vector_load %arg6[%get3A_1354] {strides = array<i32>} : memref<1024xf32, #tpu.memory_space<vmem>>, vector<16xf32>,
    %add3A_1356 = arith.constant 880 : i32
    %add3A_1357 = vector.broadcast %add3A_1356 : i32 to vector<16xi32>
    %add3A_1358 = arith.addi %add3A_1357, %iota3A : vector<16xi32>
    %shift_right_arithmetic3A_1359 = arith.constant 3 : i32
    %shift_right_arithmetic3A_1360 = vector.broadcast %shift_right_arithmetic3A_1359 : i32 to vector<16xi32>
    %shift_right_arithmetic3A_1361 = arith.shrsi %add3A_1358, %shift_right_arithmetic3A_1360 : vector<16xi32>
    %add3A_1362 = arith.constant 0 : i32
    %add3A_1363 = arith.addi %mul3A_34, %add3A_1362 : i32
    %eq3A_1364 = vector.broadcast %add3A_1363 : i32 to vector<16xi32>
    %eq3A_1365 = arith.cmpi eq, %get3A_1353, %eq3A_1364 : vector<16xi32>
    %add3A_1366 = arith.constant 0 : i32
    %add3A_1367 = vector.broadcast %add3A_1366 : i32 to vector<16xi32>
    %add3A_1368 = arith.addi %shift_right_arithmetic3A_1361, %add3A_1367 : vector<16xi32>
    tpu.vector_store_idx %arg7[%add3A_1368], %get3A_1355 masked %eq3A_1365 {add = true} : memref<256xf32, #tpu.memory_space<vmem>>[vector<16xi32>], vector<16xf32>, vector<16xi1>
    %add3A_1369 = arith.constant 1 : i32
    %add3A_1370 = arith.addi %mul3A_34, %add3A_1369 : i32
    %eq3A_1371 = vector.broadcast %add3A_1370 : i32 to vector<16xi32>
    %eq3A_1372 = arith.cmpi eq, %get3A_1353, %eq3A_1371 : vector<16xi32>
    %add3A_1373 = arith.constant 128 : i32
    %add3A_1374 = vector.broadcast %add3A_1373 : i32 to vector<16xi32>
    %add3A_1375 = arith.addi %shift_right_arithmetic3A_1361, %add3A_1374 : vector<16xi32>
    tpu.vector_store_idx %arg7[%add3A_1375], %get3A_1355 masked %eq3A_1372 {add = true} : memref<256xf32, #tpu.memory_space<vmem>>[vector<16xi32>], vector<16xf32>, vector<16xi1>
    %get3A_1376 = arith.constant 896 : index
    %get3A_1377 = tpu.vector_load %arg5[%get3A_1376] {strides = array<i32>} : memref<1024xi32, #tpu.memory_space<vmem>>, vector<16xi32>,
    %get3A_1378 = arith.constant 896 : index
    %get3A_1379 = tpu.vector_load %arg6[%get3A_1378] {strides = array<i32>} : memref<1024xf32, #tpu.memory_space<vmem>>, vector<16xf32>,
    %add3A_1380 = arith.constant 896 : i32
    %add3A_1381 = vector.broadcast %add3A_1380 : i32 to vector<16xi32>
    %add3A_1382 = arith.addi %add3A_1381, %iota3A : vector<16xi32>
    %shift_right_arithmetic3A_1383 = arith.constant 3 : i32
    %shift_right_arithmetic3A_1384 = vector.broadcast %shift_right_arithmetic3A_1383 : i32 to vector<16xi32>
    %shift_right_arithmetic3A_1385 = arith.shrsi %add3A_1382, %shift_right_arithmetic3A_1384 : vector<16xi32>
    %add3A_1386 = arith.constant 0 : i32
    %add3A_1387 = arith.addi %mul3A_34, %add3A_1386 : i32
    %eq3A_1388 = vector.broadcast %add3A_1387 : i32 to vector<16xi32>
    %eq3A_1389 = arith.cmpi eq, %get3A_1377, %eq3A_1388 : vector<16xi32>
    %add3A_1390 = arith.constant 0 : i32
    %add3A_1391 = vector.broadcast %add3A_1390 : i32 to vector<16xi32>
    %add3A_1392 = arith.addi %shift_right_arithmetic3A_1385, %add3A_1391 : vector<16xi32>
    tpu.vector_store_idx %arg7[%add3A_1392], %get3A_1379 masked %eq3A_1389 {add = true} : memref<256xf32, #tpu.memory_space<vmem>>[vector<16xi32>], vector<16xf32>, vector<16xi1>
    %add3A_1393 = arith.constant 1 : i32
    %add3A_1394 = arith.addi %mul3A_34, %add3A_1393 : i32
    %eq3A_1395 = vector.broadcast %add3A_1394 : i32 to vector<16xi32>
    %eq3A_1396 = arith.cmpi eq, %get3A_1377, %eq3A_1395 : vector<16xi32>
    %add3A_1397 = arith.constant 128 : i32
    %add3A_1398 = vector.broadcast %add3A_1397 : i32 to vector<16xi32>
    %add3A_1399 = arith.addi %shift_right_arithmetic3A_1385, %add3A_1398 : vector<16xi32>
    tpu.vector_store_idx %arg7[%add3A_1399], %get3A_1379 masked %eq3A_1396 {add = true} : memref<256xf32, #tpu.memory_space<vmem>>[vector<16xi32>], vector<16xf32>, vector<16xi1>
    %get3A_1400 = arith.constant 912 : index
    %get3A_1401 = tpu.vector_load %arg5[%get3A_1400] {strides = array<i32>} : memref<1024xi32, #tpu.memory_space<vmem>>, vector<16xi32>,
    %get3A_1402 = arith.constant 912 : index
    %get3A_1403 = tpu.vector_load %arg6[%get3A_1402] {strides = array<i32>} : memref<1024xf32, #tpu.memory_space<vmem>>, vector<16xf32>,
    %add3A_1404 = arith.constant 912 : i32
    %add3A_1405 = vector.broadcast %add3A_1404 : i32 to vector<16xi32>
    %add3A_1406 = arith.addi %add3A_1405, %iota3A : vector<16xi32>
    %shift_right_arithmetic3A_1407 = arith.constant 3 : i32
    %shift_right_arithmetic3A_1408 = vector.broadcast %shift_right_arithmetic3A_1407 : i32 to vector<16xi32>
    %shift_right_arithmetic3A_1409 = arith.shrsi %add3A_1406, %shift_right_arithmetic3A_1408 : vector<16xi32>
    %add3A_1410 = arith.constant 0 : i32
    %add3A_1411 = arith.addi %mul3A_34, %add3A_1410 : i32
    %eq3A_1412 = vector.broadcast %add3A_1411 : i32 to vector<16xi32>
    %eq3A_1413 = arith.cmpi eq, %get3A_1401, %eq3A_1412 : vector<16xi32>
    %add3A_1414 = arith.constant 0 : i32
    %add3A_1415 = vector.broadcast %add3A_1414 : i32 to vector<16xi32>
    %add3A_1416 = arith.addi %shift_right_arithmetic3A_1409, %add3A_1415 : vector<16xi32>
    tpu.vector_store_idx %arg7[%add3A_1416], %get3A_1403 masked %eq3A_1413 {add = true} : memref<256xf32, #tpu.memory_space<vmem>>[vector<16xi32>], vector<16xf32>, vector<16xi1>
    %add3A_1417 = arith.constant 1 : i32
    %add3A_1418 = arith.addi %mul3A_34, %add3A_1417 : i32
    %eq3A_1419 = vector.broadcast %add3A_1418 : i32 to vector<16xi32>
    %eq3A_1420 = arith.cmpi eq, %get3A_1401, %eq3A_1419 : vector<16xi32>
    %add3A_1421 = arith.constant 128 : i32
    %add3A_1422 = vector.broadcast %add3A_1421 : i32 to vector<16xi32>
    %add3A_1423 = arith.addi %shift_right_arithmetic3A_1409, %add3A_1422 : vector<16xi32>
    tpu.vector_store_idx %arg7[%add3A_1423], %get3A_1403 masked %eq3A_1420 {add = true} : memref<256xf32, #tpu.memory_space<vmem>>[vector<16xi32>], vector<16xf32>, vector<16xi1>
    %get3A_1424 = arith.constant 928 : index
    %get3A_1425 = tpu.vector_load %arg5[%get3A_1424] {strides = array<i32>} : memref<1024xi32, #tpu.memory_space<vmem>>, vector<16xi32>,
    %get3A_1426 = arith.constant 928 : index
    %get3A_1427 = tpu.vector_load %arg6[%get3A_1426] {strides = array<i32>} : memref<1024xf32, #tpu.memory_space<vmem>>, vector<16xf32>,
    %add3A_1428 = arith.constant 928 : i32
    %add3A_1429 = vector.broadcast %add3A_1428 : i32 to vector<16xi32>
    %add3A_1430 = arith.addi %add3A_1429, %iota3A : vector<16xi32>
    %shift_right_arithmetic3A_1431 = arith.constant 3 : i32
    %shift_right_arithmetic3A_1432 = vector.broadcast %shift_right_arithmetic3A_1431 : i32 to vector<16xi32>
    %shift_right_arithmetic3A_1433 = arith.shrsi %add3A_1430, %shift_right_arithmetic3A_1432 : vector<16xi32>
    %add3A_1434 = arith.constant 0 : i32
    %add3A_1435 = arith.addi %mul3A_34, %add3A_1434 : i32
    %eq3A_1436 = vector.broadcast %add3A_1435 : i32 to vector<16xi32>
    %eq3A_1437 = arith.cmpi eq, %get3A_1425, %eq3A_1436 : vector<16xi32>
    %add3A_1438 = arith.constant 0 : i32
    %add3A_1439 = vector.broadcast %add3A_1438 : i32 to vector<16xi32>
    %add3A_1440 = arith.addi %shift_right_arithmetic3A_1433, %add3A_1439 : vector<16xi32>
    tpu.vector_store_idx %arg7[%add3A_1440], %get3A_1427 masked %eq3A_1437 {add = true} : memref<256xf32, #tpu.memory_space<vmem>>[vector<16xi32>], vector<16xf32>, vector<16xi1>
    %add3A_1441 = arith.constant 1 : i32
    %add3A_1442 = arith.addi %mul3A_34, %add3A_1441 : i32
    %eq3A_1443 = vector.broadcast %add3A_1442 : i32 to vector<16xi32>
    %eq3A_1444 = arith.cmpi eq, %get3A_1425, %eq3A_1443 : vector<16xi32>
    %add3A_1445 = arith.constant 128 : i32
    %add3A_1446 = vector.broadcast %add3A_1445 : i32 to vector<16xi32>
    %add3A_1447 = arith.addi %shift_right_arithmetic3A_1433, %add3A_1446 : vector<16xi32>
    tpu.vector_store_idx %arg7[%add3A_1447], %get3A_1427 masked %eq3A_1444 {add = true} : memref<256xf32, #tpu.memory_space<vmem>>[vector<16xi32>], vector<16xf32>, vector<16xi1>
    %get3A_1448 = arith.constant 944 : index
    %get3A_1449 = tpu.vector_load %arg5[%get3A_1448] {strides = array<i32>} : memref<1024xi32, #tpu.memory_space<vmem>>, vector<16xi32>,
    %get3A_1450 = arith.constant 944 : index
    %get3A_1451 = tpu.vector_load %arg6[%get3A_1450] {strides = array<i32>} : memref<1024xf32, #tpu.memory_space<vmem>>, vector<16xf32>,
    %add3A_1452 = arith.constant 944 : i32
    %add3A_1453 = vector.broadcast %add3A_1452 : i32 to vector<16xi32>
    %add3A_1454 = arith.addi %add3A_1453, %iota3A : vector<16xi32>
    %shift_right_arithmetic3A_1455 = arith.constant 3 : i32
    %shift_right_arithmetic3A_1456 = vector.broadcast %shift_right_arithmetic3A_1455 : i32 to vector<16xi32>
    %shift_right_arithmetic3A_1457 = arith.shrsi %add3A_1454, %shift_right_arithmetic3A_1456 : vector<16xi32>
    %add3A_1458 = arith.constant 0 : i32
    %add3A_1459 = arith.addi %mul3A_34, %add3A_1458 : i32
    %eq3A_1460 = vector.broadcast %add3A_1459 : i32 to vector<16xi32>
    %eq3A_1461 = arith.cmpi eq, %get3A_1449, %eq3A_1460 : vector<16xi32>
    %add3A_1462 = arith.constant 0 : i32
    %add3A_1463 = vector.broadcast %add3A_1462 : i32 to vector<16xi32>
    %add3A_1464 = arith.addi %shift_right_arithmetic3A_1457, %add3A_1463 : vector<16xi32>
    tpu.vector_store_idx %arg7[%add3A_1464], %get3A_1451 masked %eq3A_1461 {add = true} : memref<256xf32, #tpu.memory_space<vmem>>[vector<16xi32>], vector<16xf32>, vector<16xi1>
    %add3A_1465 = arith.constant 1 : i32
    %add3A_1466 = arith.addi %mul3A_34, %add3A_1465 : i32
    %eq3A_1467 = vector.broadcast %add3A_1466 : i32 to vector<16xi32>
    %eq3A_1468 = arith.cmpi eq, %get3A_1449, %eq3A_1467 : vector<16xi32>
    %add3A_1469 = arith.constant 128 : i32
    %add3A_1470 = vector.broadcast %add3A_1469 : i32 to vector<16xi32>
    %add3A_1471 = arith.addi %shift_right_arithmetic3A_1457, %add3A_1470 : vector<16xi32>
    tpu.vector_store_idx %arg7[%add3A_1471], %get3A_1451 masked %eq3A_1468 {add = true} : memref<256xf32, #tpu.memory_space<vmem>>[vector<16xi32>], vector<16xf32>, vector<16xi1>
    %get3A_1472 = arith.constant 960 : index
    %get3A_1473 = tpu.vector_load %arg5[%get3A_1472] {strides = array<i32>} : memref<1024xi32, #tpu.memory_space<vmem>>, vector<16xi32>,
    %get3A_1474 = arith.constant 960 : index
    %get3A_1475 = tpu.vector_load %arg6[%get3A_1474] {strides = array<i32>} : memref<1024xf32, #tpu.memory_space<vmem>>, vector<16xf32>,
    %add3A_1476 = arith.constant 960 : i32
    %add3A_1477 = vector.broadcast %add3A_1476 : i32 to vector<16xi32>
    %add3A_1478 = arith.addi %add3A_1477, %iota3A : vector<16xi32>
    %shift_right_arithmetic3A_1479 = arith.constant 3 : i32
    %shift_right_arithmetic3A_1480 = vector.broadcast %shift_right_arithmetic3A_1479 : i32 to vector<16xi32>
    %shift_right_arithmetic3A_1481 = arith.shrsi %add3A_1478, %shift_right_arithmetic3A_1480 : vector<16xi32>
    %add3A_1482 = arith.constant 0 : i32
    %add3A_1483 = arith.addi %mul3A_34, %add3A_1482 : i32
    %eq3A_1484 = vector.broadcast %add3A_1483 : i32 to vector<16xi32>
    %eq3A_1485 = arith.cmpi eq, %get3A_1473, %eq3A_1484 : vector<16xi32>
    %add3A_1486 = arith.constant 0 : i32
    %add3A_1487 = vector.broadcast %add3A_1486 : i32 to vector<16xi32>
    %add3A_1488 = arith.addi %shift_right_arithmetic3A_1481, %add3A_1487 : vector<16xi32>
    tpu.vector_store_idx %arg7[%add3A_1488], %get3A_1475 masked %eq3A_1485 {add = true} : memref<256xf32, #tpu.memory_space<vmem>>[vector<16xi32>], vector<16xf32>, vector<16xi1>
    %add3A_1489 = arith.constant 1 : i32
    %add3A_1490 = arith.addi %mul3A_34, %add3A_1489 : i32
    %eq3A_1491 = vector.broadcast %add3A_1490 : i32 to vector<16xi32>
    %eq3A_1492 = arith.cmpi eq, %get3A_1473, %eq3A_1491 : vector<16xi32>
    %add3A_1493 = arith.constant 128 : i32
    %add3A_1494 = vector.broadcast %add3A_1493 : i32 to vector<16xi32>
    %add3A_1495 = arith.addi %shift_right_arithmetic3A_1481, %add3A_1494 : vector<16xi32>
    tpu.vector_store_idx %arg7[%add3A_1495], %get3A_1475 masked %eq3A_1492 {add = true} : memref<256xf32, #tpu.memory_space<vmem>>[vector<16xi32>], vector<16xf32>, vector<16xi1>
    %get3A_1496 = arith.constant 976 : index
    %get3A_1497 = tpu.vector_load %arg5[%get3A_1496] {strides = array<i32>} : memref<1024xi32, #tpu.memory_space<vmem>>, vector<16xi32>,
    %get3A_1498 = arith.constant 976 : index
    %get3A_1499 = tpu.vector_load %arg6[%get3A_1498] {strides = array<i32>} : memref<1024xf32, #tpu.memory_space<vmem>>, vector<16xf32>,
    %add3A_1500 = arith.constant 976 : i32
    %add3A_1501 = vector.broadcast %add3A_1500 : i32 to vector<16xi32>
    %add3A_1502 = arith.addi %add3A_1501, %iota3A : vector<16xi32>
    %shift_right_arithmetic3A_1503 = arith.constant 3 : i32
    %shift_right_arithmetic3A_1504 = vector.broadcast %shift_right_arithmetic3A_1503 : i32 to vector<16xi32>
    %shift_right_arithmetic3A_1505 = arith.shrsi %add3A_1502, %shift_right_arithmetic3A_1504 : vector<16xi32>
    %add3A_1506 = arith.constant 0 : i32
    %add3A_1507 = arith.addi %mul3A_34, %add3A_1506 : i32
    %eq3A_1508 = vector.broadcast %add3A_1507 : i32 to vector<16xi32>
    %eq3A_1509 = arith.cmpi eq, %get3A_1497, %eq3A_1508 : vector<16xi32>
    %add3A_1510 = arith.constant 0 : i32
    %add3A_1511 = vector.broadcast %add3A_1510 : i32 to vector<16xi32>
    %add3A_1512 = arith.addi %shift_right_arithmetic3A_1505, %add3A_1511 : vector<16xi32>
    tpu.vector_store_idx %arg7[%add3A_1512], %get3A_1499 masked %eq3A_1509 {add = true} : memref<256xf32, #tpu.memory_space<vmem>>[vector<16xi32>], vector<16xf32>, vector<16xi1>
    %add3A_1513 = arith.constant 1 : i32
    %add3A_1514 = arith.addi %mul3A_34, %add3A_1513 : i32
    %eq3A_1515 = vector.broadcast %add3A_1514 : i32 to vector<16xi32>
    %eq3A_1516 = arith.cmpi eq, %get3A_1497, %eq3A_1515 : vector<16xi32>
    %add3A_1517 = arith.constant 128 : i32
    %add3A_1518 = vector.broadcast %add3A_1517 : i32 to vector<16xi32>
    %add3A_1519 = arith.addi %shift_right_arithmetic3A_1505, %add3A_1518 : vector<16xi32>
    tpu.vector_store_idx %arg7[%add3A_1519], %get3A_1499 masked %eq3A_1516 {add = true} : memref<256xf32, #tpu.memory_space<vmem>>[vector<16xi32>], vector<16xf32>, vector<16xi1>
    %get3A_1520 = arith.constant 992 : index
    %get3A_1521 = tpu.vector_load %arg5[%get3A_1520] {strides = array<i32>} : memref<1024xi32, #tpu.memory_space<vmem>>, vector<16xi32>,
    %get3A_1522 = arith.constant 992 : index
    %get3A_1523 = tpu.vector_load %arg6[%get3A_1522] {strides = array<i32>} : memref<1024xf32, #tpu.memory_space<vmem>>, vector<16xf32>,
    %add3A_1524 = arith.constant 992 : i32
    %add3A_1525 = vector.broadcast %add3A_1524 : i32 to vector<16xi32>
    %add3A_1526 = arith.addi %add3A_1525, %iota3A : vector<16xi32>
    %shift_right_arithmetic3A_1527 = arith.constant 3 : i32
    %shift_right_arithmetic3A_1528 = vector.broadcast %shift_right_arithmetic3A_1527 : i32 to vector<16xi32>
    %shift_right_arithmetic3A_1529 = arith.shrsi %add3A_1526, %shift_right_arithmetic3A_1528 : vector<16xi32>
    %add3A_1530 = arith.constant 0 : i32
    %add3A_1531 = arith.addi %mul3A_34, %add3A_1530 : i32
    %eq3A_1532 = vector.broadcast %add3A_1531 : i32 to vector<16xi32>
    %eq3A_1533 = arith.cmpi eq, %get3A_1521, %eq3A_1532 : vector<16xi32>
    %add3A_1534 = arith.constant 0 : i32
    %add3A_1535 = vector.broadcast %add3A_1534 : i32 to vector<16xi32>
    %add3A_1536 = arith.addi %shift_right_arithmetic3A_1529, %add3A_1535 : vector<16xi32>
    tpu.vector_store_idx %arg7[%add3A_1536], %get3A_1523 masked %eq3A_1533 {add = true} : memref<256xf32, #tpu.memory_space<vmem>>[vector<16xi32>], vector<16xf32>, vector<16xi1>
    %add3A_1537 = arith.constant 1 : i32
    %add3A_1538 = arith.addi %mul3A_34, %add3A_1537 : i32
    %eq3A_1539 = vector.broadcast %add3A_1538 : i32 to vector<16xi32>
    %eq3A_1540 = arith.cmpi eq, %get3A_1521, %eq3A_1539 : vector<16xi32>
    %add3A_1541 = arith.constant 128 : i32
    %add3A_1542 = vector.broadcast %add3A_1541 : i32 to vector<16xi32>
    %add3A_1543 = arith.addi %shift_right_arithmetic3A_1529, %add3A_1542 : vector<16xi32>
    tpu.vector_store_idx %arg7[%add3A_1543], %get3A_1523 masked %eq3A_1540 {add = true} : memref<256xf32, #tpu.memory_space<vmem>>[vector<16xi32>], vector<16xf32>, vector<16xi1>
    %get3A_1544 = arith.constant 1008 : index
    %get3A_1545 = tpu.vector_load %arg5[%get3A_1544] {strides = array<i32>} : memref<1024xi32, #tpu.memory_space<vmem>>, vector<16xi32>,
    %get3A_1546 = arith.constant 1008 : index
    %get3A_1547 = tpu.vector_load %arg6[%get3A_1546] {strides = array<i32>} : memref<1024xf32, #tpu.memory_space<vmem>>, vector<16xf32>,
    %add3A_1548 = arith.constant 1008 : i32
    %add3A_1549 = vector.broadcast %add3A_1548 : i32 to vector<16xi32>
    %add3A_1550 = arith.addi %add3A_1549, %iota3A : vector<16xi32>
    %shift_right_arithmetic3A_1551 = arith.constant 3 : i32
    %shift_right_arithmetic3A_1552 = vector.broadcast %shift_right_arithmetic3A_1551 : i32 to vector<16xi32>
    %shift_right_arithmetic3A_1553 = arith.shrsi %add3A_1550, %shift_right_arithmetic3A_1552 : vector<16xi32>
    %add3A_1554 = arith.constant 0 : i32
    %add3A_1555 = arith.addi %mul3A_34, %add3A_1554 : i32
    %eq3A_1556 = vector.broadcast %add3A_1555 : i32 to vector<16xi32>
    %eq3A_1557 = arith.cmpi eq, %get3A_1545, %eq3A_1556 : vector<16xi32>
    %add3A_1558 = arith.constant 0 : i32
    %add3A_1559 = vector.broadcast %add3A_1558 : i32 to vector<16xi32>
    %add3A_1560 = arith.addi %shift_right_arithmetic3A_1553, %add3A_1559 : vector<16xi32>
    tpu.vector_store_idx %arg7[%add3A_1560], %get3A_1547 masked %eq3A_1557 {add = true} : memref<256xf32, #tpu.memory_space<vmem>>[vector<16xi32>], vector<16xf32>, vector<16xi1>
    %add3A_1561 = arith.constant 1 : i32
    %add3A_1562 = arith.addi %mul3A_34, %add3A_1561 : i32
    %eq3A_1563 = vector.broadcast %add3A_1562 : i32 to vector<16xi32>
    %eq3A_1564 = arith.cmpi eq, %get3A_1545, %eq3A_1563 : vector<16xi32>
    %add3A_1565 = arith.constant 128 : i32
    %add3A_1566 = vector.broadcast %add3A_1565 : i32 to vector<16xi32>
    %add3A_1567 = arith.addi %shift_right_arithmetic3A_1553, %add3A_1566 : vector<16xi32>
    tpu.vector_store_idx %arg7[%add3A_1567], %get3A_1547 masked %eq3A_1564 {add = true} : memref<256xf32, #tpu.memory_space<vmem>>[vector<16xi32>], vector<16xf32>, vector<16xi1>
    %mul3A_1568 = arith.constant 128 : i32
    %mul3A_1569 = arith.muli %mul3A_34, %mul3A_1568 : i32
    "tpu.region"() ({
      %run_scoped3A = tpu.sem_alloc : memref<!tpu.dma_semaphore, #tpu.memory_space<semaphore_mem>>
      %dma_start3A = tpu.memref_slice %arg4[%mul3A_1569] : memref<8192xf32, #tpu.memory_space<hbm>> -> memref<256xf32, #tpu.memory_space<hbm>>
      %dma_start3A_1570 = tpu.memref_slice %arg4[%mul3A_1569] : memref<8192xf32, #tpu.memory_space<hbm>> -> memref<256xf32, #tpu.memory_space<hbm>>
      tpu.enqueue_dma source(%arg7 : memref<256xf32, #tpu.memory_space<vmem>>) target(%dma_start3A_1570 : memref<256xf32, #tpu.memory_space<hbm>>) target_semaphore(%run_scoped3A : memref<!tpu.dma_semaphore, #tpu.memory_space<semaphore_mem>>)
      %dma_wait3A = tpu.memref_slice %arg4[%mul3A_1569] : memref<8192xf32, #tpu.memory_space<hbm>> -> memref<256xf32, #tpu.memory_space<hbm>>
      %dma_wait3A_1571 = tpu.memref_slice %arg4[%mul3A_1569] : memref<8192xf32, #tpu.memory_space<hbm>> -> memref<256xf32, #tpu.memory_space<hbm>>
      tpu.wait_dma2 semaphore(%run_scoped3A : memref<!tpu.dma_semaphore, #tpu.memory_space<semaphore_mem>>) src(%arg7 : memref<256xf32, #tpu.memory_space<vmem>>) dst(%dma_wait3A_1571 : memref<256xf32, #tpu.memory_space<hbm>>)
      tpu.yield
    }) : () -> ()
    return
  }
}

module attributes {stable_mosaic.version = 14 : i64} {
  func.func @_moe_a_body(%arg0: i32, %arg1: memref<128x1024xf32, #tpu.memory_space<vmem>>, %arg2: memref<128x8xi32, #tpu.memory_space<vmem>>, %arg3: memref<128x8xf32, #tpu.memory_space<vmem>>, %arg4: memref<1x1024x512xf32, #tpu.memory_space<vmem>>, %arg5: memref<1x1024x512xf32, #tpu.memory_space<vmem>>, %arg6: memref<1x1024x512xf32, #tpu.memory_space<vmem>>, %arg7: memref<1x1024x512xf32, #tpu.memory_space<vmem>>, %arg8: memref<1x1x2048xf32, #tpu.memory_space<vmem>>, %arg9: memref<1x512x1024xf32, #tpu.memory_space<vmem>>, %arg10: memref<1x512x1024xf32, #tpu.memory_space<vmem>>, %arg11: memref<1x1x1024xf32, #tpu.memory_space<vmem>>, %arg12: memref<1x1x1024xf32, #tpu.memory_space<vmem>>, %arg13: memref<128x1024xf32, #tpu.memory_space<vmem>>) attributes {dimension_semantics = [#tpu.dimension_semantics<arbitrary>], iteration_bounds = array<i64: 8>, scalar_prefetch = 0 : i64, scratch_operands = 0 : i64, tpu.core_type = #tpu.core_type<tc>, window_params = [{pipeline_mode = #tpu.pipeline_mode<synchronous>, transform_indices = @transform_0, window_bounds = array<i64: 128, 1024>}, {pipeline_mode = #tpu.pipeline_mode<synchronous>, transform_indices = @transform_1, window_bounds = array<i64: 128, 8>}, {pipeline_mode = #tpu.pipeline_mode<synchronous>, transform_indices = @transform_2, window_bounds = array<i64: 128, 8>}, {transform_indices = @transform_3, window_bounds = array<i64: 1, 1024, 512>}, {transform_indices = @transform_4, window_bounds = array<i64: 1, 1024, 512>}, {transform_indices = @transform_5, window_bounds = array<i64: 1, 1024, 512>}, {transform_indices = @transform_6, window_bounds = array<i64: 1, 1024, 512>}, {transform_indices = @transform_7, window_bounds = array<i64: 1, 1, 2048>}, {transform_indices = @transform_8, window_bounds = array<i64: 1, 512, 1024>}, {transform_indices = @transform_9, window_bounds = array<i64: 1, 512, 1024>}, {transform_indices = @transform_10, window_bounds = array<i64: 1, 1, 1024>}, {transform_indices = @transform_11, window_bounds = array<i64: 1, 1, 1024>}, {pipeline_mode = #tpu.pipeline_mode<synchronous>, transform_indices = @transform_12, window_bounds = array<i64: 128, 1024>}]} {
    %get3A = arith.constant 0 : index
    %get3A_0 = arith.constant 0 : index
    %get3A_1 = vector.load %arg1[%get3A, %get3A_0] : memref<128x1024xf32, #tpu.memory_space<vmem>>, vector<128x1024xf32>
    %get3A_2 = arith.constant 0 : index
    %get3A_3 = arith.constant 0 : index
    %get3A_4 = arith.constant 0 : index
    %get3A_5 = vector.load %arg8[%get3A_2, %get3A_3, %get3A_4] : memref<1x1x2048xf32, #tpu.memory_space<vmem>>, vector<1x1x2048xf32>
    %get3A_6 = vector.shape_cast %get3A_5 : vector<1x1x2048xf32> to vector<1x2048xf32>
    %get3A_7 = arith.constant 0 : index
    %get3A_8 = arith.constant 0 : index
    %get3A_9 = arith.constant 0 : index
    %get3A_10 = vector.load %arg12[%get3A_7, %get3A_8, %get3A_9] : memref<1x1x1024xf32, #tpu.memory_space<vmem>>, vector<1x1x1024xf32>
    %get3A_11 = vector.shape_cast %get3A_10 : vector<1x1x1024xf32> to vector<1x1024xf32>
    %get3A_12 = arith.constant 0 : index
    %get3A_13 = arith.constant 0 : index
    %get3A_14 = arith.constant 0 : index
    %get3A_15 = vector.load %arg4[%get3A_12, %get3A_13, %get3A_14] : memref<1x1024x512xf32, #tpu.memory_space<vmem>>, vector<1x1024x512xf32>
    %get3A_16 = vector.shape_cast %get3A_15 : vector<1x1024x512xf32> to vector<1024x512xf32>
    %dot_general3A = arith.constant dense<0.000000e+00> : vector<128x512xf32>
    %dot_general3A_17 = tpu.matmul %get3A_1, %get3A_16, %dot_general3A {dimension_numbers = #tpu.dot_dimension_numbers<[1], [0], [0], [1], [0, 0, 1, 1], [], []>, transpose_lhs_hint = false} : vector<128x1024xf32>, vector<1024x512xf32>, vector<128x512xf32> -> vector<128x512xf32>
    %get3A_18 = arith.constant 0 : index
    %get3A_19 = arith.constant 0 : index
    %get3A_20 = arith.constant 0 : index
    %get3A_21 = vector.load %arg5[%get3A_18, %get3A_19, %get3A_20] : memref<1x1024x512xf32, #tpu.memory_space<vmem>>, vector<1x1024x512xf32>
    %get3A_22 = vector.shape_cast %get3A_21 : vector<1x1024x512xf32> to vector<1024x512xf32>
    %dot_general3A_23 = arith.constant dense<0.000000e+00> : vector<128x512xf32>
    %dot_general3A_24 = tpu.matmul %get3A_1, %get3A_22, %dot_general3A_23 {dimension_numbers = #tpu.dot_dimension_numbers<[1], [0], [0], [1], [0, 0, 1, 1], [], []>, transpose_lhs_hint = false} : vector<128x1024xf32>, vector<1024x512xf32>, vector<128x512xf32> -> vector<128x512xf32>
    %get3A_25 = arith.constant 0 : index
    %get3A_26 = arith.constant 0 : index
    %get3A_27 = arith.constant 0 : index
    %get3A_28 = vector.load %arg6[%get3A_25, %get3A_26, %get3A_27] : memref<1x1024x512xf32, #tpu.memory_space<vmem>>, vector<1x1024x512xf32>
    %get3A_29 = vector.shape_cast %get3A_28 : vector<1x1024x512xf32> to vector<1024x512xf32>
    %dot_general3A_30 = arith.constant dense<0.000000e+00> : vector<128x512xf32>
    %dot_general3A_31 = tpu.matmul %get3A_1, %get3A_29, %dot_general3A_30 {dimension_numbers = #tpu.dot_dimension_numbers<[1], [0], [0], [1], [0, 0, 1, 1], [], []>, transpose_lhs_hint = false} : vector<128x1024xf32>, vector<1024x512xf32>, vector<128x512xf32> -> vector<128x512xf32>
    %get3A_32 = arith.constant 0 : index
    %get3A_33 = arith.constant 0 : index
    %get3A_34 = arith.constant 0 : index
    %get3A_35 = vector.load %arg7[%get3A_32, %get3A_33, %get3A_34] : memref<1x1024x512xf32, #tpu.memory_space<vmem>>, vector<1x1024x512xf32>
    %get3A_36 = vector.shape_cast %get3A_35 : vector<1x1024x512xf32> to vector<1024x512xf32>
    %dot_general3A_37 = arith.constant dense<0.000000e+00> : vector<128x512xf32>
    %dot_general3A_38 = tpu.matmul %get3A_1, %get3A_36, %dot_general3A_37 {dimension_numbers = #tpu.dot_dimension_numbers<[1], [0], [0], [1], [0, 0, 1, 1], [], []>, transpose_lhs_hint = false} : vector<128x1024xf32>, vector<1024x512xf32>, vector<128x512xf32> -> vector<128x512xf32>
    %slice3A = vector.extract_strided_slice %get3A_6 {offsets = [0, 0], sizes = [1, 512], strides = [1, 1]} : vector<1x2048xf32> to vector<1x512xf32>
    %mul3A = vector.broadcast %slice3A : vector<1x512xf32> to vector<128x512xf32>
    %mul3A_39 = arith.mulf %dot_general3A_17, %mul3A : vector<128x512xf32>
    %slice3A_40 = vector.extract_strided_slice %get3A_6 {offsets = [0, 512], sizes = [1, 512], strides = [1, 1]} : vector<1x2048xf32> to vector<1x512xf32>
    %mul3A_41 = vector.broadcast %slice3A_40 : vector<1x512xf32> to vector<128x512xf32>
    %mul3A_42 = arith.mulf %dot_general3A_24, %mul3A_41 : vector<128x512xf32>
    %slice3A_43 = vector.extract_strided_slice %get3A_6 {offsets = [0, 1024], sizes = [1, 512], strides = [1, 1]} : vector<1x2048xf32> to vector<1x512xf32>
    %mul3A_44 = vector.broadcast %slice3A_43 : vector<1x512xf32> to vector<128x512xf32>
    %mul3A_45 = arith.mulf %dot_general3A_31, %mul3A_44 : vector<128x512xf32>
    %slice3A_46 = vector.extract_strided_slice %get3A_6 {offsets = [0, 1536], sizes = [1, 512], strides = [1, 1]} : vector<1x2048xf32> to vector<1x512xf32>
    %mul3A_47 = vector.broadcast %slice3A_46 : vector<1x512xf32> to vector<128x512xf32>
    %mul3A_48 = arith.mulf %dot_general3A_38, %mul3A_47 : vector<128x512xf32>
    %logistic3A = arith.negf %mul3A_39 : vector<128x512xf32>
    %logistic3A_49 = math.exp %logistic3A : vector<128x512xf32>
    %logistic3A_50 = arith.constant 1.000000e+00 : f32
    %logistic3A_51 = vector.broadcast %logistic3A_50 : f32 to vector<128x512xf32>
    %logistic3A_52 = arith.addf %logistic3A_51, %logistic3A_49 : vector<128x512xf32>
    %logistic3A_53 = arith.divf %logistic3A_51, %logistic3A_52 : vector<128x512xf32>
    %mul3A_54 = arith.mulf %mul3A_39, %logistic3A_53 : vector<128x512xf32>
    %mul3A_55 = arith.mulf %mul3A_54, %mul3A_45 : vector<128x512xf32>
    %slice3A_56 = vector.extract_strided_slice %get3A_11 {offsets = [0, 0], sizes = [1, 512], strides = [1, 1]} : vector<1x1024xf32> to vector<1x512xf32>
    %mul3A_57 = vector.broadcast %slice3A_56 : vector<1x512xf32> to vector<128x512xf32>
    %mul3A_58 = arith.mulf %mul3A_55, %mul3A_57 : vector<128x512xf32>
    %logistic3A_59 = arith.negf %mul3A_42 : vector<128x512xf32>
    %logistic3A_60 = math.exp %logistic3A_59 : vector<128x512xf32>
    %logistic3A_61 = arith.constant 1.000000e+00 : f32
    %logistic3A_62 = vector.broadcast %logistic3A_61 : f32 to vector<128x512xf32>
    %logistic3A_63 = arith.addf %logistic3A_62, %logistic3A_60 : vector<128x512xf32>
    %logistic3A_64 = arith.divf %logistic3A_62, %logistic3A_63 : vector<128x512xf32>
    %mul3A_65 = arith.mulf %mul3A_42, %logistic3A_64 : vector<128x512xf32>
    %mul3A_66 = arith.mulf %mul3A_65, %mul3A_48 : vector<128x512xf32>
    %slice3A_67 = vector.extract_strided_slice %get3A_11 {offsets = [0, 512], sizes = [1, 512], strides = [1, 1]} : vector<1x1024xf32> to vector<1x512xf32>
    %mul3A_68 = vector.broadcast %slice3A_67 : vector<1x512xf32> to vector<128x512xf32>
    %mul3A_69 = arith.mulf %mul3A_66, %mul3A_68 : vector<128x512xf32>
    %get3A_70 = arith.constant 0 : index
    %get3A_71 = arith.constant 0 : index
    %get3A_72 = arith.constant 0 : index
    %get3A_73 = vector.load %arg9[%get3A_70, %get3A_71, %get3A_72] : memref<1x512x1024xf32, #tpu.memory_space<vmem>>, vector<1x512x1024xf32>
    %get3A_74 = vector.shape_cast %get3A_73 : vector<1x512x1024xf32> to vector<512x1024xf32>
    %dot_general3A_75 = arith.constant dense<0.000000e+00> : vector<128x1024xf32>
    %dot_general3A_76 = tpu.matmul %mul3A_58, %get3A_74, %dot_general3A_75 {dimension_numbers = #tpu.dot_dimension_numbers<[1], [0], [0], [1], [0, 0, 1, 1], [], []>, transpose_lhs_hint = false} : vector<128x512xf32>, vector<512x1024xf32>, vector<128x1024xf32> -> vector<128x1024xf32>
    %get3A_77 = arith.constant 0 : index
    %get3A_78 = arith.constant 0 : index
    %get3A_79 = arith.constant 0 : index
    %get3A_80 = vector.load %arg10[%get3A_77, %get3A_78, %get3A_79] : memref<1x512x1024xf32, #tpu.memory_space<vmem>>, vector<1x512x1024xf32>
    %get3A_81 = vector.shape_cast %get3A_80 : vector<1x512x1024xf32> to vector<512x1024xf32>
    %dot_general3A_82 = arith.constant dense<0.000000e+00> : vector<128x1024xf32>
    %dot_general3A_83 = tpu.matmul %mul3A_69, %get3A_81, %dot_general3A_82 {dimension_numbers = #tpu.dot_dimension_numbers<[1], [0], [0], [1], [0, 0, 1, 1], [], []>, transpose_lhs_hint = false} : vector<128x512xf32>, vector<512x1024xf32>, vector<128x1024xf32> -> vector<128x1024xf32>
    %add3A = arith.addf %dot_general3A_76, %dot_general3A_83 : vector<128x1024xf32>
    %get3A_84 = arith.constant 0 : index
    %get3A_85 = arith.constant 0 : index
    %get3A_86 = arith.constant 0 : index
    %get3A_87 = vector.load %arg11[%get3A_84, %get3A_85, %get3A_86] : memref<1x1x1024xf32, #tpu.memory_space<vmem>>, vector<1x1x1024xf32>
    %get3A_88 = vector.shape_cast %get3A_87 : vector<1x1x1024xf32> to vector<1x1024xf32>
    %mul3A_89 = vector.broadcast %get3A_88 : vector<1x1024xf32> to vector<128x1024xf32>
    %mul3A_90 = arith.mulf %add3A, %mul3A_89 : vector<128x1024xf32>
    %get3A_91 = arith.constant 0 : index
    %get3A_92 = arith.constant 0 : index
    %get3A_93 = vector.load %arg2[%get3A_91, %get3A_92] : memref<128x8xi32, #tpu.memory_space<vmem>>, vector<128x8xi32>
    %eq3A = vector.broadcast %arg0 : i32 to vector<128x8xi32>
    %eq3A_94 = arith.cmpi eq, %get3A_93, %eq3A : vector<128x8xi32>
    %get3A_95 = arith.constant 0 : index
    %get3A_96 = arith.constant 0 : index
    %get3A_97 = vector.load %arg3[%get3A_95, %get3A_96] : memref<128x8xf32, #tpu.memory_space<vmem>>, vector<128x8xf32>
    %jit3A = arith.constant 0.000000e+00 : f32
    %broadcast_in_dim3A = vector.broadcast %jit3A : f32 to vector<128x8xf32>
    %select_n3A = arith.select %eq3A_94, %get3A_97, %broadcast_in_dim3A : vector<128x8xi1>, vector<128x8xf32>
    %reduce_sum3A = arith.constant dense<0.000000e+00> : vector<128xf32>
    %reduce_sum3A_98 = vector.multi_reduction <add>, %select_n3A, %reduce_sum3A [1] : vector<128x8xf32> to vector<128xf32>
    %broadcast_in_dim3A_99 = vector.shape_cast %reduce_sum3A_98 : vector<128xf32> to vector<128x1xf32>
    %mul3A_100 = vector.broadcast %broadcast_in_dim3A_99 : vector<128x1xf32> to vector<128x1024xf32>
    %mul3A_101 = arith.mulf %mul3A_100, %mul3A_90 : vector<128x1024xf32>
    %eq3A_102 = arith.constant 0 : i32
    %eq3A_103 = arith.cmpi eq, %arg0, %eq3A_102 : i32
    %convert_element_type3A = arith.extui %eq3A_103 : i1 to i32
    %cond3A = arith.constant 0 : i32
    %cond3A_104 = arith.cmpi ne, %convert_element_type3A, %cond3A : i32
    scf.if %cond3A_104 {
      %swap3A = arith.constant 0 : index
      %swap3A_109 = arith.constant 0 : index
      %swap3A_110 = vector.load %arg13[%swap3A, %swap3A_109] : memref<128x1024xf32, #tpu.memory_space<vmem>>, vector<128x1024xf32>
      tpu.vector_store %arg13[%swap3A, %swap3A_109], %mul3A_101 {strides = array<i32>} : memref<128x1024xf32, #tpu.memory_space<vmem>>, vector<128x1024xf32>,
    } else {
    }
    %ne3A = arith.constant 0 : i32
    %ne3A_105 = arith.cmpi ne, %arg0, %ne3A : i32
    %convert_element_type3A_106 = arith.extui %ne3A_105 : i1 to i32
    %cond3A_107 = arith.constant 0 : i32
    %cond3A_108 = arith.cmpi ne, %convert_element_type3A_106, %cond3A_107 : i32
    scf.if %cond3A_108 {
      %get3A_109 = arith.constant 0 : index
      %get3A_110 = arith.constant 0 : index
      %get3A_111 = vector.load %arg13[%get3A_109, %get3A_110] : memref<128x1024xf32, #tpu.memory_space<vmem>>, vector<128x1024xf32>
      %add3A_112 = arith.addf %get3A_111, %mul3A_101 : vector<128x1024xf32>
      %swap3A = arith.constant 0 : index
      %swap3A_113 = arith.constant 0 : index
      %swap3A_114 = vector.load %arg13[%swap3A, %swap3A_113] : memref<128x1024xf32, #tpu.memory_space<vmem>>, vector<128x1024xf32>
      tpu.vector_store %arg13[%swap3A, %swap3A_113], %add3A_112 {strides = array<i32>} : memref<128x1024xf32, #tpu.memory_space<vmem>>, vector<128x1024xf32>,
    } else {
    }
    return
  }
  func.func @transform_0(%arg0: i32) -> (i32, i32) {
    %c0_i32 = arith.constant 0 : i32
    %c0_i32_0 = arith.constant 0 : i32
    %c0_i32_1 = arith.constant 0 : i32
    return %c0_i32, %c0_i32_0 : i32, i32
  }
  func.func @transform_1(%arg0: i32) -> (i32, i32) {
    %c0_i32 = arith.constant 0 : i32
    %c0_i32_0 = arith.constant 0 : i32
    %c0_i32_1 = arith.constant 0 : i32
    return %c0_i32, %c0_i32_0 : i32, i32
  }
  func.func @transform_2(%arg0: i32) -> (i32, i32) {
    %c0_i32 = arith.constant 0 : i32
    %c0_i32_0 = arith.constant 0 : i32
    %c0_i32_1 = arith.constant 0 : i32
    return %c0_i32, %c0_i32_0 : i32, i32
  }
  func.func @transform_3(%arg0: i32) -> (i32, i32, i32) {
    %add3A = arith.constant 0 : i32
    %add3A_0 = arith.addi %arg0, %add3A : i32
    %c0_i32 = arith.constant 0 : i32
    %c0_i32_1 = arith.constant 0 : i32
    %c0_i32_2 = arith.constant 0 : i32
    return %add3A_0, %c0_i32, %c0_i32_1 : i32, i32, i32
  }
  func.func @transform_4(%arg0: i32) -> (i32, i32, i32) {
    %add3A = arith.constant 0 : i32
    %add3A_0 = arith.addi %arg0, %add3A : i32
    %c0_i32 = arith.constant 0 : i32
    %c1_i32 = arith.constant 1 : i32
    %c0_i32_1 = arith.constant 0 : i32
    return %add3A_0, %c0_i32, %c1_i32 : i32, i32, i32
  }
  func.func @transform_5(%arg0: i32) -> (i32, i32, i32) {
    %add3A = arith.constant 0 : i32
    %add3A_0 = arith.addi %arg0, %add3A : i32
    %c0_i32 = arith.constant 0 : i32
    %c2_i32 = arith.constant 2 : i32
    %c0_i32_1 = arith.constant 0 : i32
    return %add3A_0, %c0_i32, %c2_i32 : i32, i32, i32
  }
  func.func @transform_6(%arg0: i32) -> (i32, i32, i32) {
    %add3A = arith.constant 0 : i32
    %add3A_0 = arith.addi %arg0, %add3A : i32
    %c0_i32 = arith.constant 0 : i32
    %c3_i32 = arith.constant 3 : i32
    %c0_i32_1 = arith.constant 0 : i32
    return %add3A_0, %c0_i32, %c3_i32 : i32, i32, i32
  }
  func.func @transform_7(%arg0: i32) -> (i32, i32, i32) {
    %add3A = arith.constant 0 : i32
    %add3A_0 = arith.addi %arg0, %add3A : i32
    %c0_i32 = arith.constant 0 : i32
    %c0_i32_1 = arith.constant 0 : i32
    %c0_i32_2 = arith.constant 0 : i32
    return %add3A_0, %c0_i32, %c0_i32_1 : i32, i32, i32
  }
  func.func @transform_8(%arg0: i32) -> (i32, i32, i32) {
    %add3A = arith.constant 0 : i32
    %add3A_0 = arith.addi %arg0, %add3A : i32
    %c0_i32 = arith.constant 0 : i32
    %c0_i32_1 = arith.constant 0 : i32
    %c0_i32_2 = arith.constant 0 : i32
    return %add3A_0, %c0_i32, %c0_i32_1 : i32, i32, i32
  }
  func.func @transform_9(%arg0: i32) -> (i32, i32, i32) {
    %add3A = arith.constant 0 : i32
    %add3A_0 = arith.addi %arg0, %add3A : i32
    %c1_i32 = arith.constant 1 : i32
    %c0_i32 = arith.constant 0 : i32
    %c0_i32_1 = arith.constant 0 : i32
    return %add3A_0, %c1_i32, %c0_i32 : i32, i32, i32
  }
  func.func @transform_10(%arg0: i32) -> (i32, i32, i32) {
    %add3A = arith.constant 0 : i32
    %add3A_0 = arith.addi %arg0, %add3A : i32
    %c0_i32 = arith.constant 0 : i32
    %c0_i32_1 = arith.constant 0 : i32
    %c0_i32_2 = arith.constant 0 : i32
    return %add3A_0, %c0_i32, %c0_i32_1 : i32, i32, i32
  }
  func.func @transform_11(%arg0: i32) -> (i32, i32, i32) {
    %add3A = arith.constant 0 : i32
    %add3A_0 = arith.addi %arg0, %add3A : i32
    %c0_i32 = arith.constant 0 : i32
    %c0_i32_1 = arith.constant 0 : i32
    %c0_i32_2 = arith.constant 0 : i32
    return %add3A_0, %c0_i32, %c0_i32_1 : i32, i32, i32
  }
  func.func @transform_12(%arg0: i32) -> (i32, i32) {
    %c0_i32 = arith.constant 0 : i32
    %c0_i32_0 = arith.constant 0 : i32
    %c0_i32_1 = arith.constant 0 : i32
    return %c0_i32, %c0_i32_0 : i32, i32
  }
}

module attributes {stable_mosaic.version = 14 : i64} {
  func.func @_moe_b_body(%arg0: i32, %arg1: memref<128x1024xf32, #tpu.memory_space<vmem>>, %arg2: memref<1x128x1xf32, #tpu.memory_space<vmem>>, %arg3: memref<128x1024xf32, #tpu.memory_space<vmem>>, %arg4: memref<1x1024x512xf32, #tpu.memory_space<vmem>>, %arg5: memref<1x1024x512xf32, #tpu.memory_space<vmem>>, %arg6: memref<1x1024x512xf32, #tpu.memory_space<vmem>>, %arg7: memref<1x1024x512xf32, #tpu.memory_space<vmem>>, %arg8: memref<1x1x2048xf32, #tpu.memory_space<vmem>>, %arg9: memref<1x512x1024xf32, #tpu.memory_space<vmem>>, %arg10: memref<1x512x1024xf32, #tpu.memory_space<vmem>>, %arg11: memref<1x1x1024xf32, #tpu.memory_space<vmem>>, %arg12: memref<1x1x1024xf32, #tpu.memory_space<vmem>>, %arg13: memref<128x1024xf32, #tpu.memory_space<vmem>>) attributes {dimension_semantics = [#tpu.dimension_semantics<arbitrary>], iteration_bounds = array<i64: 56>, scalar_prefetch = 0 : i64, scratch_operands = 0 : i64, tpu.core_type = #tpu.core_type<tc>, window_params = [{pipeline_mode = #tpu.pipeline_mode<synchronous>, transform_indices = @transform_0, window_bounds = array<i64: 128, 1024>}, {transform_indices = @transform_1, window_bounds = array<i64: 1, 128, 1>}, {pipeline_mode = #tpu.pipeline_mode<synchronous>, transform_indices = @transform_2, window_bounds = array<i64: 128, 1024>}, {transform_indices = @transform_3, window_bounds = array<i64: 1, 1024, 512>}, {transform_indices = @transform_4, window_bounds = array<i64: 1, 1024, 512>}, {transform_indices = @transform_5, window_bounds = array<i64: 1, 1024, 512>}, {transform_indices = @transform_6, window_bounds = array<i64: 1, 1024, 512>}, {transform_indices = @transform_7, window_bounds = array<i64: 1, 1, 2048>}, {transform_indices = @transform_8, window_bounds = array<i64: 1, 512, 1024>}, {transform_indices = @transform_9, window_bounds = array<i64: 1, 512, 1024>}, {transform_indices = @transform_10, window_bounds = array<i64: 1, 1, 1024>}, {transform_indices = @transform_11, window_bounds = array<i64: 1, 1, 1024>}, {pipeline_mode = #tpu.pipeline_mode<synchronous>, transform_indices = @transform_12, window_bounds = array<i64: 128, 1024>}]} {
    %get3A = arith.constant 0 : index
    %get3A_0 = arith.constant 0 : index
    %get3A_1 = vector.load %arg1[%get3A, %get3A_0] : memref<128x1024xf32, #tpu.memory_space<vmem>>, vector<128x1024xf32>
    %get3A_2 = arith.constant 0 : index
    %get3A_3 = arith.constant 0 : index
    %get3A_4 = arith.constant 0 : index
    %get3A_5 = vector.load %arg8[%get3A_2, %get3A_3, %get3A_4] : memref<1x1x2048xf32, #tpu.memory_space<vmem>>, vector<1x1x2048xf32>
    %get3A_6 = vector.shape_cast %get3A_5 : vector<1x1x2048xf32> to vector<1x2048xf32>
    %get3A_7 = arith.constant 0 : index
    %get3A_8 = arith.constant 0 : index
    %get3A_9 = arith.constant 0 : index
    %get3A_10 = vector.load %arg12[%get3A_7, %get3A_8, %get3A_9] : memref<1x1x1024xf32, #tpu.memory_space<vmem>>, vector<1x1x1024xf32>
    %get3A_11 = vector.shape_cast %get3A_10 : vector<1x1x1024xf32> to vector<1x1024xf32>
    %get3A_12 = arith.constant 0 : index
    %get3A_13 = arith.constant 0 : index
    %get3A_14 = arith.constant 0 : index
    %get3A_15 = vector.load %arg4[%get3A_12, %get3A_13, %get3A_14] : memref<1x1024x512xf32, #tpu.memory_space<vmem>>, vector<1x1024x512xf32>
    %get3A_16 = vector.shape_cast %get3A_15 : vector<1x1024x512xf32> to vector<1024x512xf32>
    %dot_general3A = arith.constant dense<0.000000e+00> : vector<128x512xf32>
    %dot_general3A_17 = tpu.matmul %get3A_1, %get3A_16, %dot_general3A {dimension_numbers = #tpu.dot_dimension_numbers<[1], [0], [0], [1], [0, 0, 1, 1], [], []>, transpose_lhs_hint = false} : vector<128x1024xf32>, vector<1024x512xf32>, vector<128x512xf32> -> vector<128x512xf32>
    %get3A_18 = arith.constant 0 : index
    %get3A_19 = arith.constant 0 : index
    %get3A_20 = arith.constant 0 : index
    %get3A_21 = vector.load %arg5[%get3A_18, %get3A_19, %get3A_20] : memref<1x1024x512xf32, #tpu.memory_space<vmem>>, vector<1x1024x512xf32>
    %get3A_22 = vector.shape_cast %get3A_21 : vector<1x1024x512xf32> to vector<1024x512xf32>
    %dot_general3A_23 = arith.constant dense<0.000000e+00> : vector<128x512xf32>
    %dot_general3A_24 = tpu.matmul %get3A_1, %get3A_22, %dot_general3A_23 {dimension_numbers = #tpu.dot_dimension_numbers<[1], [0], [0], [1], [0, 0, 1, 1], [], []>, transpose_lhs_hint = false} : vector<128x1024xf32>, vector<1024x512xf32>, vector<128x512xf32> -> vector<128x512xf32>
    %get3A_25 = arith.constant 0 : index
    %get3A_26 = arith.constant 0 : index
    %get3A_27 = arith.constant 0 : index
    %get3A_28 = vector.load %arg6[%get3A_25, %get3A_26, %get3A_27] : memref<1x1024x512xf32, #tpu.memory_space<vmem>>, vector<1x1024x512xf32>
    %get3A_29 = vector.shape_cast %get3A_28 : vector<1x1024x512xf32> to vector<1024x512xf32>
    %dot_general3A_30 = arith.constant dense<0.000000e+00> : vector<128x512xf32>
    %dot_general3A_31 = tpu.matmul %get3A_1, %get3A_29, %dot_general3A_30 {dimension_numbers = #tpu.dot_dimension_numbers<[1], [0], [0], [1], [0, 0, 1, 1], [], []>, transpose_lhs_hint = false} : vector<128x1024xf32>, vector<1024x512xf32>, vector<128x512xf32> -> vector<128x512xf32>
    %get3A_32 = arith.constant 0 : index
    %get3A_33 = arith.constant 0 : index
    %get3A_34 = arith.constant 0 : index
    %get3A_35 = vector.load %arg7[%get3A_32, %get3A_33, %get3A_34] : memref<1x1024x512xf32, #tpu.memory_space<vmem>>, vector<1x1024x512xf32>
    %get3A_36 = vector.shape_cast %get3A_35 : vector<1x1024x512xf32> to vector<1024x512xf32>
    %dot_general3A_37 = arith.constant dense<0.000000e+00> : vector<128x512xf32>
    %dot_general3A_38 = tpu.matmul %get3A_1, %get3A_36, %dot_general3A_37 {dimension_numbers = #tpu.dot_dimension_numbers<[1], [0], [0], [1], [0, 0, 1, 1], [], []>, transpose_lhs_hint = false} : vector<128x1024xf32>, vector<1024x512xf32>, vector<128x512xf32> -> vector<128x512xf32>
    %slice3A = vector.extract_strided_slice %get3A_6 {offsets = [0, 0], sizes = [1, 512], strides = [1, 1]} : vector<1x2048xf32> to vector<1x512xf32>
    %mul3A = vector.broadcast %slice3A : vector<1x512xf32> to vector<128x512xf32>
    %mul3A_39 = arith.mulf %dot_general3A_17, %mul3A : vector<128x512xf32>
    %slice3A_40 = vector.extract_strided_slice %get3A_6 {offsets = [0, 512], sizes = [1, 512], strides = [1, 1]} : vector<1x2048xf32> to vector<1x512xf32>
    %mul3A_41 = vector.broadcast %slice3A_40 : vector<1x512xf32> to vector<128x512xf32>
    %mul3A_42 = arith.mulf %dot_general3A_24, %mul3A_41 : vector<128x512xf32>
    %slice3A_43 = vector.extract_strided_slice %get3A_6 {offsets = [0, 1024], sizes = [1, 512], strides = [1, 1]} : vector<1x2048xf32> to vector<1x512xf32>
    %mul3A_44 = vector.broadcast %slice3A_43 : vector<1x512xf32> to vector<128x512xf32>
    %mul3A_45 = arith.mulf %dot_general3A_31, %mul3A_44 : vector<128x512xf32>
    %slice3A_46 = vector.extract_strided_slice %get3A_6 {offsets = [0, 1536], sizes = [1, 512], strides = [1, 1]} : vector<1x2048xf32> to vector<1x512xf32>
    %mul3A_47 = vector.broadcast %slice3A_46 : vector<1x512xf32> to vector<128x512xf32>
    %mul3A_48 = arith.mulf %dot_general3A_38, %mul3A_47 : vector<128x512xf32>
    %logistic3A = arith.negf %mul3A_39 : vector<128x512xf32>
    %logistic3A_49 = math.exp %logistic3A : vector<128x512xf32>
    %logistic3A_50 = arith.constant 1.000000e+00 : f32
    %logistic3A_51 = vector.broadcast %logistic3A_50 : f32 to vector<128x512xf32>
    %logistic3A_52 = arith.addf %logistic3A_51, %logistic3A_49 : vector<128x512xf32>
    %logistic3A_53 = arith.divf %logistic3A_51, %logistic3A_52 : vector<128x512xf32>
    %mul3A_54 = arith.mulf %mul3A_39, %logistic3A_53 : vector<128x512xf32>
    %mul3A_55 = arith.mulf %mul3A_54, %mul3A_45 : vector<128x512xf32>
    %slice3A_56 = vector.extract_strided_slice %get3A_11 {offsets = [0, 0], sizes = [1, 512], strides = [1, 1]} : vector<1x1024xf32> to vector<1x512xf32>
    %mul3A_57 = vector.broadcast %slice3A_56 : vector<1x512xf32> to vector<128x512xf32>
    %mul3A_58 = arith.mulf %mul3A_55, %mul3A_57 : vector<128x512xf32>
    %logistic3A_59 = arith.negf %mul3A_42 : vector<128x512xf32>
    %logistic3A_60 = math.exp %logistic3A_59 : vector<128x512xf32>
    %logistic3A_61 = arith.constant 1.000000e+00 : f32
    %logistic3A_62 = vector.broadcast %logistic3A_61 : f32 to vector<128x512xf32>
    %logistic3A_63 = arith.addf %logistic3A_62, %logistic3A_60 : vector<128x512xf32>
    %logistic3A_64 = arith.divf %logistic3A_62, %logistic3A_63 : vector<128x512xf32>
    %mul3A_65 = arith.mulf %mul3A_42, %logistic3A_64 : vector<128x512xf32>
    %mul3A_66 = arith.mulf %mul3A_65, %mul3A_48 : vector<128x512xf32>
    %slice3A_67 = vector.extract_strided_slice %get3A_11 {offsets = [0, 512], sizes = [1, 512], strides = [1, 1]} : vector<1x1024xf32> to vector<1x512xf32>
    %mul3A_68 = vector.broadcast %slice3A_67 : vector<1x512xf32> to vector<128x512xf32>
    %mul3A_69 = arith.mulf %mul3A_66, %mul3A_68 : vector<128x512xf32>
    %get3A_70 = arith.constant 0 : index
    %get3A_71 = arith.constant 0 : index
    %get3A_72 = arith.constant 0 : index
    %get3A_73 = vector.load %arg9[%get3A_70, %get3A_71, %get3A_72] : memref<1x512x1024xf32, #tpu.memory_space<vmem>>, vector<1x512x1024xf32>
    %get3A_74 = vector.shape_cast %get3A_73 : vector<1x512x1024xf32> to vector<512x1024xf32>
    %dot_general3A_75 = arith.constant dense<0.000000e+00> : vector<128x1024xf32>
    %dot_general3A_76 = tpu.matmul %mul3A_58, %get3A_74, %dot_general3A_75 {dimension_numbers = #tpu.dot_dimension_numbers<[1], [0], [0], [1], [0, 0, 1, 1], [], []>, transpose_lhs_hint = false} : vector<128x512xf32>, vector<512x1024xf32>, vector<128x1024xf32> -> vector<128x1024xf32>
    %get3A_77 = arith.constant 0 : index
    %get3A_78 = arith.constant 0 : index
    %get3A_79 = arith.constant 0 : index
    %get3A_80 = vector.load %arg10[%get3A_77, %get3A_78, %get3A_79] : memref<1x512x1024xf32, #tpu.memory_space<vmem>>, vector<1x512x1024xf32>
    %get3A_81 = vector.shape_cast %get3A_80 : vector<1x512x1024xf32> to vector<512x1024xf32>
    %dot_general3A_82 = arith.constant dense<0.000000e+00> : vector<128x1024xf32>
    %dot_general3A_83 = tpu.matmul %mul3A_69, %get3A_81, %dot_general3A_82 {dimension_numbers = #tpu.dot_dimension_numbers<[1], [0], [0], [1], [0, 0, 1, 1], [], []>, transpose_lhs_hint = false} : vector<128x512xf32>, vector<512x1024xf32>, vector<128x1024xf32> -> vector<128x1024xf32>
    %add3A = arith.addf %dot_general3A_76, %dot_general3A_83 : vector<128x1024xf32>
    %get3A_84 = arith.constant 0 : index
    %get3A_85 = arith.constant 0 : index
    %get3A_86 = arith.constant 0 : index
    %get3A_87 = vector.load %arg11[%get3A_84, %get3A_85, %get3A_86] : memref<1x1x1024xf32, #tpu.memory_space<vmem>>, vector<1x1x1024xf32>
    %get3A_88 = vector.shape_cast %get3A_87 : vector<1x1x1024xf32> to vector<1x1024xf32>
    %mul3A_89 = vector.broadcast %get3A_88 : vector<1x1024xf32> to vector<128x1024xf32>
    %mul3A_90 = arith.mulf %add3A, %mul3A_89 : vector<128x1024xf32>
    %get3A_91 = arith.constant 0 : index
    %get3A_92 = arith.constant 0 : index
    %get3A_93 = arith.constant 0 : index
    %get3A_94 = vector.load %arg2[%get3A_91, %get3A_92, %get3A_93] : memref<1x128x1xf32, #tpu.memory_space<vmem>>, vector<1x128x1xf32>
    %get3A_95 = vector.shape_cast %get3A_94 : vector<1x128x1xf32> to vector<128x1xf32>
    %mul3A_96 = vector.broadcast %get3A_95 : vector<128x1xf32> to vector<128x1024xf32>
    %mul3A_97 = arith.mulf %mul3A_96, %mul3A_90 : vector<128x1024xf32>
    %eq3A = arith.constant 0 : i32
    %eq3A_98 = arith.cmpi eq, %arg0, %eq3A : i32
    %convert_element_type3A = arith.extui %eq3A_98 : i1 to i32
    %cond3A = arith.constant 0 : i32
    %cond3A_99 = arith.cmpi ne, %convert_element_type3A, %cond3A : i32
    scf.if %cond3A_99 {
      %get3A_104 = arith.constant 0 : index
      %get3A_105 = arith.constant 0 : index
      %get3A_106 = vector.load %arg3[%get3A_104, %get3A_105] : memref<128x1024xf32, #tpu.memory_space<vmem>>, vector<128x1024xf32>
      %add3A_107 = arith.addf %get3A_106, %mul3A_97 : vector<128x1024xf32>
      %swap3A = arith.constant 0 : index
      %swap3A_108 = arith.constant 0 : index
      %swap3A_109 = vector.load %arg13[%swap3A, %swap3A_108] : memref<128x1024xf32, #tpu.memory_space<vmem>>, vector<128x1024xf32>
      tpu.vector_store %arg13[%swap3A, %swap3A_108], %add3A_107 {strides = array<i32>} : memref<128x1024xf32, #tpu.memory_space<vmem>>, vector<128x1024xf32>,
    } else {
    }
    %ne3A = arith.constant 0 : i32
    %ne3A_100 = arith.cmpi ne, %arg0, %ne3A : i32
    %convert_element_type3A_101 = arith.extui %ne3A_100 : i1 to i32
    %cond3A_102 = arith.constant 0 : i32
    %cond3A_103 = arith.cmpi ne, %convert_element_type3A_101, %cond3A_102 : i32
    scf.if %cond3A_103 {
      %get3A_104 = arith.constant 0 : index
      %get3A_105 = arith.constant 0 : index
      %get3A_106 = vector.load %arg13[%get3A_104, %get3A_105] : memref<128x1024xf32, #tpu.memory_space<vmem>>, vector<128x1024xf32>
      %add3A_107 = arith.addf %get3A_106, %mul3A_97 : vector<128x1024xf32>
      %swap3A = arith.constant 0 : index
      %swap3A_108 = arith.constant 0 : index
      %swap3A_109 = vector.load %arg13[%swap3A, %swap3A_108] : memref<128x1024xf32, #tpu.memory_space<vmem>>, vector<128x1024xf32>
      tpu.vector_store %arg13[%swap3A, %swap3A_108], %add3A_107 {strides = array<i32>} : memref<128x1024xf32, #tpu.memory_space<vmem>>, vector<128x1024xf32>,
    } else {
    }
    return
  }
  func.func @transform_0(%arg0: i32) -> (i32, i32) {
    %c0_i32 = arith.constant 0 : i32
    %c0_i32_0 = arith.constant 0 : i32
    %c0_i32_1 = arith.constant 0 : i32
    return %c0_i32, %c0_i32_0 : i32, i32
  }
  func.func @transform_1(%arg0: i32) -> (i32, i32, i32) {
    %add3A = arith.constant 8 : i32
    %add3A_0 = arith.addi %arg0, %add3A : i32
    %c0_i32 = arith.constant 0 : i32
    %c0_i32_1 = arith.constant 0 : i32
    %c0_i32_2 = arith.constant 0 : i32
    return %add3A_0, %c0_i32, %c0_i32_1 : i32, i32, i32
  }
  func.func @transform_2(%arg0: i32) -> (i32, i32) {
    %c0_i32 = arith.constant 0 : i32
    %c0_i32_0 = arith.constant 0 : i32
    %c0_i32_1 = arith.constant 0 : i32
    return %c0_i32, %c0_i32_0 : i32, i32
  }
  func.func @transform_3(%arg0: i32) -> (i32, i32, i32) {
    %add3A = arith.constant 8 : i32
    %add3A_0 = arith.addi %arg0, %add3A : i32
    %c0_i32 = arith.constant 0 : i32
    %c0_i32_1 = arith.constant 0 : i32
    %c0_i32_2 = arith.constant 0 : i32
    return %add3A_0, %c0_i32, %c0_i32_1 : i32, i32, i32
  }
  func.func @transform_4(%arg0: i32) -> (i32, i32, i32) {
    %add3A = arith.constant 8 : i32
    %add3A_0 = arith.addi %arg0, %add3A : i32
    %c0_i32 = arith.constant 0 : i32
    %c1_i32 = arith.constant 1 : i32
    %c0_i32_1 = arith.constant 0 : i32
    return %add3A_0, %c0_i32, %c1_i32 : i32, i32, i32
  }
  func.func @transform_5(%arg0: i32) -> (i32, i32, i32) {
    %add3A = arith.constant 8 : i32
    %add3A_0 = arith.addi %arg0, %add3A : i32
    %c0_i32 = arith.constant 0 : i32
    %c2_i32 = arith.constant 2 : i32
    %c0_i32_1 = arith.constant 0 : i32
    return %add3A_0, %c0_i32, %c2_i32 : i32, i32, i32
  }
  func.func @transform_6(%arg0: i32) -> (i32, i32, i32) {
    %add3A = arith.constant 8 : i32
    %add3A_0 = arith.addi %arg0, %add3A : i32
    %c0_i32 = arith.constant 0 : i32
    %c3_i32 = arith.constant 3 : i32
    %c0_i32_1 = arith.constant 0 : i32
    return %add3A_0, %c0_i32, %c3_i32 : i32, i32, i32
  }
  func.func @transform_7(%arg0: i32) -> (i32, i32, i32) {
    %add3A = arith.constant 8 : i32
    %add3A_0 = arith.addi %arg0, %add3A : i32
    %c0_i32 = arith.constant 0 : i32
    %c0_i32_1 = arith.constant 0 : i32
    %c0_i32_2 = arith.constant 0 : i32
    return %add3A_0, %c0_i32, %c0_i32_1 : i32, i32, i32
  }
  func.func @transform_8(%arg0: i32) -> (i32, i32, i32) {
    %add3A = arith.constant 8 : i32
    %add3A_0 = arith.addi %arg0, %add3A : i32
    %c0_i32 = arith.constant 0 : i32
    %c0_i32_1 = arith.constant 0 : i32
    %c0_i32_2 = arith.constant 0 : i32
    return %add3A_0, %c0_i32, %c0_i32_1 : i32, i32, i32
  }
  func.func @transform_9(%arg0: i32) -> (i32, i32, i32) {
    %add3A = arith.constant 8 : i32
    %add3A_0 = arith.addi %arg0, %add3A : i32
    %c1_i32 = arith.constant 1 : i32
    %c0_i32 = arith.constant 0 : i32
    %c0_i32_1 = arith.constant 0 : i32
    return %add3A_0, %c1_i32, %c0_i32 : i32, i32, i32
  }
  func.func @transform_10(%arg0: i32) -> (i32, i32, i32) {
    %add3A = arith.constant 8 : i32
    %add3A_0 = arith.addi %arg0, %add3A : i32
    %c0_i32 = arith.constant 0 : i32
    %c0_i32_1 = arith.constant 0 : i32
    %c0_i32_2 = arith.constant 0 : i32
    return %add3A_0, %c0_i32, %c0_i32_1 : i32, i32, i32
  }
  func.func @transform_11(%arg0: i32) -> (i32, i32, i32) {
    %add3A = arith.constant 8 : i32
    %add3A_0 = arith.addi %arg0, %add3A : i32
    %c0_i32 = arith.constant 0 : i32
    %c0_i32_1 = arith.constant 0 : i32
    %c0_i32_2 = arith.constant 0 : i32
    return %add3A_0, %c0_i32, %c0_i32_1 : i32, i32, i32
  }
  func.func @transform_12(%arg0: i32) -> (i32, i32) {
    %c0_i32 = arith.constant 0 : i32
    %c0_i32_0 = arith.constant 0 : i32
    %c0_i32_1 = arith.constant 0 : i32
    return %c0_i32, %c0_i32_0 : i32, i32
  }
}

</mosaic_0001>

<sc_bundles>
// kernel: kernel.5.cloned.1.call-start
scs
__scs_entry_jumppad:
0x0: {  	(pc) =	sbr.rel $0x88, $3  }
0x1: {  	(tag) =	ssettag $0x0;
	lr =	simm.s32 $0x1  }
0x2: {  	[smem:$0x3F99] =	sst lr;
	_ =	strace $0xD0000000  }
0x3: {  	_ = 	snop  }
0x4: {  	_ = 	snop  }
0x5: {  	_ = 	snop  }
0x6: {  	_ = 	snop  }
0x7: {  	_ = 	snop  }
__scs_overlays_trampoline_lowered:
0x8: {  	[smem:$0x3FA8] =	sst s0  }
0x9: {  	[smem:$0x3FA9] =	sst s1  }
0xa: {  	[smem:$0x3FAA] =	sst s2  }
0xb: {  	[smem:$0x3FAB] =	sst s3  }
0xc: {  	[smem:$0x3FAC] =	sst s4  }
0xd: {  	[smem:$0x3FAD] =	sst s5  }
0xe: {  	[smem:$0x3FAE] =	sst s6  }
0xf: {  	[smem:$0x3FAF] =	sst s7  }
0x10: {  	[smem:$0x3FB0] =	sst s8  }
0x11: {  	[smem:$0x3FB1] =	sst s9;
	s0 =	simm.s32 @!p0 $0x0  }
0x12: {  	s1 =	sld [smem:$0x3F97];
	s0 =	simm.s32 @p0 $0x1  }
0x13: {  	[smem:$0x3FB2] =	sst s0;
	s0 =	simm.s32 @!p1 $0x0  }
0x14: {  	s2 =	sld [smem:$0x3F96];
	s0 =	simm.s32 @p1 $0x1  }
0x15: {  	[smem:$0x3FB3] =	sst s0;
	s0 =	simm.s32 @!p2 $0x0  }
0x16: {  	s3 =	sld [smem:$0x3FDB];
	s0 =	simm.s32 @p2 $0x1  }
0x17: {  	s4 =	simm.s32 $0x1BF5;
	[smem:$0x3FB5] =	sst s0  }
0x18: {  	s0 =	sld [smem:$0x3F98];
	_ =	swait.ge [sflag:s4], $0x0  }
0x19: {  	s7 =	sld [smem:$0x3F99]  }
0x1a: {  	s8 =	sadd.s32 $0xFFFFE003, lr  }
0x1b: {  	s9 =	sadd.s32 $0xFFFFFEF7, lr;
	s5 =	simm.s32 $0xFFFFFFFF;
	p2 =	slt.u32 s8, $0xFFFFF086  }
0x1c: {  	p1 =	slt.u32 s9, $0xF7A;
	s5 =	simm.s32 @!p2 $0x0  }
0x1d: {  	s5 =	simm.s32 @p1 $0x1;
	p0 =	seq.s32 s7, s2  }
0x1e: {  	s7 =	smul.u32 @!p0 $0xF7A, s2;
	p2 =	seq.s32 @!p0 s5, $0x0  }
0x1f: {  	s9 =	smul.u32 $0xF7A, s1;
	s8 =	simm.s32 @!p0 $0x1BF5;
	p2 =	por !p2, p0  }
0x20: {  	[sflag:s8] =	ssyncset.s32 @!p0 $0xFFFFF086;
	s6 =	sadd.s32 @!p0 s3, s7;
	s7 =	simm.s32 @!p0 $0x108  }
0x21: {  	s3 =	sadd.s32 s3, s9;
	s6 =	sadd.s32 @!p0 $0x88, s6;
	s7 =	simm.s32 @p2 $0x1082  }
0x22: {  	[simem:s7], [sflag:s8] =	dma.local @!p0 [hbm:s6], $0xF7A  }
0x23: {  	s9 =	sor.u32 $0xD0000000, s2;
	s6 =	simm.s32 $0x108;
	_ =	swait.ge @!p0 [sflag:s8], $0x0  }
0x24: {  	s3 =	sadd.s32 $0x88, s3;
	s6 =	simm.s32 @!p1 $0x1082;
	[sflag:s4] =	ssyncset.s32 $0xFFFFF086  }
0x25: {  	[simem:s6], [sflag:s4] =	dma.local [hbm:s3], $0xF7A  }
0x26: {  	[smem:$0x3F99] =	sst s1;
	(tag) =	ssettag s2;
	_ =	strace s9  }
0x27: {  	s1 =	sld [smem:$0x3FA9]  }
0x28: {  	s2 =	sld [smem:$0x3FAA]  }
0x29: {  	s4 =	sld [smem:$0x3FAC]  }
0x2a: {  	p0 =	seq.s32 s5, $0x0;
	s5 =	sld [smem:$0x3FAD]  }
0x2b: {  	s6 =	sld [smem:$0x3FAE]  }
0x2c: {  	s7 =	sld [smem:$0x3FAF]  }
0x2d: {  	s3 =	simm.s32 $0x108;
	s8 =	sld [smem:$0x3FB0]  }
0x2e: {  	s3 =	simm.s32 @!p0 $0x1082;
	s9 =	sld [smem:$0x3FB1]  }
0x2f: {  	lr =	sadd.s32 s0, s3;
	s0 =	sld [smem:$0x3FA8]  }
0x30: {  	s3 =	sld [smem:$0x3FAB]  }
0x31: {  	[smem:$0x3FB4] =	sst s10  }
0x32: {  	s10 =	sld [smem:$0x3FB2];
	_ =	sdelay $0x3  }
0x33: {  	p0 =	seq.s32 s10, $0x1;
	s10 =	sld [smem:$0x3FB4];
	_ =	sdelay $0x3  }
0x34: {  	[smem:$0x3FB4] =	sst s10  }
0x35: {  	s10 =	sld [smem:$0x3FB3];
	_ =	sdelay $0x3  }
0x36: {  	p1 =	seq.s32 s10, $0x1;
	s10 =	sld [smem:$0x3FB4];
	_ =	sdelay $0x3  }
0x37: {  	[smem:$0x3FB4] =	sst s10  }
0x38: {  	s10 =	sld [smem:$0x3FB5]  }
0x39: {  	_ = 	snop;
	(pc) =	sbr.ind lr, $3  }
0x3a: {  	_ = 	snop  }
0x3b: {  	_ = 	snop  }
0x3c: {  	p2 =	seq.s32 s10, $0x1;
	s10 =	sld [smem:$0x3FB4]  }
0x3d: {  	_ =	shalt  }
0x3e: {  	_ =	shalt  }
0x3f: {  	_ =	shalt  }
0x40: {  	_ =	shalt  }
0x41: {  	_ =	shalt  }
0x42: {  	_ =	shalt  }
0x43: {  	_ =	shalt  }
0x44: {  	_ =	shalt  }
0x45: {  	_ =	shalt  }
0x46: {  	_ =	shalt  }
0x47: {  	_ =	shalt  }
0x48: {  	_ =	shalt  }
0x49: {  	_ =	shalt  }
0x4a: {  	_ =	shalt  }
0x4b: {  	_ =	shalt  }
0x4c: {  	_ =	shalt  }
0x4d: {  	_ =	shalt  }
0x4e: {  	_ =	shalt  }
0x4f: {  	_ =	shalt  }
0x50: {  	_ =	shalt  }
0x51: {  	_ =	shalt  }
0x52: {  	_ =	shalt  }
0x53: {  	_ =	shalt  }
0x54: {  	_ =	shalt  }
0x55: {  	_ =	shalt  }
0x56: {  	_ =	shalt  }
0x57: {  	_ =	shalt  }
0x58: {  	_ =	shalt  }
0x59: {  	_ =	shalt  }
0x5a: {  	_ =	shalt  }
0x5b: {  	_ =	shalt  }
0x5c: {  	_ =	shalt  }
0x5d: {  	_ =	shalt  }
0x5e: {  	_ =	shalt  }
0x5f: {  	_ =	shalt  }
0x60: {  	_ =	shalt  }
0x61: {  	_ =	shalt  }
0x62: {  	_ =	shalt  }
0x63: {  	_ =	shalt  }
0x64: {  	_ =	shalt  }
0x65: {  	_ =	shalt  }
0x66: {  	_ =	shalt  }
0x67: {  	_ =	shalt  }
0x68: {  	_ =	shalt  }
0x69: {  	_ =	shalt  }
0x6a: {  	_ =	shalt  }
0x6b: {  	_ =	shalt  }
0x6c: {  	_ =	shalt  }
0x6d: {  	_ =	shalt  }
0x6e: {  	_ =	shalt  }
0x6f: {  	_ =	shalt  }
0x70: {  	_ =	shalt  }
0x71: {  	_ =	shalt  }
0x72: {  	_ =	shalt  }
0x73: {  	_ =	shalt  }
0x74: {  	_ =	shalt  }
0x75: {  	_ =	shalt  }
0x76: {  	_ =	shalt  }
0x77: {  	_ =	shalt  }
0x78: {  	_ =	shalt  }
0x79: {  	_ =	shalt  }
0x7a: {  	_ =	shalt  }
0x7b: {  	_ =	shalt  }
0x7c: {  	_ =	shalt  }
0x7d: {  	_ =	shalt  }
0x7e: {  	_ =	shalt  }
0x7f: {  	_ =	shalt  }
0x80: {  	_ =	shalt  }
0x81: {  	_ =	shalt  }
0x82: {  	_ =	shalt  }
0x83: {  	_ =	shalt  }
0x84: {  	_ =	shalt  }
0x85: {  	_ =	shalt  }
0x86: {  	_ =	shalt  }
0x87: {  	_ =	shalt  }
.Lfunc_end0:
.L_simem_size_0:
called_computation_lowered:
.L_overlay_start_0:
0x88: {  	s2 =	sld [smem:$0x3FD9]  }
0x89: {  	s3 =	sld [smem:$0x3FFE];
	_ =	sdelay $0x1  }
0x8a: {  	s1 =	srdreg.scid  }
0x8b: {  	s0 =	sand.u32 $0x1, s1  }
0x8c: {  	s17 =	sshll.u32 s0, $0xA;
	s2 =	sadd.s32 s3, s2  }
0x8d: {  	s2 =	sadd.s32 s2, s17  }
0x8e: {  	[smem:$0x3FC0] =	sst s2  }
0x8f: {  	_ = 	snop  }
0x90: {  	s2 =	sld [smem:$0x3FD0];
	(tm) =	ssettm $0x1  }
0x91: {  	s18 =	sld [smem:$0x3FFB];
	_ =	sdelay $0x3  }
0x92: {  	_ =	strace s18  }
0x93: {  	s3 =	sld [smem:$0x3FFC];
	_ =	sdelay $0x3  }
0x94: {  	_ =	strace s3  }
0x95: {  	s3 =	sld [smem:$0x3FFD];
	_ =	sdelay $0x3  }
0x96: {  	_ =	strace s3  }
0x97: {  	_ =	strace $0x8FFFFFFF  }
0x98: {  	s19 =	sld [smem:$0x3FDB];
	_ =	sdelay $0x1  }
0x99: {  	s4 =	simm.s32 $_scs_section_size  }
0x9a: {  	s5 =	simm.s32 $_size__tile_overlayer_lowered;
	s6 =	simm.s32 $_tile_overlayer_lowered  }
0x9b: {  	s22 =	simm.s32 $0x1BFF;
	s21 =	sshll.u32 s6, $0x1;
	s3 =	sadd.s32 s4, s19  }
0x9c: {  	s7 =	simm.s32 $0x0;
	s20 =	sshll.u32 s5, $0x1;
	s5 =	sadd.s32 s21, s3  }
0x9d: {  	[timem:s7], [sflag:s22] =	dma.local [hbm:s5], s20  }
0x9e: {  	_ =	swait.ge [sflag:s22], s20  }
0x9f: {  	s4 =	ssub.s32 $0x0, s20;
	[sflag:s22] =	ssyncset.done $0x0  }
0xa0: {  	[sflag:s22] =	ssyncadd.s32 s4;
	_ =	sdelay $0x1  }
0xa1: {  	s23 =	simm.s32 $0x1B8B  }
0xa2: {  	_ =	swait.ge [sflag:s23], $0x1  }
0xa3: {  	[sflag:s23] =	ssyncset.done $0x0  }
0xa4: {  	s25 =	simm.s32 $0x1B8E;
	s24 =	sld [smem:$0x3FFE];
	[sflag:s23] =	ssyncadd.s32 $0xFFFFFFFF  }
0xa5: {  	s26 =	simm.s32 $execute0_lowered;
	[smem:$0x3FD2] =	sst s25  }
0xa6: {  	s5 =	sshll.u32 s26, $0x1;
	_ =	strace $0x80000046;
	[dreg:$0x1] =	wrdreg $0xFFFFFFFF  }
0xa7: {  	s28 =	simm.s32 $_size_execute0_lowered;
	s3 =	sadd.s32 s3, s5;
	[dreg:$0x0] =	wrdreg $0x0  }
0xa8: {  	s5 =	sshll.u32 s28, $0x1;
	[dreg:$0x2] =	wrdreg s3  }
0xa9: {  	[dreg:$0x3] =	wrdreg s5  }
0xaa: {  	[dreg:$0x4] =	wrdreg $0xC0  }
0xab: {  	_ =	task [dreg:s7], $0x5FFFF  }
0xac: {  	[dreg:$0x1] =	wrdreg $0xFFFFFFFF  }
0xad: {  	[dreg:$0x0] =	wrdreg $0x60  }
0xae: {  	[dreg:$0x2] =	wrdreg s24  }
0xaf: {  	[dreg:$0x3] =	wrdreg s2  }
0xb0: {  	[dreg:$0x4] =	wrdreg $0x9  }
0xb1: {  	_ =	task.clear_ibuf [dreg:s7], $0x5FFFF;
	_ =	strace $0x90000046  }
0xb2: {  	s29 =	simm.s32 $0x9;
	_ =	strace $0x80000048  }
0xb3: {  	_ =	swait.ge [sflag:s29], $0x1  }
0xb4: {  	[sflag:s29] =	ssyncadd.s32 $0xFFFFFFFF  }
0xb5: {  	_ =	strace $0x90000048  }
0xb6: {  	_ =	sfence  }
0xb7: {  	s30 =	sld [smem:$0x0];
	_ =	sdelay $0x2  }
0xb8: {  	s31 =	sshll.u32 s1, $0xD;
	s1 =	sshrl.u32 s1, $0x2  }
0xb9: {  	s3 =	sand.u32 $0x4000, s31;
	s1 =	sadd.s32 s1, s30  }
0xba: {  	s0 =	sor.u32 s3, s0;
	s1 =	sshll.u32 s1, $0x11  }
0xbb: {  	s0 =	sor.u32 s1, s0  }
0xbc: {  	s0 =	sadd.s32 $0x8F2B, s0  }
0xbd: {  	[sflag:s0] =	ssyncadd.remote.s32 $0x1  }
0xbe: {  	_ =	sfence.sel $0xFFFF  }
0xbf: {  	[dreg:$0x0] =	wrdreg $0xFFFFFFFF;
	(pc) =	sbr.abs _section_cstart, $3  }
0xc0: {  	[dreg:$0x1] =	wrdreg $0xFFFFFFFF  }
0xc1: {  	_ =	task.clear_ibuf [dreg:s7], $0x2FFFF;
	_ =	strace $0x9FFFFFFF  }
0xc2: {  	(tm) =	ssettm $0x7FFFFFFF  }
0xc3: {  	_ =	shalt  }
tec
execute0_lowered:
.L_overlay_start_1:
0x0: {  	(tag) =	ssettag $0x1  }
0x1: {  	v3 =	vlaneseq.u32  }
0x2: {  	v3 =	vshrl.u32 v3, $0x3  }
0x3: {  	v2 =	vimm.f32 $0.0e+00;
	v4 =	vor.u32 $0x80, v3;
	v7 =	vor.u32 $0x4, v3  }
0x4: {  	v8 =	vor.u32 $0x84, v3;
	v9 =	vor.u32 $0x6, v3;
	v10 =	vor.u32 $0x86, v3  }
0x5: {  	v11 =	vor.u32 $0x8, v3;
	v12 =	vor.u32 $0x88, v3;
	v13 =	vor.u32 $0xA, v3  }
0x6: {  	v14 =	vor.u32 $0x8A, v3;
	v15 =	vor.u32 $0xC, v3;
	v16 =	vor.u32 $0x8C, v3  }
0x7: {  	v17 =	vor.u32 $0xE, v3;
	v18 =	vor.u32 $0x8E, v3;
	v19 =	vor.u32 $0x10, v3  }
0x8: {  	v20 =	vor.u32 $0x90, v3;
	v21 =	vor.u32 $0x12, v3;
	v22 =	vor.u32 $0x92, v3  }
0x9: {  	v23 =	vor.u32 $0x14, v3;
	v24 =	vor.u32 $0x94, v3;
	v25 =	vor.u32 $0x16, v3  }
0xa: {  	v26 =	vor.u32 $0x96, v3;
	v27 =	vor.u32 $0x18, v3;
	v28 =	vor.u32 $0x98, v3  }
0xb: {  	v29 =	vor.u32 $0x1A, v3;
	v30 =	vor.u32 $0x9A, v3;
	v31 =	vor.u32 $0x1C, v3  }
0xc: {  	v32 =	vor.u32 $0x9C, v3;
	v33 =	vor.u32 $0x1E, v3;
	v34 =	vor.u32 $0x9E, v3  }
0xd: {  	v35 =	vor.u32 $0x20, v3;
	v36 =	vor.u32 $0xA0, v3;
	v37 =	vor.u32 $0x22, v3  }
0xe: {  	v38 =	vor.u32 $0xA2, v3;
	v39 =	vor.u32 $0x24, v3;
	v40 =	vor.u32 $0xA4, v3  }
0xf: {  	s1 =	srdreg.scid;
	v41 =	vor.u32 $0x26, v3;
	v42 =	vor.u32 $0xA6, v3;
	v43 =	vor.u32 $0x28, v3  }
0x10: {  	s0 =	stileid.u32;
	s5 =	rddreg [dreg:$0x0];
	v44 =	vor.u32 $0xA8, v3;
	v45 =	vor.u32 $0x2A, v3;
	v46 =	vor.u32 $0xAA, v3  }
0x11: {  	s6 =	rddreg [dreg:$0x1];
	s2 =	simm.s32 $0x0;
	s9 =	simm.s32 $0x800;
	v47 =	vor.u32 $0x2C, v3;
	v48 =	vor.u32 $0xAC, v3;
	v49 =	vor.u32 $0x2E, v3  }
0x12: {  	s3 =	sand.u32 $0x1, s1;
	s29 =	sshll.u32 s0, $0x1;
	[smem:$0x7FF] =	sst s2;
	v50 =	vor.u32 $0xAE, v3;
	v51 =	vor.u32 $0x30, v3;
	v52 =	vor.u32 $0xB0, v3  }
0x13: {  	s4 =	sor.u32 s3, s29;
	s7 =	ssub.s32 $0x2, s3;
	v53 =	vor.u32 $0x32, v3;
	v54 =	vor.u32 $0xB2, v3;
	s3 =	sadd.s32 $0x600, s5;
	v55 =	vor.u32 $0x34, v3  }
0x14: {  	v56 =	vor.u32 $0xB4, v3;
	v57 =	vor.u32 $0x36, v3;
	s1 =	sshll.u32 s4, $0x1;
	s30 =	sshllo.u32 s4, $0x1;
	[tilespmem:$0x1FFD0] =	vst v4;
	v4 =	vor.u32 $0x2, v3;
	s8 =	sshrl.u32 s7, $0x1  }
0x15: {  	v58 =	vor.u32 $0xB6, v3;
	s31 =	sshll.u32 s4, $0x5;
	s4 =	sadd.s32 $0x800, s5;
	v0 =	vmov s1;
	[tilespmem:$0x1FFE0] =	vst v4;
	v4 =	vor.u32 $0x82, v3;
	s1 =	rddreg [dreg:$0x2]  }
0x16: {  	v59 =	vor.u32 $0x38, v3;
	v60 =	vor.u32 $0xB8, v3;
	v61 =	vor.u32 $0x3A, v3;
	s7 =	ssub.s32 s7, s8;
	s5 =	sadd.s32 s6, s31;
	s8 =	simm.s32 $0x400;
	[tilespmem:$0x1FFF0] =	vst v4  }
0x17: {  	v62 =	vor.u32 $0xBA, v3;
	v63 =	vor.u32 $0x3C, v3;
	v1 =	vmov s30;
	s6 =	smax.u32 s7, $0x1;
	s7 =	simm.s32 $0x1;
	_ =	strace $0x80000047  }
.LBB2_1:
0x18: {  	[tilespmem:s2], [sflag:$0x1] =	stream.linear.gather [hbm4b:s3+s2], $0x400, $0x38;
	[tilespmem:$0x900] =	vst v63  }
0x19: {  	_ =	swait.ge [sflag:s7], $0x400  }
0x1a: {  	[sflag:s7] =	ssyncset.done $0x0  }
0x1b: {  	[sflag:s7] =	ssyncadd.s32 $0xFFFFFC00  }
0x1c: {  	[tilespmem:s8], [sflag:$0x1] =	stream.linear.gather [hbm4b:s4+s2], $0x400, $0x38;
	[tilespmem:$0x900] =	vst v63  }
0x1d: {  	_ =	swait.ge [sflag:s7], $0x400  }
0x1e: {  	[sflag:s7] =	ssyncset.done $0x0  }
0x1f: {  	[sflag:s7] =	ssyncadd.s32 $0xFFFFFC00  }
0x20: {  	[tilespmem:$0x800] =	vst v2  }
0x21: {  	[tilespmem:$0x810] =	vst v2  }
0x22: {  	[tilespmem:$0x820] =	vst v2  }
0x23: {  	[tilespmem:$0x830] =	vst v2  }
0x24: {  	[tilespmem:$0x840] =	vst v2;
	v4 =	vld [tilespmem:$0x0]  }
0x25: {  	[tilespmem:$0x850] =	vst v2  }
0x26: {  	[tilespmem:$0x860] =	vst v2  }
0x27: {  	[tilespmem:$0x870] =	vst v2  }
0x28: {  	[tilespmem:$0x880] =	vst v2  }
0x29: {  	[tilespmem:$0x890] =	vst v2;
	vm0 =	veq.s32 v4, v0;
	vm1 =	veq.s32 v4, v1;
	v4 =	vld [tilespmem:$0x1FFD0]  }
0x2a: {  	[tilespmem:$0x8A0] =	vst v2  }
0x2b: {  	[tilespmem:$0x8B0] =	vst v2;
	v5 =	vld [tilespmem:$0x400]  }
0x2c: {  	[tilespmem:$0x8C0] =	vst v2  }
0x2d: {  	[tilespmem:$0x8D0] =	vst v2  }
0x2e: {  	[tilespmem:$0x8E0] =	vst v2  }
0x2f: {  	[tilespmem:$0x8F0] =	vst v2  }
0x30: {  	[tilespmem:v3+s9+$0x0] =	vst.idx.add.f32.msk vm0, v5  }
0x31: {  	[tilespmem:v4+s9+$0x0] =	vst.idx.add.f32.msk vm1, v5  }
0x32: {  	v4 =	vld [tilespmem:$0x10];
	_ =	sdelay $0x4  }
0x33: {  	vm10 =	veq.s32 v4, v0;
	vm11 =	veq.s32 v4, v1;
	v4 =	vld [tilespmem:$0x1FFE0];
	_ =	sdelay $0x2  }
0x34: {  	v5 =	vld [tilespmem:$0x410];
	_ =	sdelay $0x4  }
0x35: {  	[tilespmem:v4+s9+$0x0] =	vst.idx.add.f32.msk vm10, v5  }
0x36: {  	v4 =	vld [tilespmem:$0x1FFF0];
	_ =	sdelay $0x7  }
0x37: {  	[tilespmem:v4+s9+$0x0] =	vst.idx.add.f32.msk vm11, v5  }
0x38: {  	v4 =	vld [tilespmem:$0x20];
	_ =	sdelay $0x4  }
0x39: {  	vm12 =	veq.s32 v4, v0  }
0x3a: {  	v5 =	vld [tilespmem:$0x420];
	vm13 =	veq.s32 v4, v1;
	_ =	sdelay $0x4  }
0x3b: {  	[tilespmem:v7+s9+$0x0] =	vst.idx.add.f32.msk vm12, v5  }
0x3c: {  	[tilespmem:v8+s9+$0x0] =	vst.idx.add.f32.msk vm13, v5  }
0x3d: {  	v4 =	vld [tilespmem:$0x30];
	_ =	sdelay $0x4  }
0x3e: {  	vm14 =	veq.s32 v4, v0  }
0x3f: {  	v5 =	vld [tilespmem:$0x430];
	vm15 =	veq.s32 v4, v1;
	_ =	sdelay $0x4  }
0x40: {  	[tilespmem:v9+s9+$0x0] =	vst.idx.add.f32.msk vm14, v5  }
0x41: {  	[tilespmem:v10+s9+$0x0] =	vst.idx.add.f32.msk vm15, v5  }
0x42: {  	v4 =	vld [tilespmem:$0x40];
	_ =	sdelay $0x4  }
0x43: {  	vm4 =	veq.s32 v4, v0  }
0x44: {  	v5 =	vld [tilespmem:$0x440];
	vm5 =	veq.s32 v4, v1;
	_ =	sdelay $0x4  }
0x45: {  	[tilespmem:v11+s9+$0x0] =	vst.idx.add.f32.msk vm4, v5  }
0x46: {  	[tilespmem:v12+s9+$0x0] =	vst.idx.add.f32.msk vm5, v5  }
0x47: {  	v4 =	vld [tilespmem:$0x50];
	_ =	sdelay $0x4  }
0x48: {  	vm6 =	veq.s32 v4, v0  }
0x49: {  	v5 =	vld [tilespmem:$0x450];
	vm7 =	veq.s32 v4, v1;
	_ =	sdelay $0x4  }
0x4a: {  	[tilespmem:v13+s9+$0x0] =	vst.idx.add.f32.msk vm6, v5  }
0x4b: {  	[tilespmem:v14+s9+$0x0] =	vst.idx.add.f32.msk vm7, v5  }
0x4c: {  	v4 =	vld [tilespmem:$0x60];
	_ =	sdelay $0x4  }
0x4d: {  	vm8 =	veq.s32 v4, v0  }
0x4e: {  	v5 =	vld [tilespmem:$0x460];
	vm9 =	veq.s32 v4, v1;
	_ =	sdelay $0x4  }
0x4f: {  	[tilespmem:v15+s9+$0x0] =	vst.idx.add.f32.msk vm8, v5  }
0x50: {  	[tilespmem:v16+s9+$0x0] =	vst.idx.add.f32.msk vm9, v5  }
0x51: {  	v4 =	vld [tilespmem:$0x70];
	_ =	sdelay $0x4  }
0x52: {  	vm10 =	veq.s32 v4, v0  }
0x53: {  	v5 =	vld [tilespmem:$0x470];
	vm11 =	veq.s32 v4, v1;
	_ =	sdelay $0x4  }
0x54: {  	[tilespmem:v17+s9+$0x0] =	vst.idx.add.f32.msk vm10, v5  }
0x55: {  	[tilespmem:v18+s9+$0x0] =	vst.idx.add.f32.msk vm11, v5  }
0x56: {  	v4 =	vld [tilespmem:$0x80];
	_ =	sdelay $0x4  }
0x57: {  	vm12 =	veq.s32 v4, v0  }
0x58: {  	v5 =	vld [tilespmem:$0x480];
	vm13 =	veq.s32 v4, v1;
	_ =	sdelay $0x4  }
0x59: {  	[tilespmem:v19+s9+$0x0] =	vst.idx.add.f32.msk vm12, v5  }
0x5a: {  	[tilespmem:v20+s9+$0x0] =	vst.idx.add.f32.msk vm13, v5  }
0x5b: {  	v4 =	vld [tilespmem:$0x90];
	_ =	sdelay $0x4  }
0x5c: {  	vm14 =	veq.s32 v4, v0  }
0x5d: {  	v5 =	vld [tilespmem:$0x490];
	vm15 =	veq.s32 v4, v1;
	_ =	sdelay $0x4  }
0x5e: {  	[tilespmem:v21+s9+$0x0] =	vst.idx.add.f32.msk vm14, v5  }
0x5f: {  	[tilespmem:v22+s9+$0x0] =	vst.idx.add.f32.msk vm15, v5  }
0x60: {  	v4 =	vld [tilespmem:$0xA0];
	_ =	sdelay $0x4  }
0x61: {  	vm4 =	veq.s32 v4, v0  }
0x62: {  	v5 =	vld [tilespmem:$0x4A0];
	vm5 =	veq.s32 v4, v1;
	_ =	sdelay $0x4  }
0x63: {  	[tilespmem:v23+s9+$0x0] =	vst.idx.add.f32.msk vm4, v5  }
0x64: {  	[tilespmem:v24+s9+$0x0] =	vst.idx.add.f32.msk vm5, v5  }
0x65: {  	v4 =	vld [tilespmem:$0xB0];
	_ =	sdelay $0x4  }
0x66: {  	vm6 =	veq.s32 v4, v0  }
0x67: {  	v5 =	vld [tilespmem:$0x4B0];
	vm7 =	veq.s32 v4, v1;
	_ =	sdelay $0x4  }
0x68: {  	[tilespmem:v25+s9+$0x0] =	vst.idx.add.f32.msk vm6, v5  }
0x69: {  	[tilespmem:v26+s9+$0x0] =	vst.idx.add.f32.msk vm7, v5  }
0x6a: {  	v4 =	vld [tilespmem:$0xC0];
	_ =	sdelay $0x4  }
0x6b: {  	vm8 =	veq.s32 v4, v0  }
0x6c: {  	v5 =	vld [tilespmem:$0x4C0];
	vm9 =	veq.s32 v4, v1;
	_ =	sdelay $0x4  }
0x6d: {  	[tilespmem:v27+s9+$0x0] =	vst.idx.add.f32.msk vm8, v5  }
0x6e: {  	[tilespmem:v28+s9+$0x0] =	vst.idx.add.f32.msk vm9, v5  }
0x6f: {  	v4 =	vld [tilespmem:$0xD0];
	_ =	sdelay $0x4  }
0x70: {  	vm10 =	veq.s32 v4, v0  }
0x71: {  	v5 =	vld [tilespmem:$0x4D0];
	vm11 =	veq.s32 v4, v1;
	_ =	sdelay $0x4  }
0x72: {  	[tilespmem:v29+s9+$0x0] =	vst.idx.add.f32.msk vm10, v5  }
0x73: {  	[tilespmem:v30+s9+$0x0] =	vst.idx.add.f32.msk vm11, v5  }
0x74: {  	v4 =	vld [tilespmem:$0xE0];
	_ =	sdelay $0x4  }
0x75: {  	vm12 =	veq.s32 v4, v0  }
0x76: {  	v5 =	vld [tilespmem:$0x4E0];
	vm13 =	veq.s32 v4, v1;
	_ =	sdelay $0x4  }
0x77: {  	[tilespmem:v31+s9+$0x0] =	vst.idx.add.f32.msk vm12, v5  }
0x78: {  	[tilespmem:v32+s9+$0x0] =	vst.idx.add.f32.msk vm13, v5  }
0x79: {  	v4 =	vld [tilespmem:$0xF0];
	_ =	sdelay $0x4  }
0x7a: {  	vm14 =	veq.s32 v4, v0  }
0x7b: {  	v5 =	vld [tilespmem:$0x4F0];
	vm15 =	veq.s32 v4, v1;
	_ =	sdelay $0x4  }
0x7c: {  	[tilespmem:v33+s9+$0x0] =	vst.idx.add.f32.msk vm14, v5  }
0x7d: {  	[tilespmem:v34+s9+$0x0] =	vst.idx.add.f32.msk vm15, v5  }
0x7e: {  	v4 =	vld [tilespmem:$0x100];
	_ =	sdelay $0x4  }
0x7f: {  	vm4 =	veq.s32 v4, v0  }
0x80: {  	v5 =	vld [tilespmem:$0x500];
	vm5 =	veq.s32 v4, v1;
	_ =	sdelay $0x4  }
0x81: {  	[tilespmem:v35+s9+$0x0] =	vst.idx.add.f32.msk vm4, v5  }
0x82: {  	[tilespmem:v36+s9+$0x0] =	vst.idx.add.f32.msk vm5, v5  }
0x83: {  	v4 =	vld [tilespmem:$0x110];
	_ =	sdelay $0x4  }
0x84: {  	vm6 =	veq.s32 v4, v0  }
0x85: {  	v5 =	vld [tilespmem:$0x510];
	vm7 =	veq.s32 v4, v1;
	_ =	sdelay $0x4  }
0x86: {  	[tilespmem:v37+s9+$0x0] =	vst.idx.add.f32.msk vm6, v5  }
0x87: {  	[tilespmem:v38+s9+$0x0] =	vst.idx.add.f32.msk vm7, v5  }
0x88: {  	v4 =	vld [tilespmem:$0x120];
	_ =	sdelay $0x4  }
0x89: {  	vm8 =	veq.s32 v4, v0  }
0x8a: {  	v5 =	vld [tilespmem:$0x520];
	vm9 =	veq.s32 v4, v1;
	_ =	sdelay $0x4  }
0x8b: {  	[tilespmem:v39+s9+$0x0] =	vst.idx.add.f32.msk vm8, v5  }
0x8c: {  	[tilespmem:v40+s9+$0x0] =	vst.idx.add.f32.msk vm9, v5  }
0x8d: {  	v4 =	vld [tilespmem:$0x130];
	_ =	sdelay $0x4  }
0x8e: {  	vm10 =	veq.s32 v4, v0  }
0x8f: {  	v5 =	vld [tilespmem:$0x530];
	vm11 =	veq.s32 v4, v1;
	_ =	sdelay $0x4  }
0x90: {  	[tilespmem:v41+s9+$0x0] =	vst.idx.add.f32.msk vm10, v5  }
0x91: {  	[tilespmem:v42+s9+$0x0] =	vst.idx.add.f32.msk vm11, v5  }
0x92: {  	v4 =	vld [tilespmem:$0x140];
	_ =	sdelay $0x4  }
0x93: {  	vm12 =	veq.s32 v4, v0  }
0x94: {  	v5 =	vld [tilespmem:$0x540];
	vm13 =	veq.s32 v4, v1;
	_ =	sdelay $0x4  }
0x95: {  	[tilespmem:v43+s9+$0x0] =	vst.idx.add.f32.msk vm12, v5  }
0x96: {  	[tilespmem:v44+s9+$0x0] =	vst.idx.add.f32.msk vm13, v5  }
0x97: {  	v4 =	vld [tilespmem:$0x150];
	_ =	sdelay $0x4  }
0x98: {  	vm14 =	veq.s32 v4, v0  }
0x99: {  	v5 =	vld [tilespmem:$0x550];
	vm15 =	veq.s32 v4, v1;
	_ =	sdelay $0x4  }
0x9a: {  	[tilespmem:v45+s9+$0x0] =	vst.idx.add.f32.msk vm14, v5  }
0x9b: {  	[tilespmem:v46+s9+$0x0] =	vst.idx.add.f32.msk vm15, v5  }
0x9c: {  	v4 =	vld [tilespmem:$0x160];
	_ =	sdelay $0x4  }
0x9d: {  	vm4 =	veq.s32 v4, v0  }
0x9e: {  	v5 =	vld [tilespmem:$0x560];
	vm5 =	veq.s32 v4, v1;
	_ =	sdelay $0x4  }
0x9f: {  	[tilespmem:v47+s9+$0x0] =	vst.idx.add.f32.msk vm4, v5  }
0xa0: {  	[tilespmem:v48+s9+$0x0] =	vst.idx.add.f32.msk vm5, v5  }
0xa1: {  	v4 =	vld [tilespmem:$0x170];
	_ =	sdelay $0x4  }
0xa2: {  	vm6 =	veq.s32 v4, v0  }
0xa3: {  	v5 =	vld [tilespmem:$0x570];
	vm7 =	veq.s32 v4, v1;
	_ =	sdelay $0x4  }
0xa4: {  	[tilespmem:v49+s9+$0x0] =	vst.idx.add.f32.msk vm6, v5  }
0xa5: {  	[tilespmem:v50+s9+$0x0] =	vst.idx.add.f32.msk vm7, v5  }
0xa6: {  	v4 =	vld [tilespmem:$0x180];
	_ =	sdelay $0x4  }
0xa7: {  	vm8 =	veq.s32 v4, v0  }
0xa8: {  	v5 =	vld [tilespmem:$0x580];
	vm9 =	veq.s32 v4, v1;
	_ =	sdelay $0x4  }
0xa9: {  	[tilespmem:v51+s9+$0x0] =	vst.idx.add.f32.msk vm8, v5  }
0xaa: {  	[tilespmem:v52+s9+$0x0] =	vst.idx.add.f32.msk vm9, v5  }
0xab: {  	v4 =	vld [tilespmem:$0x190];
	_ =	sdelay $0x4  }
0xac: {  	vm10 =	veq.s32 v4, v0  }
0xad: {  	v5 =	vld [tilespmem:$0x590];
	vm11 =	veq.s32 v4, v1;
	_ =	sdelay $0x4  }
0xae: {  	[tilespmem:v53+s9+$0x0] =	vst.idx.add.f32.msk vm10, v5  }
0xaf: {  	[tilespmem:v54+s9+$0x0] =	vst.idx.add.f32.msk vm11, v5  }
0xb0: {  	v4 =	vld [tilespmem:$0x1A0];
	_ =	sdelay $0x4  }
0xb1: {  	vm12 =	veq.s32 v4, v0  }
0xb2: {  	v5 =	vld [tilespmem:$0x5A0];
	vm13 =	veq.s32 v4, v1;
	_ =	sdelay $0x4  }
0xb3: {  	[tilespmem:v55+s9+$0x0] =	vst.idx.add.f32.msk vm12, v5  }
0xb4: {  	[tilespmem:v56+s9+$0x0] =	vst.idx.add.f32.msk vm13, v5  }
0xb5: {  	v4 =	vld [tilespmem:$0x1B0];
	_ =	sdelay $0x4  }
0xb6: {  	vm14 =	veq.s32 v4, v0  }
0xb7: {  	v5 =	vld [tilespmem:$0x5B0];
	vm15 =	veq.s32 v4, v1;
	_ =	sdelay $0x4  }
0xb8: {  	[tilespmem:v57+s9+$0x0] =	vst.idx.add.f32.msk vm14, v5  }
0xb9: {  	[tilespmem:v58+s9+$0x0] =	vst.idx.add.f32.msk vm15, v5  }
0xba: {  	v4 =	vld [tilespmem:$0x1C0];
	_ =	sdelay $0x4  }
0xbb: {  	vm4 =	veq.s32 v4, v0  }
0xbc: {  	v5 =	vld [tilespmem:$0x5C0];
	vm5 =	veq.s32 v4, v1;
	_ =	sdelay $0x4  }
0xbd: {  	[tilespmem:v59+s9+$0x0] =	vst.idx.add.f32.msk vm4, v5  }
0xbe: {  	[tilespmem:v60+s9+$0x0] =	vst.idx.add.f32.msk vm5, v5  }
0xbf: {  	v4 =	vld [tilespmem:$0x1D0];
	_ =	sdelay $0x4  }
0xc0: {  	vm6 =	veq.s32 v4, v0  }
0xc1: {  	v5 =	vld [tilespmem:$0x5D0];
	vm7 =	veq.s32 v4, v1;
	_ =	sdelay $0x4  }
0xc2: {  	[tilespmem:v61+s9+$0x0] =	vst.idx.add.f32.msk vm6, v5  }
0xc3: {  	[tilespmem:v62+s9+$0x0] =	vst.idx.add.f32.msk vm7, v5  }
0xc4: {  	v4 =	vld [tilespmem:$0x1E0];
	_ =	sdelay $0x4  }
0xc5: {  	vm8 =	veq.s32 v4, v0  }
0xc6: {  	v5 =	vld [tilespmem:$0x5E0];
	vm9 =	veq.s32 v4, v1  }
0xc7: {  	v4 =	vor.u32 $0xBC, v3;
	_ =	sdelay $0x3  }
0xc8: {  	[tilespmem:v63+s9+$0x0] =	vst.idx.add.f32.msk vm8, v5  }
0xc9: {  	[tilespmem:v4+s9+$0x0] =	vst.idx.add.f32.msk vm9, v5  }
0xca: {  	v4 =	vld [tilespmem:$0x1F0];
	_ =	sdelay $0x4  }
0xcb: {  	vm10 =	veq.s32 v4, v0  }
0xcc: {  	v6 =	vor.u32 $0x3E, v3;
	v5 =	vld [tilespmem:$0x5F0];
	vm11 =	veq.s32 v4, v1  }
0xcd: {  	v4 =	vor.u32 $0xBE, v3;
	_ =	sdelay $0x3  }
0xce: {  	[tilespmem:v6+s9+$0x0] =	vst.idx.add.f32.msk vm10, v5  }
0xcf: {  	[tilespmem:v4+s9+$0x0] =	vst.idx.add.f32.msk vm11, v5  }
0xd0: {  	v4 =	vld [tilespmem:$0x200];
	_ =	sdelay $0x4  }
0xd1: {  	vm12 =	veq.s32 v4, v0  }
0xd2: {  	v6 =	vor.u32 $0x40, v3;
	v5 =	vld [tilespmem:$0x600];
	vm13 =	veq.s32 v4, v1  }
0xd3: {  	v4 =	vor.u32 $0xC0, v3;
	_ =	sdelay $0x3  }
0xd4: {  	[tilespmem:v6+s9+$0x0] =	vst.idx.add.f32.msk vm12, v5  }
0xd5: {  	[tilespmem:v4+s9+$0x0] =	vst.idx.add.f32.msk vm13, v5  }
0xd6: {  	v4 =	vld [tilespmem:$0x210];
	_ =	sdelay $0x4  }
0xd7: {  	vm14 =	veq.s32 v4, v0  }
0xd8: {  	v6 =	vor.u32 $0x42, v3;
	v5 =	vld [tilespmem:$0x610];
	vm15 =	veq.s32 v4, v1  }
0xd9: {  	v4 =	vor.u32 $0xC2, v3;
	_ =	sdelay $0x3  }
0xda: {  	[tilespmem:v6+s9+$0x0] =	vst.idx.add.f32.msk vm14, v5  }
0xdb: {  	[tilespmem:v4+s9+$0x0] =	vst.idx.add.f32.msk vm15, v5  }
0xdc: {  	v4 =	vld [tilespmem:$0x220];
	_ =	sdelay $0x4  }
0xdd: {  	vm4 =	veq.s32 v4, v0  }
0xde: {  	v6 =	vor.u32 $0x44, v3;
	v5 =	vld [tilespmem:$0x620];
	vm5 =	veq.s32 v4, v1  }
0xdf: {  	v4 =	vor.u32 $0xC4, v3;
	_ =	sdelay $0x3  }
0xe0: {  	[tilespmem:v6+s9+$0x0] =	vst.idx.add.f32.msk vm4, v5  }
0xe1: {  	[tilespmem:v4+s9+$0x0] =	vst.idx.add.f32.msk vm5, v5  }
0xe2: {  	v4 =	vld [tilespmem:$0x230];
	_ =	sdelay $0x4  }
0xe3: {  	vm6 =	veq.s32 v4, v0  }
0xe4: {  	v6 =	vor.u32 $0x46, v3;
	v5 =	vld [tilespmem:$0x630];
	vm7 =	veq.s32 v4, v1  }
0xe5: {  	v4 =	vor.u32 $0xC6, v3;
	_ =	sdelay $0x3  }
0xe6: {  	[tilespmem:v6+s9+$0x0] =	vst.idx.add.f32.msk vm6, v5  }
0xe7: {  	[tilespmem:v4+s9+$0x0] =	vst.idx.add.f32.msk vm7, v5  }
0xe8: {  	v4 =	vld [tilespmem:$0x240];
	_ =	sdelay $0x4  }
0xe9: {  	vm8 =	veq.s32 v4, v0  }
0xea: {  	v6 =	vor.u32 $0x48, v3;
	v5 =	vld [tilespmem:$0x640];
	vm9 =	veq.s32 v4, v1  }
0xeb: {  	v4 =	vor.u32 $0xC8, v3;
	_ =	sdelay $0x3  }
0xec: {  	[tilespmem:v6+s9+$0x0] =	vst.idx.add.f32.msk vm8, v5  }
0xed: {  	[tilespmem:v4+s9+$0x0] =	vst.idx.add.f32.msk vm9, v5  }
0xee: {  	v4 =	vld [tilespmem:$0x250];
	_ =	sdelay $0x4  }
0xef: {  	vm10 =	veq.s32 v4, v0  }
0xf0: {  	v6 =	vor.u32 $0x4A, v3;
	v5 =	vld [tilespmem:$0x650];
	vm11 =	veq.s32 v4, v1  }
0xf1: {  	v4 =	vor.u32 $0xCA, v3;
	_ =	sdelay $0x3  }
0xf2: {  	[tilespmem:v6+s9+$0x0] =	vst.idx.add.f32.msk vm10, v5  }
0xf3: {  	[tilespmem:v4+s9+$0x0] =	vst.idx.add.f32.msk vm11, v5  }
0xf4: {  	v4 =	vld [tilespmem:$0x260];
	_ =	sdelay $0x4  }
0xf5: {  	vm12 =	veq.s32 v4, v0  }
0xf6: {  	v6 =	vor.u32 $0x4C, v3;
	v5 =	vld [tilespmem:$0x660];
	vm13 =	veq.s32 v4, v1  }
0xf7: {  	v4 =	vor.u32 $0xCC, v3;
	_ =	sdelay $0x3  }
0xf8: {  	[tilespmem:v6+s9+$0x0] =	vst.idx.add.f32.msk vm12, v5  }
0xf9: {  	[tilespmem:v4+s9+$0x0] =	vst.idx.add.f32.msk vm13, v5  }
0xfa: {  	v4 =	vld [tilespmem:$0x270];
	_ =	sdelay $0x4  }
0xfb: {  	vm14 =	veq.s32 v4, v0  }
0xfc: {  	v6 =	vor.u32 $0x4E, v3;
	v5 =	vld [tilespmem:$0x670];
	vm15 =	veq.s32 v4, v1  }
0xfd: {  	v4 =	vor.u32 $0xCE, v3;
	_ =	sdelay $0x3  }
0xfe: {  	[tilespmem:v6+s9+$0x0] =	vst.idx.add.f32.msk vm14, v5  }
0xff: {  	[tilespmem:v4+s9+$0x0] =	vst.idx.add.f32.msk vm15, v5  }
0x100: {  	v4 =	vld [tilespmem:$0x280];
	_ =	sdelay $0x4  }
0x101: {  	vm4 =	veq.s32 v4, v0  }
0x102: {  	v6 =	vor.u32 $0x50, v3;
	v5 =	vld [tilespmem:$0x680];
	vm5 =	veq.s32 v4, v1  }
0x103: {  	v4 =	vor.u32 $0xD0, v3;
	_ =	sdelay $0x3  }
0x104: {  	[tilespmem:v6+s9+$0x0] =	vst.idx.add.f32.msk vm4, v5  }
0x105: {  	[tilespmem:v4+s9+$0x0] =	vst.idx.add.f32.msk vm5, v5  }
0x106: {  	v4 =	vld [tilespmem:$0x290];
	_ =	sdelay $0x4  }
0x107: {  	vm6 =	veq.s32 v4, v0  }
0x108: {  	v6 =	vor.u32 $0x52, v3;
	v5 =	vld [tilespmem:$0x690];
	vm7 =	veq.s32 v4, v1  }
0x109: {  	v4 =	vor.u32 $0xD2, v3;
	_ =	sdelay $0x3  }
0x10a: {  	[tilespmem:v6+s9+$0x0] =	vst.idx.add.f32.msk vm6, v5  }
0x10b: {  	[tilespmem:v4+s9+$0x0] =	vst.idx.add.f32.msk vm7, v5  }
0x10c: {  	v4 =	vld [tilespmem:$0x2A0];
	_ =	sdelay $0x4  }
0x10d: {  	vm8 =	veq.s32 v4, v0  }
0x10e: {  	v6 =	vor.u32 $0x54, v3;
	v5 =	vld [tilespmem:$0x6A0];
	vm9 =	veq.s32 v4, v1  }
0x10f: {  	v4 =	vor.u32 $0xD4, v3;
	_ =	sdelay $0x3  }
0x110: {  	[tilespmem:v6+s9+$0x0] =	vst.idx.add.f32.msk vm8, v5  }
0x111: {  	[tilespmem:v4+s9+$0x0] =	vst.idx.add.f32.msk vm9, v5  }
0x112: {  	v4 =	vld [tilespmem:$0x2B0];
	_ =	sdelay $0x4  }
0x113: {  	vm10 =	veq.s32 v4, v0  }
0x114: {  	v6 =	vor.u32 $0x56, v3;
	v5 =	vld [tilespmem:$0x6B0];
	vm11 =	veq.s32 v4, v1  }
0x115: {  	v4 =	vor.u32 $0xD6, v3;
	_ =	sdelay $0x3  }
0x116: {  	[tilespmem:v6+s9+$0x0] =	vst.idx.add.f32.msk vm10, v5  }
0x117: {  	[tilespmem:v4+s9+$0x0] =	vst.idx.add.f32.msk vm11, v5  }
0x118: {  	v4 =	vld [tilespmem:$0x2C0];
	_ =	sdelay $0x4  }
0x119: {  	vm12 =	veq.s32 v4, v0  }
0x11a: {  	v6 =	vor.u32 $0x58, v3;
	v5 =	vld [tilespmem:$0x6C0];
	vm13 =	veq.s32 v4, v1  }
0x11b: {  	v4 =	vor.u32 $0xD8, v3;
	_ =	sdelay $0x3  }
0x11c: {  	[tilespmem:v6+s9+$0x0] =	vst.idx.add.f32.msk vm12, v5  }
0x11d: {  	[tilespmem:v4+s9+$0x0] =	vst.idx.add.f32.msk vm13, v5  }
0x11e: {  	v4 =	vld [tilespmem:$0x2D0];
	_ =	sdelay $0x4  }
0x11f: {  	vm14 =	veq.s32 v4, v0  }
0x120: {  	v6 =	vor.u32 $0x5A, v3;
	v5 =	vld [tilespmem:$0x6D0];
	vm15 =	veq.s32 v4, v1  }
0x121: {  	v4 =	vor.u32 $0xDA, v3;
	_ =	sdelay $0x3  }
0x122: {  	[tilespmem:v6+s9+$0x0] =	vst.idx.add.f32.msk vm14, v5  }
0x123: {  	[tilespmem:v4+s9+$0x0] =	vst.idx.add.f32.msk vm15, v5  }
0x124: {  	v4 =	vld [tilespmem:$0x2E0];
	_ =	sdelay $0x4  }
0x125: {  	vm4 =	veq.s32 v4, v0  }
0x126: {  	v6 =	vor.u32 $0x5C, v3;
	v5 =	vld [tilespmem:$0x6E0];
	vm5 =	veq.s32 v4, v1  }
0x127: {  	v4 =	vor.u32 $0xDC, v3;
	_ =	sdelay $0x3  }
0x128: {  	[tilespmem:v6+s9+$0x0] =	vst.idx.add.f32.msk vm4, v5  }
0x129: {  	[tilespmem:v4+s9+$0x0] =	vst.idx.add.f32.msk vm5, v5  }
0x12a: {  	v4 =	vld [tilespmem:$0x2F0];
	_ =	sdelay $0x4  }
0x12b: {  	vm6 =	veq.s32 v4, v0  }
0x12c: {  	v6 =	vor.u32 $0x5E, v3;
	v5 =	vld [tilespmem:$0x6F0];
	vm7 =	veq.s32 v4, v1  }
0x12d: {  	v4 =	vor.u32 $0xDE, v3;
	_ =	sdelay $0x3  }
0x12e: {  	[tilespmem:v6+s9+$0x0] =	vst.idx.add.f32.msk vm6, v5  }
0x12f: {  	[tilespmem:v4+s9+$0x0] =	vst.idx.add.f32.msk vm7, v5  }
0x130: {  	v4 =	vld [tilespmem:$0x300];
	_ =	sdelay $0x4  }
0x131: {  	vm8 =	veq.s32 v4, v0  }
0x132: {  	v6 =	vor.u32 $0x60, v3;
	v5 =	vld [tilespmem:$0x700];
	vm9 =	veq.s32 v4, v1  }
0x133: {  	v4 =	vor.u32 $0xE0, v3;
	_ =	sdelay $0x3  }
0x134: {  	[tilespmem:v6+s9+$0x0] =	vst.idx.add.f32.msk vm8, v5  }
0x135: {  	[tilespmem:v4+s9+$0x0] =	vst.idx.add.f32.msk vm9, v5  }
0x136: {  	v4 =	vld [tilespmem:$0x310];
	_ =	sdelay $0x4  }
0x137: {  	vm10 =	veq.s32 v4, v0  }
0x138: {  	v6 =	vor.u32 $0x62, v3;
	v5 =	vld [tilespmem:$0x710];
	vm11 =	veq.s32 v4, v1  }
0x139: {  	v4 =	vor.u32 $0xE2, v3;
	_ =	sdelay $0x3  }
0x13a: {  	[tilespmem:v6+s9+$0x0] =	vst.idx.add.f32.msk vm10, v5  }
0x13b: {  	[tilespmem:v4+s9+$0x0] =	vst.idx.add.f32.msk vm11, v5  }
0x13c: {  	v4 =	vld [tilespmem:$0x320];
	_ =	sdelay $0x4  }
0x13d: {  	vm12 =	veq.s32 v4, v0  }
0x13e: {  	v6 =	vor.u32 $0x64, v3;
	v5 =	vld [tilespmem:$0x720];
	vm13 =	veq.s32 v4, v1  }
0x13f: {  	v4 =	vor.u32 $0xE4, v3;
	_ =	sdelay $0x3  }
0x140: {  	[tilespmem:v6+s9+$0x0] =	vst.idx.add.f32.msk vm12, v5  }
0x141: {  	[tilespmem:v4+s9+$0x0] =	vst.idx.add.f32.msk vm13, v5  }
0x142: {  	v4 =	vld [tilespmem:$0x330];
	_ =	sdelay $0x4  }
0x143: {  	vm14 =	veq.s32 v4, v0  }
0x144: {  	v6 =	vor.u32 $0x66, v3;
	v5 =	vld [tilespmem:$0x730];
	vm15 =	veq.s32 v4, v1  }
0x145: {  	v4 =	vor.u32 $0xE6, v3;
	_ =	sdelay $0x3  }
0x146: {  	[tilespmem:v6+s9+$0x0] =	vst.idx.add.f32.msk vm14, v5  }
0x147: {  	[tilespmem:v4+s9+$0x0] =	vst.idx.add.f32.msk vm15, v5  }
0x148: {  	v4 =	vld [tilespmem:$0x340];
	_ =	sdelay $0x4  }
0x149: {  	vm4 =	veq.s32 v4, v0  }
0x14a: {  	v6 =	vor.u32 $0x68, v3;
	v5 =	vld [tilespmem:$0x740];
	vm5 =	veq.s32 v4, v1  }
0x14b: {  	v4 =	vor.u32 $0xE8, v3;
	_ =	sdelay $0x3  }
0x14c: {  	[tilespmem:v6+s9+$0x0] =	vst.idx.add.f32.msk vm4, v5  }
0x14d: {  	[tilespmem:v4+s9+$0x0] =	vst.idx.add.f32.msk vm5, v5  }
0x14e: {  	v4 =	vld [tilespmem:$0x350];
	_ =	sdelay $0x4  }
0x14f: {  	vm6 =	veq.s32 v4, v0  }
0x150: {  	v6 =	vor.u32 $0x6A, v3;
	v5 =	vld [tilespmem:$0x750];
	vm7 =	veq.s32 v4, v1  }
0x151: {  	v4 =	vor.u32 $0xEA, v3;
	_ =	sdelay $0x3  }
0x152: {  	[tilespmem:v6+s9+$0x0] =	vst.idx.add.f32.msk vm6, v5  }
0x153: {  	[tilespmem:v4+s9+$0x0] =	vst.idx.add.f32.msk vm7, v5  }
0x154: {  	v4 =	vld [tilespmem:$0x360];
	_ =	sdelay $0x4  }
0x155: {  	vm8 =	veq.s32 v4, v0  }
0x156: {  	v6 =	vor.u32 $0x6C, v3;
	v5 =	vld [tilespmem:$0x760];
	vm9 =	veq.s32 v4, v1  }
0x157: {  	v4 =	vor.u32 $0xEC, v3;
	_ =	sdelay $0x3  }
0x158: {  	[tilespmem:v6+s9+$0x0] =	vst.idx.add.f32.msk vm8, v5  }
0x159: {  	[tilespmem:v4+s9+$0x0] =	vst.idx.add.f32.msk vm9, v5  }
0x15a: {  	v4 =	vld [tilespmem:$0x370];
	_ =	sdelay $0x4  }
0x15b: {  	vm10 =	veq.s32 v4, v0  }
0x15c: {  	v6 =	vor.u32 $0x6E, v3;
	v5 =	vld [tilespmem:$0x770];
	vm11 =	veq.s32 v4, v1  }
0x15d: {  	v4 =	vor.u32 $0xEE, v3;
	_ =	sdelay $0x3  }
0x15e: {  	[tilespmem:v6+s9+$0x0] =	vst.idx.add.f32.msk vm10, v5  }
0x15f: {  	[tilespmem:v4+s9+$0x0] =	vst.idx.add.f32.msk vm11, v5  }
0x160: {  	v4 =	vld [tilespmem:$0x380];
	_ =	sdelay $0x4  }
0x161: {  	vm12 =	veq.s32 v4, v0  }
0x162: {  	v6 =	vor.u32 $0x70, v3;
	v5 =	vld [tilespmem:$0x780];
	vm13 =	veq.s32 v4, v1  }
0x163: {  	v4 =	vor.u32 $0xF0, v3;
	_ =	sdelay $0x3  }
0x164: {  	[tilespmem:v6+s9+$0x0] =	vst.idx.add.f32.msk vm12, v5  }
0x165: {  	[tilespmem:v4+s9+$0x0] =	vst.idx.add.f32.msk vm13, v5  }
0x166: {  	v4 =	vld [tilespmem:$0x390];
	_ =	sdelay $0x4  }
0x167: {  	vm14 =	veq.s32 v4, v0  }
0x168: {  	v6 =	vor.u32 $0x72, v3;
	v5 =	vld [tilespmem:$0x790];
	vm15 =	veq.s32 v4, v1  }
0x169: {  	v4 =	vor.u32 $0xF2, v3;
	_ =	sdelay $0x3  }
0x16a: {  	[tilespmem:v6+s9+$0x0] =	vst.idx.add.f32.msk vm14, v5  }
0x16b: {  	[tilespmem:v4+s9+$0x0] =	vst.idx.add.f32.msk vm15, v5  }
0x16c: {  	v4 =	vld [tilespmem:$0x3A0];
	_ =	sdelay $0x4  }
0x16d: {  	vm4 =	veq.s32 v4, v0  }
0x16e: {  	v6 =	vor.u32 $0x74, v3;
	v5 =	vld [tilespmem:$0x7A0];
	vm5 =	veq.s32 v4, v1  }
0x16f: {  	v4 =	vor.u32 $0xF4, v3;
	_ =	sdelay $0x3  }
0x170: {  	[tilespmem:v6+s9+$0x0] =	vst.idx.add.f32.msk vm4, v5  }
0x171: {  	[tilespmem:v4+s9+$0x0] =	vst.idx.add.f32.msk vm5, v5  }
0x172: {  	v4 =	vld [tilespmem:$0x3B0];
	_ =	sdelay $0x4  }
0x173: {  	vm6 =	veq.s32 v4, v0  }
0x174: {  	v6 =	vor.u32 $0x76, v3;
	v5 =	vld [tilespmem:$0x7B0];
	vm7 =	veq.s32 v4, v1  }
0x175: {  	v4 =	vor.u32 $0xF6, v3;
	_ =	sdelay $0x3  }
0x176: {  	[tilespmem:v6+s9+$0x0] =	vst.idx.add.f32.msk vm6, v5  }
0x177: {  	[tilespmem:v4+s9+$0x0] =	vst.idx.add.f32.msk vm7, v5  }
0x178: {  	v4 =	vld [tilespmem:$0x3C0];
	_ =	sdelay $0x4  }
0x179: {  	vm8 =	veq.s32 v4, v0  }
0x17a: {  	v6 =	vor.u32 $0x78, v3;
	v5 =	vld [tilespmem:$0x7C0];
	vm9 =	veq.s32 v4, v1  }
0x17b: {  	v4 =	vor.u32 $0xF8, v3;
	_ =	sdelay $0x3  }
0x17c: {  	[tilespmem:v6+s9+$0x0] =	vst.idx.add.f32.msk vm8, v5  }
0x17d: {  	[tilespmem:v4+s9+$0x0] =	vst.idx.add.f32.msk vm9, v5  }
0x17e: {  	v4 =	vld [tilespmem:$0x3D0];
	_ =	sdelay $0x4  }
0x17f: {  	vm10 =	veq.s32 v4, v0  }
0x180: {  	v6 =	vor.u32 $0x7A, v3;
	v5 =	vld [tilespmem:$0x7D0];
	vm11 =	veq.s32 v4, v1  }
0x181: {  	v4 =	vor.u32 $0xFA, v3;
	_ =	sdelay $0x3  }
0x182: {  	[tilespmem:v6+s9+$0x0] =	vst.idx.add.f32.msk vm10, v5  }
0x183: {  	[tilespmem:v4+s9+$0x0] =	vst.idx.add.f32.msk vm11, v5  }
0x184: {  	v4 =	vld [tilespmem:$0x3E0];
	_ =	sdelay $0x4  }
0x185: {  	vm12 =	veq.s32 v4, v0  }
0x186: {  	v6 =	vor.u32 $0x7C, v3;
	v5 =	vld [tilespmem:$0x7E0];
	vm13 =	veq.s32 v4, v1  }
0x187: {  	v4 =	vor.u32 $0xFC, v3;
	_ =	sdelay $0x3  }
0x188: {  	[tilespmem:v6+s9+$0x0] =	vst.idx.add.f32.msk vm12, v5  }
0x189: {  	[tilespmem:v4+s9+$0x0] =	vst.idx.add.f32.msk vm13, v5  }
0x18a: {  	v4 =	vld [tilespmem:$0x3F0];
	_ =	sdelay $0x4  }
0x18b: {  	vm14 =	veq.s32 v4, v0  }
0x18c: {  	v6 =	vor.u32 $0x7E, v3;
	v5 =	vld [tilespmem:$0x7F0];
	vm15 =	veq.s32 v4, v1  }
0x18d: {  	v4 =	vor.u32 $0xFE, v3;
	_ =	sdelay $0x3  }
0x18e: {  	p0 =	sne.s32 s6, $0x1;
	[tilespmem:v6+s9+$0x0] =	vst.idx.add.f32.msk vm14, v5  }
.Ltmp0:
0x18f: {  	[tilespmem:v4+s9+$0x0] =	vst.idx.add.f32.msk vm15, v5;
	(pc) =	sbr.rel @p0 .LBB2_1-.Ltmp0, $4  }
0x190: {  	[hbm4b:s5+s2] =	stream.linear.scatter [tilespmem:s9], [sflag:$0x1], $0x100, $0x38;
	[tilespmem:$0x900] =	vst v63  }
0x191: {  	_ =	swait.ge [sflag:s7], $0x100  }
0x192: {  	[sflag:s7] =	ssyncset.done $0x0  }
0x193: {  	s6 =	sadd.s32 $0xFFFFFFFF, s6;
	[sflag:s7] =	ssyncadd.s32 $0xFFFFFF00  }
0x194: {  	_ =	sfence.sel $0x180000  }
0x195: {  	[bflag:$0x0] =	sbarrier.arrive $0xFFFF  }
0x196: {  	p0 =	sne.s32 s0, $0x0;
	_ =	strace $0x90000047  }
0x197: {  	s0 =	sadd.s32 @!p0 $0x100000, s1;
	[bflag:$0x2] =	sbarrier.arrive $0xFFFF  }
0x198: {  	[sflag:s0] =	ssyncadd.tile.s32 @!p0 $0x1;
	_ =	shalt  }
.Lfunc_end2:
_tile_overlayer_lowered:
.L_overlay_start_2:
0x199: {  	(tag) =	ssettag $0x2  }
0x19a: {  	s0 =	rddreg [dreg:$0x0];
	s2 =	stileid.u32  }
0x19b: {  	s1 =	rddreg [dreg:$0x1];
	p0 =	sne.s32 s2, $0x0  }
0x19c: {  	s3 =	rddreg [dreg:$0x2];
	[bflag:$0x3] =	sbarrier.arrive $0xFFFF;
	s2 =	simm.s32 @!p0 $0x1C01  }
0x19d: {  	[timem:s3], [sflag:s2] =	dma.local @!p0 [hbm:s0], s1  }
0x19e: {  	s0 =	simm.s32 @!p0 $0x1  }
0x19f: {  	_ =	swait.ge @!p0 [sflag:s0], s1  }
0x1a0: {  	s1 =	ssub.s32 @!p0 $0x0, s1;
	[sflag:s0] =	ssyncset.done @!p0 $0x0  }
0x1a1: {  	[sflag:s0] =	ssyncadd.s32 @!p0 s1  }
0x1a2: {  	[bflag:$0x3] =	sbarrier.arrive $0xFFFF  }
0x1a3: {  	_ =	shalt  }

</sc_bundles>
